<compile_context>
chip_gen: v7x
topology: tpu7x:2x2x1
jax: 0.10.2.dev20260603
libtpu: 0.0.44.dev20260713+nightly
codegen_flags: <defaults>
</compile_context>

<pallas_src>
import functools

import jax
import jax.numpy as jnp
from jax import lax
from jax.experimental import pallas as pl
from jax.experimental.pallas import tpu as pltpu
from jax.experimental.pallas import tpu_sc as plsc

N = 10000
E = 320000
D = 128

NC = 2
NS = 16
NW = NC * NS
EPW = E // NW
C = 40
NCHUNK = EPW // C
KD = 10
NOUTD = NCHUNK // KD
K = 5
NOUT = NCHUNK // K
NPAD = 10240
RPT = NPAD // NS

_MESH = plsc.VectorSubcoreMesh(
    core_axis_name="c", subcore_axis_name="s", num_cores=NC, num_subcores=NS
)


def _worker(pfx=None):
    cid = lax.axis_index("c")
    sid = lax.axis_index("s")
    return sid * NC + cid, cid, sid


@functools.partial(
    pl.kernel,
    out_type=jax.ShapeDtypeStruct((NC, NPAD, 16), jnp.float32),
    mesh=_MESH,
    scratch_types=(
        [pltpu.VMEM((C, 16), jnp.float32)]
        + [pltpu.VMEM((C,), jnp.int32) for _ in range(KD)]
        + [pltpu.VMEM_SHARED((NPAD, 16), jnp.float32)]
        + [pltpu.SemaphoreType.DMA for _ in range(2 * KD)]
    ),
)
def _deg_pass(dst_hbm, ones_hbm, zeros_hbm, out_hbm, *scr):
    ones_v = scr[0]
    didx = scr[1:1 + KD]
    acc_sh = scr[1 + KD]
    dsem = scr[2 + KD:2 + 2 * KD]
    ssem = scr[2 + 2 * KD:2 + 3 * KD]
    w, cid, sid = _worker()
    r0 = sid * RPT
    pltpu.sync_copy(zeros_hbm, acc_sh.at[pl.ds(r0, RPT)])
    pltpu.sync_copy(ones_hbm, ones_v)
    plsc.subcore_barrier()

    def outer(j0, carry):
        dd = []
        for i in range(KD):
            base = w * EPW + (j0 * KD + i) * C
            dd.append(pltpu.async_copy(dst_hbm.at[pl.ds(base, C)], didx[i], dsem[i]))
        sd = []
        for i in range(KD):
            dd[i].wait()
            sd.append(pltpu.async_copy(ones_v, acc_sh.at[didx[i]], ssem[i], add=True))
        for i in range(KD):
            sd[i].wait()
        return carry

    lax.fori_loop(0, NOUTD, outer, 0)
    plsc.subcore_barrier()
    pltpu.sync_copy(acc_sh.at[pl.ds(r0, RPT)], out_hbm.at[cid, pl.ds(r0, RPT)])


@functools.partial(
    pl.kernel,
    out_type=jax.ShapeDtypeStruct((NC, NPAD, D), jnp.float32),
    mesh=_MESH,
    scratch_types=(
        [pltpu.VMEM((C, D), jnp.float32) for _ in range(K)]
        + [pltpu.VMEM((C,), jnp.int32) for _ in range(K)]
        + [pltpu.VMEM((C,), jnp.int32) for _ in range(K)]
        + [pltpu.VMEM_SHARED((NPAD, D), jnp.float32)]
        + [pltpu.SemaphoreType.DMA for _ in range(4 * K)]
    ),
)
def _edge_pass(y_hbm, src_hbm, dst_hbm, zeros_hbm, out_hbm, *scr):
    rows = scr[0:K]
    sidx = scr[K:2 * K]
    didx = scr[2 * K:3 * K]
    acc_sh = scr[3 * K]
    isem = scr[3 * K + 1:4 * K + 1]
    gsem = scr[4 * K + 1:5 * K + 1]
    dsem = scr[5 * K + 1:6 * K + 1]
    ssem = scr[6 * K + 1:7 * K + 1]
    w, cid, sid = _worker()
    r0 = sid * RPT
    pltpu.sync_copy(zeros_hbm, acc_sh.at[pl.ds(r0, RPT)])
    plsc.subcore_barrier()

    def outer(j0, carry):
        id_, dd = [], []
        for i in range(K):
            base = w * EPW + (j0 * K + i) * C
            id_.append(pltpu.async_copy(src_hbm.at[pl.ds(base, C)], sidx[i], isem[i]))
            dd.append(pltpu.async_copy(dst_hbm.at[pl.ds(base, C)], didx[i], dsem[i]))
        gd = []
        for i in range(K):
            id_[i].wait()
            gd.append(pltpu.async_copy(y_hbm.at[sidx[i]], rows[i], gsem[i]))
        for i in range(K):
            gd[i].wait()
            dd[i].wait()
            pltpu.sync_copy(rows[i], acc_sh.at[didx[i]], add=True)
        return carry

    lax.fori_loop(0, NOUT, outer, 0)
    plsc.subcore_barrier()
    pltpu.sync_copy(acc_sh.at[pl.ds(r0, RPT)], out_hbm.at[cid, pl.ds(r0, RPT)])


B = 2000


def _dinv(dp0_ref, dp1_ref):
    deg = dp0_ref[:, 0:1] + dp1_ref[:, 0:1] + 1.0
    return lax.rsqrt(deg)


def _tc1_body(x_ref, w1_ref, dp0_ref, dp1_ref, y1_ref):
    y1_ref[...] = jnp.dot(
        x_ref[...], w1_ref[...], preferred_element_type=jnp.float32
    ) * _dinv(dp0_ref, dp1_ref)


def _tc2_body(a0_ref, a1_ref, y1_ref, dp0_ref, dp1_ref, b1_ref, w2_ref, y2_ref):
    dinv = _dinv(dp0_ref, dp1_ref)
    h = dinv * (a0_ref[...] + a1_ref[...] + y1_ref[...]) + b1_ref[...]
    h = jnp.maximum(h, 0.0)
    y2_ref[...] = jnp.dot(h, w2_ref[...], preferred_element_type=jnp.float32) * dinv


def _tc3_body(a0_ref, a1_ref, y2_ref, dp0_ref, dp1_ref, b2_ref, out_ref):
    dinv = _dinv(dp0_ref, dp1_ref)
    out_ref[...] = dinv * (a0_ref[...] + a1_ref[...] + y2_ref[...]) + b2_ref[...]


_row_blk = pl.BlockSpec((B, D), lambda i: (i, 0))
_deg_blk = pl.BlockSpec((B, 16), lambda i: (i, 0))
_w_blk = pl.BlockSpec((D, D), lambda i: (0, 0))
_b_blk = pl.BlockSpec((1, D), lambda i: (0, 0))
_grid = (N // B,)
_out_nd = jax.ShapeDtypeStruct((N, D), jnp.float32)

_tc1 = pl.pallas_call(
    _tc1_body, grid=_grid,
    in_specs=[_row_blk, _w_blk, _deg_blk, _deg_blk],
    out_specs=_row_blk, out_shape=_out_nd,
)
_tc2 = pl.pallas_call(
    _tc2_body, grid=_grid,
    in_specs=[_row_blk, _row_blk, _row_blk, _deg_blk, _deg_blk, _b_blk, _w_blk],
    out_specs=_row_blk, out_shape=_out_nd,
)
_tc3 = pl.pallas_call(
    _tc3_body, grid=_grid,
    in_specs=[_row_blk, _row_blk, _row_blk, _deg_blk, _deg_blk, _b_blk],
    out_specs=_row_blk, out_shape=_out_nd,
)


def kernel(x, last_update, edge_index, t, msg, W1, b1, W2, b2):
    del last_update, t, msg
    src = edge_index[0].astype(jnp.int32)
    dst = edge_index[1].astype(jnp.int32)
    ones16 = jnp.ones((C, 16), jnp.float32)
    z16 = jnp.zeros((RPT, 16), jnp.float32)
    zD = jnp.zeros((RPT, D), jnp.float32)

    degp = _deg_pass(dst, ones16, z16)
    dp0, dp1 = degp[0], degp[1]

    y1 = _tc1(x, W1, dp0, dp1)
    a1 = _edge_pass(y1, src, dst, zD)
    y2 = _tc2(a1[0], a1[1], y1, dp0, dp1, b1.reshape(1, D), W2)
    a2 = _edge_pass(y2, src, dst, zD)
    out = _tc3(a2[0], a2[1], y2, dp0, dp1, b2.reshape(1, D))
    return out

# --- scband reference (transcript-rebuilt; emitter-appended) ---
"""Pipeline reference for scband-gcnembedding-20684562498293 (READ-ONLY COPY).

The authoritative reference and input builder live on the scoring server;
editing this copy changes nothing except your own understanding.
"""

import jax, jax.numpy as jnp
import numpy as np

N = 10000
E = 320000
D = 128
MSG_DIM = 16


def _gcn_conv(x, src, dst, W, b):
    # Faithful PyG GCNConv: add self-loops, symmetric normalization, scatter-add, bias.
    n = x.shape[0]
    loop = jnp.arange(n, dtype=src.dtype)
    s = jnp.concatenate([src, loop])
    d = jnp.concatenate([dst, loop])
    xw = x @ W
    deg = jnp.zeros((n,), dtype=x.dtype).at[d].add(jnp.ones_like(d, dtype=x.dtype))
    dinv = jnp.where(deg > 0, deg ** -0.5, 0.0)
    norm = dinv[s] * dinv[d]
    msgs = xw[s] * norm[:, None]
    out = jnp.zeros_like(xw).at[d].add(msgs)
    return out + b


def setup_inputs(seed: int = 0) -> dict:
    key = jax.random.key(seed)
    ks = jax.random.split(key, 8)
    x = jax.random.normal(ks[0], (N, D), dtype=jnp.float32)
    last_update = jax.random.uniform(ks[1], (N,), dtype=jnp.float32) * 1000.0
    edge_index = jax.random.randint(ks[2], (2, E), 0, N).astype(jnp.int64)
    t = jax.random.uniform(ks[3], (E,), dtype=jnp.float32) * 1000.0
    msg = jax.random.normal(ks[4], (E, MSG_DIM), dtype=jnp.float32)
    sc = 1.0 / np.sqrt(D)
    W1 = jax.random.normal(ks[5], (D, D), dtype=jnp.float32) * sc
    b1 = jnp.zeros((D,), dtype=jnp.float32)
    W2 = jax.random.normal(ks[6], (D, D), dtype=jnp.float32) * sc
    b2 = jnp.zeros((D,), dtype=jnp.float32)
    return {"x": x, "last_update": last_update, "edge_index": edge_index, "t": t, "msg": msg, "W1": W1, "b1": b1, "W2": W2, "b2": b2}


def reference(x, last_update, edge_index, t, msg, W1, b1, W2, b2):
    # last_update, t, msg are accepted by the original forward but unused.
    src = edge_index[0]
    dst = edge_index[1]
    h = _gcn_conv(x, src, dst, W1, b1)
    h = jax.nn.relu(h)
    out = _gcn_conv(h, src, dst, W2, b2)
    return out

if __name__ == "__main__":
    import jax
    _d = setup_inputs()
    print(jax.jit(kernel)(*tuple(_d.values())))

</pallas_src>

<mosaic_0001>
#map = affine_map<(d0, d1) -> (0)>
#map1 = affine_map<(d0, d1) -> (0, 0)>
#map2 = affine_map<(d0, d1) -> (0, 0, 0)>
module attributes {stable_mosaic.version = 14 : i64} {
  func.func @_deg_pass(%arg0: i32, %arg1: i32, %arg2: memref<320000xi32, #tpu.memory_space<hbm>>, %arg3: memref<40x16xf32, #tpu.memory_space<hbm>>, %arg4: memref<640x16xf32, #tpu.memory_space<hbm>>, %arg5: memref<2x10240x16xf32, #tpu.memory_space<hbm>>, %arg6: memref<40x16xf32, #tpu.memory_space<vmem>>, %arg7: memref<40xi32, #tpu.memory_space<vmem>>, %arg8: memref<40xi32, #tpu.memory_space<vmem>>, %arg9: memref<40xi32, #tpu.memory_space<vmem>>, %arg10: memref<40xi32, #tpu.memory_space<vmem>>, %arg11: memref<40xi32, #tpu.memory_space<vmem>>, %arg12: memref<40xi32, #tpu.memory_space<vmem>>, %arg13: memref<40xi32, #tpu.memory_space<vmem>>, %arg14: memref<40xi32, #tpu.memory_space<vmem>>, %arg15: memref<40xi32, #tpu.memory_space<vmem>>, %arg16: memref<40xi32, #tpu.memory_space<vmem>>, %arg17: memref<10240x16xf32, #tpu.memory_space<vmem_shared>>, %arg18: memref<!tpu.dma_semaphore, #tpu.memory_space<semaphore_mem>>, %arg19: memref<!tpu.dma_semaphore, #tpu.memory_space<semaphore_mem>>, %arg20: memref<!tpu.dma_semaphore, #tpu.memory_space<semaphore_mem>>, %arg21: memref<!tpu.dma_semaphore, #tpu.memory_space<semaphore_mem>>, %arg22: memref<!tpu.dma_semaphore, #tpu.memory_space<semaphore_mem>>, %arg23: memref<!tpu.dma_semaphore, #tpu.memory_space<semaphore_mem>>, %arg24: memref<!tpu.dma_semaphore, #tpu.memory_space<semaphore_mem>>, %arg25: memref<!tpu.dma_semaphore, #tpu.memory_space<semaphore_mem>>, %arg26: memref<!tpu.dma_semaphore, #tpu.memory_space<semaphore_mem>>, %arg27: memref<!tpu.dma_semaphore, #tpu.memory_space<semaphore_mem>>, %arg28: memref<!tpu.dma_semaphore, #tpu.memory_space<semaphore_mem>>, %arg29: memref<!tpu.dma_semaphore, #tpu.memory_space<semaphore_mem>>, %arg30: memref<!tpu.dma_semaphore, #tpu.memory_space<semaphore_mem>>, %arg31: memref<!tpu.dma_semaphore, #tpu.memory_space<semaphore_mem>>, %arg32: memref<!tpu.dma_semaphore, #tpu.memory_space<semaphore_mem>>, %arg33: memref<!tpu.dma_semaphore, #tpu.memory_space<semaphore_mem>>, %arg34: memref<!tpu.dma_semaphore, #tpu.memory_space<semaphore_mem>>, %arg35: memref<!tpu.dma_semaphore, #tpu.memory_space<semaphore_mem>>, %arg36: memref<!tpu.dma_semaphore, #tpu.memory_space<semaphore_mem>>, %arg37: memref<!tpu.dma_semaphore, #tpu.memory_space<semaphore_mem>>) attributes {dimension_semantics = [#tpu.dimension_semantics<core_parallel>, #tpu.dimension_semantics<subcore_parallel>], iteration_bounds = array<i64: 2, 16>, scalar_prefetch = 0 : i64, scratch_operands = 32 : i64, tpu.core_type = #tpu.core_type<sc_vector_subcore>, window_params = [{transform_indices = #map}, {transform_indices = #map1}, {transform_indices = #map1}, {transform_indices = #map2}]} {
    %mul3A = arith.constant 2 : i32
    %mul3A_0 = arith.muli %arg1, %mul3A : i32
    %add3A = arith.addi %mul3A_0, %arg0 : i32
    %mul3A_1 = arith.constant 640 : i32
    %mul3A_2 = arith.muli %arg1, %mul3A_1 : i32
    "tpu.region"() ({
      %run_scoped3A = tpu.sem_alloc : memref<!tpu.dma_semaphore, #tpu.memory_space<semaphore_mem>>
      %dma_start3A = arith.constant 0 : i32
      %dma_start3A_9 = tpu.memref_slice %arg17[%mul3A_2, %dma_start3A] : memref<10240x16xf32, #tpu.memory_space<vmem_shared>> -> memref<640x16xf32, #tpu.memory_space<vmem_shared>>
      tpu.enqueue_dma source(%arg4 : memref<640x16xf32, #tpu.memory_space<hbm>>) target(%dma_start3A_9 : memref<640x16xf32, #tpu.memory_space<vmem_shared>>) target_semaphore(%run_scoped3A : memref<!tpu.dma_semaphore, #tpu.memory_space<semaphore_mem>>)
      %dma_wait3A = arith.constant 0 : i32
      %dma_wait3A_10 = tpu.memref_slice %arg17[%mul3A_2, %dma_wait3A] : memref<10240x16xf32, #tpu.memory_space<vmem_shared>> -> memref<640x16xf32, #tpu.memory_space<vmem_shared>>
      tpu.wait_dma2 semaphore(%run_scoped3A : memref<!tpu.dma_semaphore, #tpu.memory_space<semaphore_mem>>) src(%arg4 : memref<640x16xf32, #tpu.memory_space<hbm>>) dst(%dma_wait3A_10 : memref<640x16xf32, #tpu.memory_space<vmem_shared>>)
      tpu.yield
    }) : () -> ()
    "tpu.region"() ({
      %run_scoped3A = tpu.sem_alloc : memref<!tpu.dma_semaphore, #tpu.memory_space<semaphore_mem>>
      tpu.enqueue_dma source(%arg3 : memref<40x16xf32, #tpu.memory_space<hbm>>) target(%arg6 : memref<40x16xf32, #tpu.memory_space<vmem>>) target_semaphore(%run_scoped3A : memref<!tpu.dma_semaphore, #tpu.memory_space<semaphore_mem>>)
      tpu.wait_dma2 semaphore(%run_scoped3A : memref<!tpu.dma_semaphore, #tpu.memory_space<semaphore_mem>>) src(%arg3 : memref<40x16xf32, #tpu.memory_space<hbm>>) dst(%arg6 : memref<40x16xf32, #tpu.memory_space<vmem>>)
      tpu.yield
    }) : () -> ()
    %barrier3A = arith.constant 0 : index
    tpu.barrier barrier_id(%barrier3A)
    %scan3A = arith.constant 0 : i32
    %scan3A_3 = arith.constant 0 : i32
    %scan3A_4 = arith.constant 25 : i32
    %scan3A_5 = arith.addi %scan3A_3, %scan3A_4 : i32
    %scan3A_6 = arith.constant 1 : i32
    scf.for %scan3A_9 = %scan3A_3 to %scan3A_5 step %scan3A_6  : i32 {
      %mul3A_10 = arith.constant 10000 : i32
      %mul3A_11 = arith.muli %add3A, %mul3A_10 : i32
      %mul3A_12 = arith.constant 10 : i32
      %mul3A_13 = arith.muli %scan3A_9, %mul3A_12 : i32
      %add3A_14 = arith.constant 0 : i32
      %add3A_15 = arith.addi %mul3A_13, %add3A_14 : i32
      %mul3A_16 = arith.constant 40 : i32
      %mul3A_17 = arith.muli %add3A_15, %mul3A_16 : i32
      %add3A_18 = arith.addi %mul3A_11, %mul3A_17 : i32
      %dma_start3A = tpu.memref_slice %arg2[%add3A_18] : memref<320000xi32, #tpu.memory_space<hbm>> -> memref<40xi32, #tpu.memory_space<hbm>>
      %dma_start3A_19 = tpu.memref_slice %arg2[%add3A_18] : memref<320000xi32, #tpu.memory_space<hbm>> -> memref<40xi32, #tpu.memory_space<hbm>>
      tpu.enqueue_dma source(%dma_start3A_19 : memref<40xi32, #tpu.memory_space<hbm>>) target(%arg7 : memref<40xi32, #tpu.memory_space<vmem>>) target_semaphore(%arg18 : memref<!tpu.dma_semaphore, #tpu.memory_space<semaphore_mem>>)
      %mul3A_20 = arith.constant 10000 : i32
      %mul3A_21 = arith.muli %add3A, %mul3A_20 : i32
      %mul3A_22 = arith.constant 10 : i32
      %mul3A_23 = arith.muli %scan3A_9, %mul3A_22 : i32
      %add3A_24 = arith.constant 1 : i32
      %add3A_25 = arith.addi %mul3A_23, %add3A_24 : i32
      %mul3A_26 = arith.constant 40 : i32
      %mul3A_27 = arith.muli %add3A_25, %mul3A_26 : i32
      %add3A_28 = arith.addi %mul3A_21, %mul3A_27 : i32
      %dma_start3A_29 = tpu.memref_slice %arg2[%add3A_28] : memref<320000xi32, #tpu.memory_space<hbm>> -> memref<40xi32, #tpu.memory_space<hbm>>
      %dma_start3A_30 = tpu.memref_slice %arg2[%add3A_28] : memref<320000xi32, #tpu.memory_space<hbm>> -> memref<40xi32, #tpu.memory_space<hbm>>
      tpu.enqueue_dma source(%dma_start3A_30 : memref<40xi32, #tpu.memory_space<hbm>>) target(%arg8 : memref<40xi32, #tpu.memory_space<vmem>>) target_semaphore(%arg19 : memref<!tpu.dma_semaphore, #tpu.memory_space<semaphore_mem>>)
      %mul3A_31 = arith.constant 10000 : i32
      %mul3A_32 = arith.muli %add3A, %mul3A_31 : i32
      %mul3A_33 = arith.constant 10 : i32
      %mul3A_34 = arith.muli %scan3A_9, %mul3A_33 : i32
      %add3A_35 = arith.constant 2 : i32
      %add3A_36 = arith.addi %mul3A_34, %add3A_35 : i32
      %mul3A_37 = arith.constant 40 : i32
      %mul3A_38 = arith.muli %add3A_36, %mul3A_37 : i32
      %add3A_39 = arith.addi %mul3A_32, %mul3A_38 : i32
      %dma_start3A_40 = tpu.memref_slice %arg2[%add3A_39] : memref<320000xi32, #tpu.memory_space<hbm>> -> memref<40xi32, #tpu.memory_space<hbm>>
      %dma_start3A_41 = tpu.memref_slice %arg2[%add3A_39] : memref<320000xi32, #tpu.memory_space<hbm>> -> memref<40xi32, #tpu.memory_space<hbm>>
      tpu.enqueue_dma source(%dma_start3A_41 : memref<40xi32, #tpu.memory_space<hbm>>) target(%arg9 : memref<40xi32, #tpu.memory_space<vmem>>) target_semaphore(%arg20 : memref<!tpu.dma_semaphore, #tpu.memory_space<semaphore_mem>>)
      %mul3A_42 = arith.constant 10000 : i32
      %mul3A_43 = arith.muli %add3A, %mul3A_42 : i32
      %mul3A_44 = arith.constant 10 : i32
      %mul3A_45 = arith.muli %scan3A_9, %mul3A_44 : i32
      %add3A_46 = arith.constant 3 : i32
      %add3A_47 = arith.addi %mul3A_45, %add3A_46 : i32
      %mul3A_48 = arith.constant 40 : i32
      %mul3A_49 = arith.muli %add3A_47, %mul3A_48 : i32
      %add3A_50 = arith.addi %mul3A_43, %mul3A_49 : i32
      %dma_start3A_51 = tpu.memref_slice %arg2[%add3A_50] : memref<320000xi32, #tpu.memory_space<hbm>> -> memref<40xi32, #tpu.memory_space<hbm>>
      %dma_start3A_52 = tpu.memref_slice %arg2[%add3A_50] : memref<320000xi32, #tpu.memory_space<hbm>> -> memref<40xi32, #tpu.memory_space<hbm>>
      tpu.enqueue_dma source(%dma_start3A_52 : memref<40xi32, #tpu.memory_space<hbm>>) target(%arg10 : memref<40xi32, #tpu.memory_space<vmem>>) target_semaphore(%arg21 : memref<!tpu.dma_semaphore, #tpu.memory_space<semaphore_mem>>)
      %mul3A_53 = arith.constant 10000 : i32
      %mul3A_54 = arith.muli %add3A, %mul3A_53 : i32
      %mul3A_55 = arith.constant 10 : i32
      %mul3A_56 = arith.muli %scan3A_9, %mul3A_55 : i32
      %add3A_57 = arith.constant 4 : i32
      %add3A_58 = arith.addi %mul3A_56, %add3A_57 : i32
      %mul3A_59 = arith.constant 40 : i32
      %mul3A_60 = arith.muli %add3A_58, %mul3A_59 : i32
      %add3A_61 = arith.addi %mul3A_54, %mul3A_60 : i32
      %dma_start3A_62 = tpu.memref_slice %arg2[%add3A_61] : memref<320000xi32, #tpu.memory_space<hbm>> -> memref<40xi32, #tpu.memory_space<hbm>>
      %dma_start3A_63 = tpu.memref_slice %arg2[%add3A_61] : memref<320000xi32, #tpu.memory_space<hbm>> -> memref<40xi32, #tpu.memory_space<hbm>>
      tpu.enqueue_dma source(%dma_start3A_63 : memref<40xi32, #tpu.memory_space<hbm>>) target(%arg11 : memref<40xi32, #tpu.memory_space<vmem>>) target_semaphore(%arg22 : memref<!tpu.dma_semaphore, #tpu.memory_space<semaphore_mem>>)
      %mul3A_64 = arith.constant 10000 : i32
      %mul3A_65 = arith.muli %add3A, %mul3A_64 : i32
      %mul3A_66 = arith.constant 10 : i32
      %mul3A_67 = arith.muli %scan3A_9, %mul3A_66 : i32
      %add3A_68 = arith.constant 5 : i32
      %add3A_69 = arith.addi %mul3A_67, %add3A_68 : i32
      %mul3A_70 = arith.constant 40 : i32
      %mul3A_71 = arith.muli %add3A_69, %mul3A_70 : i32
      %add3A_72 = arith.addi %mul3A_65, %mul3A_71 : i32
      %dma_start3A_73 = tpu.memref_slice %arg2[%add3A_72] : memref<320000xi32, #tpu.memory_space<hbm>> -> memref<40xi32, #tpu.memory_space<hbm>>
      %dma_start3A_74 = tpu.memref_slice %arg2[%add3A_72] : memref<320000xi32, #tpu.memory_space<hbm>> -> memref<40xi32, #tpu.memory_space<hbm>>
      tpu.enqueue_dma source(%dma_start3A_74 : memref<40xi32, #tpu.memory_space<hbm>>) target(%arg12 : memref<40xi32, #tpu.memory_space<vmem>>) target_semaphore(%arg23 : memref<!tpu.dma_semaphore, #tpu.memory_space<semaphore_mem>>)
      %mul3A_75 = arith.constant 10000 : i32
      %mul3A_76 = arith.muli %add3A, %mul3A_75 : i32
      %mul3A_77 = arith.constant 10 : i32
      %mul3A_78 = arith.muli %scan3A_9, %mul3A_77 : i32
      %add3A_79 = arith.constant 6 : i32
      %add3A_80 = arith.addi %mul3A_78, %add3A_79 : i32
      %mul3A_81 = arith.constant 40 : i32
      %mul3A_82 = arith.muli %add3A_80, %mul3A_81 : i32
      %add3A_83 = arith.addi %mul3A_76, %mul3A_82 : i32
      %dma_start3A_84 = tpu.memref_slice %arg2[%add3A_83] : memref<320000xi32, #tpu.memory_space<hbm>> -> memref<40xi32, #tpu.memory_space<hbm>>
      %dma_start3A_85 = tpu.memref_slice %arg2[%add3A_83] : memref<320000xi32, #tpu.memory_space<hbm>> -> memref<40xi32, #tpu.memory_space<hbm>>
      tpu.enqueue_dma source(%dma_start3A_85 : memref<40xi32, #tpu.memory_space<hbm>>) target(%arg13 : memref<40xi32, #tpu.memory_space<vmem>>) target_semaphore(%arg24 : memref<!tpu.dma_semaphore, #tpu.memory_space<semaphore_mem>>)
      %mul3A_86 = arith.constant 10000 : i32
      %mul3A_87 = arith.muli %add3A, %mul3A_86 : i32
      %mul3A_88 = arith.constant 10 : i32
      %mul3A_89 = arith.muli %scan3A_9, %mul3A_88 : i32
      %add3A_90 = arith.constant 7 : i32
      %add3A_91 = arith.addi %mul3A_89, %add3A_90 : i32
      %mul3A_92 = arith.constant 40 : i32
      %mul3A_93 = arith.muli %add3A_91, %mul3A_92 : i32
      %add3A_94 = arith.addi %mul3A_87, %mul3A_93 : i32
      %dma_start3A_95 = tpu.memref_slice %arg2[%add3A_94] : memref<320000xi32, #tpu.memory_space<hbm>> -> memref<40xi32, #tpu.memory_space<hbm>>
      %dma_start3A_96 = tpu.memref_slice %arg2[%add3A_94] : memref<320000xi32, #tpu.memory_space<hbm>> -> memref<40xi32, #tpu.memory_space<hbm>>
      tpu.enqueue_dma source(%dma_start3A_96 : memref<40xi32, #tpu.memory_space<hbm>>) target(%arg14 : memref<40xi32, #tpu.memory_space<vmem>>) target_semaphore(%arg25 : memref<!tpu.dma_semaphore, #tpu.memory_space<semaphore_mem>>)
      %mul3A_97 = arith.constant 10000 : i32
      %mul3A_98 = arith.muli %add3A, %mul3A_97 : i32
      %mul3A_99 = arith.constant 10 : i32
      %mul3A_100 = arith.muli %scan3A_9, %mul3A_99 : i32
      %add3A_101 = arith.constant 8 : i32
      %add3A_102 = arith.addi %mul3A_100, %add3A_101 : i32
      %mul3A_103 = arith.constant 40 : i32
      %mul3A_104 = arith.muli %add3A_102, %mul3A_103 : i32
      %add3A_105 = arith.addi %mul3A_98, %mul3A_104 : i32
      %dma_start3A_106 = tpu.memref_slice %arg2[%add3A_105] : memref<320000xi32, #tpu.memory_space<hbm>> -> memref<40xi32, #tpu.memory_space<hbm>>
      %dma_start3A_107 = tpu.memref_slice %arg2[%add3A_105] : memref<320000xi32, #tpu.memory_space<hbm>> -> memref<40xi32, #tpu.memory_space<hbm>>
      tpu.enqueue_dma source(%dma_start3A_107 : memref<40xi32, #tpu.memory_space<hbm>>) target(%arg15 : memref<40xi32, #tpu.memory_space<vmem>>) target_semaphore(%arg26 : memref<!tpu.dma_semaphore, #tpu.memory_space<semaphore_mem>>)
      %mul3A_108 = arith.constant 10000 : i32
      %mul3A_109 = arith.muli %add3A, %mul3A_108 : i32
      %mul3A_110 = arith.constant 10 : i32
      %mul3A_111 = arith.muli %scan3A_9, %mul3A_110 : i32
      %add3A_112 = arith.constant 9 : i32
      %add3A_113 = arith.addi %mul3A_111, %add3A_112 : i32
      %mul3A_114 = arith.constant 40 : i32
      %mul3A_115 = arith.muli %add3A_113, %mul3A_114 : i32
      %add3A_116 = arith.addi %mul3A_109, %mul3A_115 : i32
      %dma_start3A_117 = tpu.memref_slice %arg2[%add3A_116] : memref<320000xi32, #tpu.memory_space<hbm>> -> memref<40xi32, #tpu.memory_space<hbm>>
      %dma_start3A_118 = tpu.memref_slice %arg2[%add3A_116] : memref<320000xi32, #tpu.memory_space<hbm>> -> memref<40xi32, #tpu.memory_space<hbm>>
      tpu.enqueue_dma source(%dma_start3A_118 : memref<40xi32, #tpu.memory_space<hbm>>) target(%arg16 : memref<40xi32, #tpu.memory_space<vmem>>) target_semaphore(%arg27 : memref<!tpu.dma_semaphore, #tpu.memory_space<semaphore_mem>>)
      %dma_wait3A = tpu.memref_slice %arg2[%add3A_18] : memref<320000xi32, #tpu.memory_space<hbm>> -> memref<40xi32, #tpu.memory_space<hbm>>
      %dma_wait3A_119 = tpu.memref_slice %arg2[%add3A_18] : memref<320000xi32, #tpu.memory_space<hbm>> -> memref<40xi32, #tpu.memory_space<hbm>>
      tpu.wait_dma2 semaphore(%arg18 : memref<!tpu.dma_semaphore, #tpu.memory_space<semaphore_mem>>) src(%dma_wait3A_119 : memref<40xi32, #tpu.memory_space<hbm>>) dst(%arg7 : memref<40xi32, #tpu.memory_space<vmem>>)
      %dma_start3A_120 = arith.constant 0 : i32
      %dma_start3A_121 = arith.constant 0 : i32
      %dma_start3A_122 = tpu.memref_slice %arg17[%dma_start3A_120, %dma_start3A_121] : memref<10240x16xf32, #tpu.memory_space<vmem_shared>> -> memref<10240x16xf32, #tpu.memory_space<vmem_shared>>
      tpu.enqueue_indirect_dma source(%arg6 : memref<40x16xf32, #tpu.memory_space<vmem>>) target(%dma_start3A_122 : memref<10240x16xf32, #tpu.memory_space<vmem_shared>>) offsets(%arg7 : memref<40xi32, #tpu.memory_space<vmem>>) semaphore(%arg28 : memref<!tpu.dma_semaphore, #tpu.memory_space<semaphore_mem>>) {add = true}
      %dma_wait3A_123 = tpu.memref_slice %arg2[%add3A_28] : memref<320000xi32, #tpu.memory_space<hbm>> -> memref<40xi32, #tpu.memory_space<hbm>>
      %dma_wait3A_124 = tpu.memref_slice %arg2[%add3A_28] : memref<320000xi32, #tpu.memory_space<hbm>> -> memref<40xi32, #tpu.memory_space<hbm>>
      tpu.wait_dma2 semaphore(%arg19 : memref<!tpu.dma_semaphore, #tpu.memory_space<semaphore_mem>>) src(%dma_wait3A_124 : memref<40xi32, #tpu.memory_space<hbm>>) dst(%arg8 : memref<40xi32, #tpu.memory_space<vmem>>)
      %dma_start3A_125 = arith.constant 0 : i32
      %dma_start3A_126 = arith.constant 0 : i32
      %dma_start3A_127 = tpu.memref_slice %arg17[%dma_start3A_125, %dma_start3A_126] : memref<10240x16xf32, #tpu.memory_space<vmem_shared>> -> memref<10240x16xf32, #tpu.memory_space<vmem_shared>>
      tpu.enqueue_indirect_dma source(%arg6 : memref<40x16xf32, #tpu.memory_space<vmem>>) target(%dma_start3A_127 : memref<10240x16xf32, #tpu.memory_space<vmem_shared>>) offsets(%arg8 : memref<40xi32, #tpu.memory_space<vmem>>) semaphore(%arg29 : memref<!tpu.dma_semaphore, #tpu.memory_space<semaphore_mem>>) {add = true}
      %dma_wait3A_128 = tpu.memref_slice %arg2[%add3A_39] : memref<320000xi32, #tpu.memory_space<hbm>> -> memref<40xi32, #tpu.memory_space<hbm>>
      %dma_wait3A_129 = tpu.memref_slice %arg2[%add3A_39] : memref<320000xi32, #tpu.memory_space<hbm>> -> memref<40xi32, #tpu.memory_space<hbm>>
      tpu.wait_dma2 semaphore(%arg20 : memref<!tpu.dma_semaphore, #tpu.memory_space<semaphore_mem>>) src(%dma_wait3A_129 : memref<40xi32, #tpu.memory_space<hbm>>) dst(%arg9 : memref<40xi32, #tpu.memory_space<vmem>>)
      %dma_start3A_130 = arith.constant 0 : i32
      %dma_start3A_131 = arith.constant 0 : i32
      %dma_start3A_132 = tpu.memref_slice %arg17[%dma_start3A_130, %dma_start3A_131] : memref<10240x16xf32, #tpu.memory_space<vmem_shared>> -> memref<10240x16xf32, #tpu.memory_space<vmem_shared>>
      tpu.enqueue_indirect_dma source(%arg6 : memref<40x16xf32, #tpu.memory_space<vmem>>) target(%dma_start3A_132 : memref<10240x16xf32, #tpu.memory_space<vmem_shared>>) offsets(%arg9 : memref<40xi32, #tpu.memory_space<vmem>>) semaphore(%arg30 : memref<!tpu.dma_semaphore, #tpu.memory_space<semaphore_mem>>) {add = true}
      %dma_wait3A_133 = tpu.memref_slice %arg2[%add3A_50] : memref<320000xi32, #tpu.memory_space<hbm>> -> memref<40xi32, #tpu.memory_space<hbm>>
      %dma_wait3A_134 = tpu.memref_slice %arg2[%add3A_50] : memref<320000xi32, #tpu.memory_space<hbm>> -> memref<40xi32, #tpu.memory_space<hbm>>
      tpu.wait_dma2 semaphore(%arg21 : memref<!tpu.dma_semaphore, #tpu.memory_space<semaphore_mem>>) src(%dma_wait3A_134 : memref<40xi32, #tpu.memory_space<hbm>>) dst(%arg10 : memref<40xi32, #tpu.memory_space<vmem>>)
      %dma_start3A_135 = arith.constant 0 : i32
      %dma_start3A_136 = arith.constant 0 : i32
      %dma_start3A_137 = tpu.memref_slice %arg17[%dma_start3A_135, %dma_start3A_136] : memref<10240x16xf32, #tpu.memory_space<vmem_shared>> -> memref<10240x16xf32, #tpu.memory_space<vmem_shared>>
      tpu.enqueue_indirect_dma source(%arg6 : memref<40x16xf32, #tpu.memory_space<vmem>>) target(%dma_start3A_137 : memref<10240x16xf32, #tpu.memory_space<vmem_shared>>) offsets(%arg10 : memref<40xi32, #tpu.memory_space<vmem>>) semaphore(%arg31 : memref<!tpu.dma_semaphore, #tpu.memory_space<semaphore_mem>>) {add = true}
      %dma_wait3A_138 = tpu.memref_slice %arg2[%add3A_61] : memref<320000xi32, #tpu.memory_space<hbm>> -> memref<40xi32, #tpu.memory_space<hbm>>
      %dma_wait3A_139 = tpu.memref_slice %arg2[%add3A_61] : memref<320000xi32, #tpu.memory_space<hbm>> -> memref<40xi32, #tpu.memory_space<hbm>>
      tpu.wait_dma2 semaphore(%arg22 : memref<!tpu.dma_semaphore, #tpu.memory_space<semaphore_mem>>) src(%dma_wait3A_139 : memref<40xi32, #tpu.memory_space<hbm>>) dst(%arg11 : memref<40xi32, #tpu.memory_space<vmem>>)
      %dma_start3A_140 = arith.constant 0 : i32
      %dma_start3A_141 = arith.constant 0 : i32
      %dma_start3A_142 = tpu.memref_slice %arg17[%dma_start3A_140, %dma_start3A_141] : memref<10240x16xf32, #tpu.memory_space<vmem_shared>> -> memref<10240x16xf32, #tpu.memory_space<vmem_shared>>
      tpu.enqueue_indirect_dma source(%arg6 : memref<40x16xf32, #tpu.memory_space<vmem>>) target(%dma_start3A_142 : memref<10240x16xf32, #tpu.memory_space<vmem_shared>>) offsets(%arg11 : memref<40xi32, #tpu.memory_space<vmem>>) semaphore(%arg32 : memref<!tpu.dma_semaphore, #tpu.memory_space<semaphore_mem>>) {add = true}
      %dma_wait3A_143 = tpu.memref_slice %arg2[%add3A_72] : memref<320000xi32, #tpu.memory_space<hbm>> -> memref<40xi32, #tpu.memory_space<hbm>>
      %dma_wait3A_144 = tpu.memref_slice %arg2[%add3A_72] : memref<320000xi32, #tpu.memory_space<hbm>> -> memref<40xi32, #tpu.memory_space<hbm>>
      tpu.wait_dma2 semaphore(%arg23 : memref<!tpu.dma_semaphore, #tpu.memory_space<semaphore_mem>>) src(%dma_wait3A_144 : memref<40xi32, #tpu.memory_space<hbm>>) dst(%arg12 : memref<40xi32, #tpu.memory_space<vmem>>)
      %dma_start3A_145 = arith.constant 0 : i32
      %dma_start3A_146 = arith.constant 0 : i32
      %dma_start3A_147 = tpu.memref_slice %arg17[%dma_start3A_145, %dma_start3A_146] : memref<10240x16xf32, #tpu.memory_space<vmem_shared>> -> memref<10240x16xf32, #tpu.memory_space<vmem_shared>>
      tpu.enqueue_indirect_dma source(%arg6 : memref<40x16xf32, #tpu.memory_space<vmem>>) target(%dma_start3A_147 : memref<10240x16xf32, #tpu.memory_space<vmem_shared>>) offsets(%arg12 : memref<40xi32, #tpu.memory_space<vmem>>) semaphore(%arg33 : memref<!tpu.dma_semaphore, #tpu.memory_space<semaphore_mem>>) {add = true}
      %dma_wait3A_148 = tpu.memref_slice %arg2[%add3A_83] : memref<320000xi32, #tpu.memory_space<hbm>> -> memref<40xi32, #tpu.memory_space<hbm>>
      %dma_wait3A_149 = tpu.memref_slice %arg2[%add3A_83] : memref<320000xi32, #tpu.memory_space<hbm>> -> memref<40xi32, #tpu.memory_space<hbm>>
      tpu.wait_dma2 semaphore(%arg24 : memref<!tpu.dma_semaphore, #tpu.memory_space<semaphore_mem>>) src(%dma_wait3A_149 : memref<40xi32, #tpu.memory_space<hbm>>) dst(%arg13 : memref<40xi32, #tpu.memory_space<vmem>>)
      %dma_start3A_150 = arith.constant 0 : i32
      %dma_start3A_151 = arith.constant 0 : i32
      %dma_start3A_152 = tpu.memref_slice %arg17[%dma_start3A_150, %dma_start3A_151] : memref<10240x16xf32, #tpu.memory_space<vmem_shared>> -> memref<10240x16xf32, #tpu.memory_space<vmem_shared>>
      tpu.enqueue_indirect_dma source(%arg6 : memref<40x16xf32, #tpu.memory_space<vmem>>) target(%dma_start3A_152 : memref<10240x16xf32, #tpu.memory_space<vmem_shared>>) offsets(%arg13 : memref<40xi32, #tpu.memory_space<vmem>>) semaphore(%arg34 : memref<!tpu.dma_semaphore, #tpu.memory_space<semaphore_mem>>) {add = true}
      %dma_wait3A_153 = tpu.memref_slice %arg2[%add3A_94] : memref<320000xi32, #tpu.memory_space<hbm>> -> memref<40xi32, #tpu.memory_space<hbm>>
      %dma_wait3A_154 = tpu.memref_slice %arg2[%add3A_94] : memref<320000xi32, #tpu.memory_space<hbm>> -> memref<40xi32, #tpu.memory_space<hbm>>
      tpu.wait_dma2 semaphore(%arg25 : memref<!tpu.dma_semaphore, #tpu.memory_space<semaphore_mem>>) src(%dma_wait3A_154 : memref<40xi32, #tpu.memory_space<hbm>>) dst(%arg14 : memref<40xi32, #tpu.memory_space<vmem>>)
      %dma_start3A_155 = arith.constant 0 : i32
      %dma_start3A_156 = arith.constant 0 : i32
      %dma_start3A_157 = tpu.memref_slice %arg17[%dma_start3A_155, %dma_start3A_156] : memref<10240x16xf32, #tpu.memory_space<vmem_shared>> -> memref<10240x16xf32, #tpu.memory_space<vmem_shared>>
      tpu.enqueue_indirect_dma source(%arg6 : memref<40x16xf32, #tpu.memory_space<vmem>>) target(%dma_start3A_157 : memref<10240x16xf32, #tpu.memory_space<vmem_shared>>) offsets(%arg14 : memref<40xi32, #tpu.memory_space<vmem>>) semaphore(%arg35 : memref<!tpu.dma_semaphore, #tpu.memory_space<semaphore_mem>>) {add = true}
      %dma_wait3A_158 = tpu.memref_slice %arg2[%add3A_105] : memref<320000xi32, #tpu.memory_space<hbm>> -> memref<40xi32, #tpu.memory_space<hbm>>
      %dma_wait3A_159 = tpu.memref_slice %arg2[%add3A_105] : memref<320000xi32, #tpu.memory_space<hbm>> -> memref<40xi32, #tpu.memory_space<hbm>>
      tpu.wait_dma2 semaphore(%arg26 : memref<!tpu.dma_semaphore, #tpu.memory_space<semaphore_mem>>) src(%dma_wait3A_159 : memref<40xi32, #tpu.memory_space<hbm>>) dst(%arg15 : memref<40xi32, #tpu.memory_space<vmem>>)
      %dma_start3A_160 = arith.constant 0 : i32
      %dma_start3A_161 = arith.constant 0 : i32
      %dma_start3A_162 = tpu.memref_slice %arg17[%dma_start3A_160, %dma_start3A_161] : memref<10240x16xf32, #tpu.memory_space<vmem_shared>> -> memref<10240x16xf32, #tpu.memory_space<vmem_shared>>
      tpu.enqueue_indirect_dma source(%arg6 : memref<40x16xf32, #tpu.memory_space<vmem>>) target(%dma_start3A_162 : memref<10240x16xf32, #tpu.memory_space<vmem_shared>>) offsets(%arg15 : memref<40xi32, #tpu.memory_space<vmem>>) semaphore(%arg36 : memref<!tpu.dma_semaphore, #tpu.memory_space<semaphore_mem>>) {add = true}
      %dma_wait3A_163 = tpu.memref_slice %arg2[%add3A_116] : memref<320000xi32, #tpu.memory_space<hbm>> -> memref<40xi32, #tpu.memory_space<hbm>>
      %dma_wait3A_164 = tpu.memref_slice %arg2[%add3A_116] : memref<320000xi32, #tpu.memory_space<hbm>> -> memref<40xi32, #tpu.memory_space<hbm>>
      tpu.wait_dma2 semaphore(%arg27 : memref<!tpu.dma_semaphore, #tpu.memory_space<semaphore_mem>>) src(%dma_wait3A_164 : memref<40xi32, #tpu.memory_space<hbm>>) dst(%arg16 : memref<40xi32, #tpu.memory_space<vmem>>)
      %dma_start3A_165 = arith.constant 0 : i32
      %dma_start3A_166 = arith.constant 0 : i32
      %dma_start3A_167 = tpu.memref_slice %arg17[%dma_start3A_165, %dma_start3A_166] : memref<10240x16xf32, #tpu.memory_space<vmem_shared>> -> memref<10240x16xf32, #tpu.memory_space<vmem_shared>>
      tpu.enqueue_indirect_dma source(%arg6 : memref<40x16xf32, #tpu.memory_space<vmem>>) target(%dma_start3A_167 : memref<10240x16xf32, #tpu.memory_space<vmem_shared>>) offsets(%arg16 : memref<40xi32, #tpu.memory_space<vmem>>) semaphore(%arg37 : memref<!tpu.dma_semaphore, #tpu.memory_space<semaphore_mem>>) {add = true}
      %dma_wait3A_168 = arith.constant 0 : i32
      %dma_wait3A_169 = arith.constant 0 : i32
      %dma_wait3A_170 = tpu.memref_slice %arg17[%dma_wait3A_168, %dma_wait3A_169] : memref<10240x16xf32, #tpu.memory_space<vmem_shared>> -> memref<10240x16xf32, #tpu.memory_space<vmem_shared>>
      tpu.wait_indirect_dma semaphore(%arg28 : memref<!tpu.dma_semaphore, #tpu.memory_space<semaphore_mem>>) src(%arg6 : memref<40x16xf32, #tpu.memory_space<vmem>>) dst(%dma_wait3A_170 : memref<10240x16xf32, #tpu.memory_space<vmem_shared>>)
      %dma_wait3A_171 = arith.constant 0 : i32
      %dma_wait3A_172 = arith.constant 0 : i32
      %dma_wait3A_173 = tpu.memref_slice %arg17[%dma_wait3A_171, %dma_wait3A_172] : memref<10240x16xf32, #tpu.memory_space<vmem_shared>> -> memref<10240x16xf32, #tpu.memory_space<vmem_shared>>
      tpu.wait_indirect_dma semaphore(%arg29 : memref<!tpu.dma_semaphore, #tpu.memory_space<semaphore_mem>>) src(%arg6 : memref<40x16xf32, #tpu.memory_space<vmem>>) dst(%dma_wait3A_173 : memref<10240x16xf32, #tpu.memory_space<vmem_shared>>)
      %dma_wait3A_174 = arith.constant 0 : i32
      %dma_wait3A_175 = arith.constant 0 : i32
      %dma_wait3A_176 = tpu.memref_slice %arg17[%dma_wait3A_174, %dma_wait3A_175] : memref<10240x16xf32, #tpu.memory_space<vmem_shared>> -> memref<10240x16xf32, #tpu.memory_space<vmem_shared>>
      tpu.wait_indirect_dma semaphore(%arg30 : memref<!tpu.dma_semaphore, #tpu.memory_space<semaphore_mem>>) src(%arg6 : memref<40x16xf32, #tpu.memory_space<vmem>>) dst(%dma_wait3A_176 : memref<10240x16xf32, #tpu.memory_space<vmem_shared>>)
      %dma_wait3A_177 = arith.constant 0 : i32
      %dma_wait3A_178 = arith.constant 0 : i32
      %dma_wait3A_179 = tpu.memref_slice %arg17[%dma_wait3A_177, %dma_wait3A_178] : memref<10240x16xf32, #tpu.memory_space<vmem_shared>> -> memref<10240x16xf32, #tpu.memory_space<vmem_shared>>
      tpu.wait_indirect_dma semaphore(%arg31 : memref<!tpu.dma_semaphore, #tpu.memory_space<semaphore_mem>>) src(%arg6 : memref<40x16xf32, #tpu.memory_space<vmem>>) dst(%dma_wait3A_179 : memref<10240x16xf32, #tpu.memory_space<vmem_shared>>)
      %dma_wait3A_180 = arith.constant 0 : i32
      %dma_wait3A_181 = arith.constant 0 : i32
      %dma_wait3A_182 = tpu.memref_slice %arg17[%dma_wait3A_180, %dma_wait3A_181] : memref<10240x16xf32, #tpu.memory_space<vmem_shared>> -> memref<10240x16xf32, #tpu.memory_space<vmem_shared>>
      tpu.wait_indirect_dma semaphore(%arg32 : memref<!tpu.dma_semaphore, #tpu.memory_space<semaphore_mem>>) src(%arg6 : memref<40x16xf32, #tpu.memory_space<vmem>>) dst(%dma_wait3A_182 : memref<10240x16xf32, #tpu.memory_space<vmem_shared>>)
      %dma_wait3A_183 = arith.constant 0 : i32
      %dma_wait3A_184 = arith.constant 0 : i32
      %dma_wait3A_185 = tpu.memref_slice %arg17[%dma_wait3A_183, %dma_wait3A_184] : memref<10240x16xf32, #tpu.memory_space<vmem_shared>> -> memref<10240x16xf32, #tpu.memory_space<vmem_shared>>
      tpu.wait_indirect_dma semaphore(%arg33 : memref<!tpu.dma_semaphore, #tpu.memory_space<semaphore_mem>>) src(%arg6 : memref<40x16xf32, #tpu.memory_space<vmem>>) dst(%dma_wait3A_185 : memref<10240x16xf32, #tpu.memory_space<vmem_shared>>)
      %dma_wait3A_186 = arith.constant 0 : i32
      %dma_wait3A_187 = arith.constant 0 : i32
      %dma_wait3A_188 = tpu.memref_slice %arg17[%dma_wait3A_186, %dma_wait3A_187] : memref<10240x16xf32, #tpu.memory_space<vmem_shared>> -> memref<10240x16xf32, #tpu.memory_space<vmem_shared>>
      tpu.wait_indirect_dma semaphore(%arg34 : memref<!tpu.dma_semaphore, #tpu.memory_space<semaphore_mem>>) src(%arg6 : memref<40x16xf32, #tpu.memory_space<vmem>>) dst(%dma_wait3A_188 : memref<10240x16xf32, #tpu.memory_space<vmem_shared>>)
      %dma_wait3A_189 = arith.constant 0 : i32
      %dma_wait3A_190 = arith.constant 0 : i32
      %dma_wait3A_191 = tpu.memref_slice %arg17[%dma_wait3A_189, %dma_wait3A_190] : memref<10240x16xf32, #tpu.memory_space<vmem_shared>> -> memref<10240x16xf32, #tpu.memory_space<vmem_shared>>
      tpu.wait_indirect_dma semaphore(%arg35 : memref<!tpu.dma_semaphore, #tpu.memory_space<semaphore_mem>>) src(%arg6 : memref<40x16xf32, #tpu.memory_space<vmem>>) dst(%dma_wait3A_191 : memref<10240x16xf32, #tpu.memory_space<vmem_shared>>)
      %dma_wait3A_192 = arith.constant 0 : i32
      %dma_wait3A_193 = arith.constant 0 : i32
      %dma_wait3A_194 = tpu.memref_slice %arg17[%dma_wait3A_192, %dma_wait3A_193] : memref<10240x16xf32, #tpu.memory_space<vmem_shared>> -> memref<10240x16xf32, #tpu.memory_space<vmem_shared>>
      tpu.wait_indirect_dma semaphore(%arg36 : memref<!tpu.dma_semaphore, #tpu.memory_space<semaphore_mem>>) src(%arg6 : memref<40x16xf32, #tpu.memory_space<vmem>>) dst(%dma_wait3A_194 : memref<10240x16xf32, #tpu.memory_space<vmem_shared>>)
      %dma_wait3A_195 = arith.constant 0 : i32
      %dma_wait3A_196 = arith.constant 0 : i32
      %dma_wait3A_197 = tpu.memref_slice %arg17[%dma_wait3A_195, %dma_wait3A_196] : memref<10240x16xf32, #tpu.memory_space<vmem_shared>> -> memref<10240x16xf32, #tpu.memory_space<vmem_shared>>
      tpu.wait_indirect_dma semaphore(%arg37 : memref<!tpu.dma_semaphore, #tpu.memory_space<semaphore_mem>>) src(%arg6 : memref<40x16xf32, #tpu.memory_space<vmem>>) dst(%dma_wait3A_197 : memref<10240x16xf32, #tpu.memory_space<vmem_shared>>)
    }
    %scan3A_7 = arith.constant 25 : i32
    %barrier3A_8 = arith.constant 0 : index
    tpu.barrier barrier_id(%barrier3A_8)
    "tpu.region"() ({
      %run_scoped3A = tpu.sem_alloc : memref<!tpu.dma_semaphore, #tpu.memory_space<semaphore_mem>>
      %dma_start3A = arith.constant 0 : i32
      %dma_start3A_9 = tpu.memref_slice %arg5[%arg0, %mul3A_2, %dma_start3A] : memref<2x10240x16xf32, #tpu.memory_space<hbm>> -> memref<1x640x16xf32, #tpu.memory_space<hbm>>
      %dma_start3A_10 = tpu.memref_squeeze %dma_start3A_9 : memref<1x640x16xf32, #tpu.memory_space<hbm>> -> memref<640x16xf32, #tpu.memory_space<hbm>>
      %dma_start3A_11 = arith.constant 0 : i32
      %dma_start3A_12 = tpu.memref_slice %arg17[%mul3A_2, %dma_start3A_11] : memref<10240x16xf32, #tpu.memory_space<vmem_shared>> -> memref<640x16xf32, #tpu.memory_space<vmem_shared>>
      tpu.enqueue_dma source(%dma_start3A_12 : memref<640x16xf32, #tpu.memory_space<vmem_shared>>) target(%dma_start3A_10 : memref<640x16xf32, #tpu.memory_space<hbm>>) target_semaphore(%run_scoped3A : memref<!tpu.dma_semaphore, #tpu.memory_space<semaphore_mem>>)
      %dma_wait3A = arith.constant 0 : i32
      %dma_wait3A_13 = tpu.memref_slice %arg5[%arg0, %mul3A_2, %dma_wait3A] : memref<2x10240x16xf32, #tpu.memory_space<hbm>> -> memref<1x640x16xf32, #tpu.memory_space<hbm>>
      %dma_wait3A_14 = tpu.memref_squeeze %dma_wait3A_13 : memref<1x640x16xf32, #tpu.memory_space<hbm>> -> memref<640x16xf32, #tpu.memory_space<hbm>>
      %dma_wait3A_15 = arith.constant 0 : i32
      %dma_wait3A_16 = tpu.memref_slice %arg17[%mul3A_2, %dma_wait3A_15] : memref<10240x16xf32, #tpu.memory_space<vmem_shared>> -> memref<640x16xf32, #tpu.memory_space<vmem_shared>>
      tpu.wait_dma2 semaphore(%run_scoped3A : memref<!tpu.dma_semaphore, #tpu.memory_space<semaphore_mem>>) src(%dma_wait3A_16 : memref<640x16xf32, #tpu.memory_space<vmem_shared>>) dst(%dma_wait3A_14 : memref<640x16xf32, #tpu.memory_space<hbm>>)
      tpu.yield
    }) : () -> ()
    return
  }
}

#map = affine_map<(d0, d1) -> (0, 0)>
#map1 = affine_map<(d0, d1) -> (0)>
#map2 = affine_map<(d0, d1) -> (0, 0, 0)>
module attributes {stable_mosaic.version = 14 : i64} {
  func.func @_edge_pass(%arg0: i32, %arg1: i32, %arg2: memref<10000x128xf32, #tpu.memory_space<hbm>>, %arg3: memref<320000xi32, #tpu.memory_space<hbm>>, %arg4: memref<320000xi32, #tpu.memory_space<hbm>>, %arg5: memref<640x128xf32, #tpu.memory_space<hbm>>, %arg6: memref<2x10240x128xf32, #tpu.memory_space<hbm>>, %arg7: memref<40x128xf32, #tpu.memory_space<vmem>>, %arg8: memref<40x128xf32, #tpu.memory_space<vmem>>, %arg9: memref<40x128xf32, #tpu.memory_space<vmem>>, %arg10: memref<40x128xf32, #tpu.memory_space<vmem>>, %arg11: memref<40x128xf32, #tpu.memory_space<vmem>>, %arg12: memref<40xi32, #tpu.memory_space<vmem>>, %arg13: memref<40xi32, #tpu.memory_space<vmem>>, %arg14: memref<40xi32, #tpu.memory_space<vmem>>, %arg15: memref<40xi32, #tpu.memory_space<vmem>>, %arg16: memref<40xi32, #tpu.memory_space<vmem>>, %arg17: memref<40xi32, #tpu.memory_space<vmem>>, %arg18: memref<40xi32, #tpu.memory_space<vmem>>, %arg19: memref<40xi32, #tpu.memory_space<vmem>>, %arg20: memref<40xi32, #tpu.memory_space<vmem>>, %arg21: memref<40xi32, #tpu.memory_space<vmem>>, %arg22: memref<10240x128xf32, #tpu.memory_space<vmem_shared>>, %arg23: memref<!tpu.dma_semaphore, #tpu.memory_space<semaphore_mem>>, %arg24: memref<!tpu.dma_semaphore, #tpu.memory_space<semaphore_mem>>, %arg25: memref<!tpu.dma_semaphore, #tpu.memory_space<semaphore_mem>>, %arg26: memref<!tpu.dma_semaphore, #tpu.memory_space<semaphore_mem>>, %arg27: memref<!tpu.dma_semaphore, #tpu.memory_space<semaphore_mem>>, %arg28: memref<!tpu.dma_semaphore, #tpu.memory_space<semaphore_mem>>, %arg29: memref<!tpu.dma_semaphore, #tpu.memory_space<semaphore_mem>>, %arg30: memref<!tpu.dma_semaphore, #tpu.memory_space<semaphore_mem>>, %arg31: memref<!tpu.dma_semaphore, #tpu.memory_space<semaphore_mem>>, %arg32: memref<!tpu.dma_semaphore, #tpu.memory_space<semaphore_mem>>, %arg33: memref<!tpu.dma_semaphore, #tpu.memory_space<semaphore_mem>>, %arg34: memref<!tpu.dma_semaphore, #tpu.memory_space<semaphore_mem>>, %arg35: memref<!tpu.dma_semaphore, #tpu.memory_space<semaphore_mem>>, %arg36: memref<!tpu.dma_semaphore, #tpu.memory_space<semaphore_mem>>, %arg37: memref<!tpu.dma_semaphore, #tpu.memory_space<semaphore_mem>>, %arg38: memref<!tpu.dma_semaphore, #tpu.memory_space<semaphore_mem>>, %arg39: memref<!tpu.dma_semaphore, #tpu.memory_space<semaphore_mem>>, %arg40: memref<!tpu.dma_semaphore, #tpu.memory_space<semaphore_mem>>, %arg41: memref<!tpu.dma_semaphore, #tpu.memory_space<semaphore_mem>>, %arg42: memref<!tpu.dma_semaphore, #tpu.memory_space<semaphore_mem>>) attributes {dimension_semantics = [#tpu.dimension_semantics<core_parallel>, #tpu.dimension_semantics<subcore_parallel>], iteration_bounds = array<i64: 2, 16>, scalar_prefetch = 0 : i64, scratch_operands = 36 : i64, tpu.core_type = #tpu.core_type<sc_vector_subcore>, window_params = [{transform_indices = #map}, {transform_indices = #map1}, {transform_indices = #map1}, {transform_indices = #map}, {transform_indices = #map2}]} {
    %mul3A = arith.constant 2 : i32
    %mul3A_0 = arith.muli %arg1, %mul3A : i32
    %add3A = arith.addi %mul3A_0, %arg0 : i32
    %mul3A_1 = arith.constant 640 : i32
    %mul3A_2 = arith.muli %arg1, %mul3A_1 : i32
    "tpu.region"() ({
      %run_scoped3A = tpu.sem_alloc : memref<!tpu.dma_semaphore, #tpu.memory_space<semaphore_mem>>
      %dma_start3A = arith.constant 0 : i32
      %dma_start3A_9 = tpu.memref_slice %arg22[%mul3A_2, %dma_start3A] : memref<10240x128xf32, #tpu.memory_space<vmem_shared>> -> memref<640x128xf32, #tpu.memory_space<vmem_shared>>
      tpu.enqueue_dma source(%arg5 : memref<640x128xf32, #tpu.memory_space<hbm>>) target(%dma_start3A_9 : memref<640x128xf32, #tpu.memory_space<vmem_shared>>) target_semaphore(%run_scoped3A : memref<!tpu.dma_semaphore, #tpu.memory_space<semaphore_mem>>)
      %dma_wait3A = arith.constant 0 : i32
      %dma_wait3A_10 = tpu.memref_slice %arg22[%mul3A_2, %dma_wait3A] : memref<10240x128xf32, #tpu.memory_space<vmem_shared>> -> memref<640x128xf32, #tpu.memory_space<vmem_shared>>
      tpu.wait_dma2 semaphore(%run_scoped3A : memref<!tpu.dma_semaphore, #tpu.memory_space<semaphore_mem>>) src(%arg5 : memref<640x128xf32, #tpu.memory_space<hbm>>) dst(%dma_wait3A_10 : memref<640x128xf32, #tpu.memory_space<vmem_shared>>)
      tpu.yield
    }) : () -> ()
    %barrier3A = arith.constant 0 : index
    tpu.barrier barrier_id(%barrier3A)
    %scan3A = arith.constant 0 : i32
    %scan3A_3 = arith.constant 0 : i32
    %scan3A_4 = arith.constant 50 : i32
    %scan3A_5 = arith.addi %scan3A_3, %scan3A_4 : i32
    %scan3A_6 = arith.constant 1 : i32
    scf.for %scan3A_9 = %scan3A_3 to %scan3A_5 step %scan3A_6  : i32 {
      %mul3A_10 = arith.constant 10000 : i32
      %mul3A_11 = arith.muli %add3A, %mul3A_10 : i32
      %mul3A_12 = arith.constant 5 : i32
      %mul3A_13 = arith.muli %scan3A_9, %mul3A_12 : i32
      %add3A_14 = arith.constant 0 : i32
      %add3A_15 = arith.addi %mul3A_13, %add3A_14 : i32
      %mul3A_16 = arith.constant 40 : i32
      %mul3A_17 = arith.muli %add3A_15, %mul3A_16 : i32
      %add3A_18 = arith.addi %mul3A_11, %mul3A_17 : i32
      %dma_start3A = tpu.memref_slice %arg3[%add3A_18] : memref<320000xi32, #tpu.memory_space<hbm>> -> memref<40xi32, #tpu.memory_space<hbm>>
      %dma_start3A_19 = tpu.memref_slice %arg3[%add3A_18] : memref<320000xi32, #tpu.memory_space<hbm>> -> memref<40xi32, #tpu.memory_space<hbm>>
      tpu.enqueue_dma source(%dma_start3A_19 : memref<40xi32, #tpu.memory_space<hbm>>) target(%arg12 : memref<40xi32, #tpu.memory_space<vmem>>) target_semaphore(%arg23 : memref<!tpu.dma_semaphore, #tpu.memory_space<semaphore_mem>>)
      %dma_start3A_20 = tpu.memref_slice %arg4[%add3A_18] : memref<320000xi32, #tpu.memory_space<hbm>> -> memref<40xi32, #tpu.memory_space<hbm>>
      %dma_start3A_21 = tpu.memref_slice %arg4[%add3A_18] : memref<320000xi32, #tpu.memory_space<hbm>> -> memref<40xi32, #tpu.memory_space<hbm>>
      tpu.enqueue_dma source(%dma_start3A_21 : memref<40xi32, #tpu.memory_space<hbm>>) target(%arg17 : memref<40xi32, #tpu.memory_space<vmem>>) target_semaphore(%arg33 : memref<!tpu.dma_semaphore, #tpu.memory_space<semaphore_mem>>)
      %mul3A_22 = arith.constant 10000 : i32
      %mul3A_23 = arith.muli %add3A, %mul3A_22 : i32
      %mul3A_24 = arith.constant 5 : i32
      %mul3A_25 = arith.muli %scan3A_9, %mul3A_24 : i32
      %add3A_26 = arith.constant 1 : i32
      %add3A_27 = arith.addi %mul3A_25, %add3A_26 : i32
      %mul3A_28 = arith.constant 40 : i32
      %mul3A_29 = arith.muli %add3A_27, %mul3A_28 : i32
      %add3A_30 = arith.addi %mul3A_23, %mul3A_29 : i32
      %dma_start3A_31 = tpu.memref_slice %arg3[%add3A_30] : memref<320000xi32, #tpu.memory_space<hbm>> -> memref<40xi32, #tpu.memory_space<hbm>>
      %dma_start3A_32 = tpu.memref_slice %arg3[%add3A_30] : memref<320000xi32, #tpu.memory_space<hbm>> -> memref<40xi32, #tpu.memory_space<hbm>>
      tpu.enqueue_dma source(%dma_start3A_32 : memref<40xi32, #tpu.memory_space<hbm>>) target(%arg13 : memref<40xi32, #tpu.memory_space<vmem>>) target_semaphore(%arg24 : memref<!tpu.dma_semaphore, #tpu.memory_space<semaphore_mem>>)
      %dma_start3A_33 = tpu.memref_slice %arg4[%add3A_30] : memref<320000xi32, #tpu.memory_space<hbm>> -> memref<40xi32, #tpu.memory_space<hbm>>
      %dma_start3A_34 = tpu.memref_slice %arg4[%add3A_30] : memref<320000xi32, #tpu.memory_space<hbm>> -> memref<40xi32, #tpu.memory_space<hbm>>
      tpu.enqueue_dma source(%dma_start3A_34 : memref<40xi32, #tpu.memory_space<hbm>>) target(%arg18 : memref<40xi32, #tpu.memory_space<vmem>>) target_semaphore(%arg34 : memref<!tpu.dma_semaphore, #tpu.memory_space<semaphore_mem>>)
      %mul3A_35 = arith.constant 10000 : i32
      %mul3A_36 = arith.muli %add3A, %mul3A_35 : i32
      %mul3A_37 = arith.constant 5 : i32
      %mul3A_38 = arith.muli %scan3A_9, %mul3A_37 : i32
      %add3A_39 = arith.constant 2 : i32
      %add3A_40 = arith.addi %mul3A_38, %add3A_39 : i32
      %mul3A_41 = arith.constant 40 : i32
      %mul3A_42 = arith.muli %add3A_40, %mul3A_41 : i32
      %add3A_43 = arith.addi %mul3A_36, %mul3A_42 : i32
      %dma_start3A_44 = tpu.memref_slice %arg3[%add3A_43] : memref<320000xi32, #tpu.memory_space<hbm>> -> memref<40xi32, #tpu.memory_space<hbm>>
      %dma_start3A_45 = tpu.memref_slice %arg3[%add3A_43] : memref<320000xi32, #tpu.memory_space<hbm>> -> memref<40xi32, #tpu.memory_space<hbm>>
      tpu.enqueue_dma source(%dma_start3A_45 : memref<40xi32, #tpu.memory_space<hbm>>) target(%arg14 : memref<40xi32, #tpu.memory_space<vmem>>) target_semaphore(%arg25 : memref<!tpu.dma_semaphore, #tpu.memory_space<semaphore_mem>>)
      %dma_start3A_46 = tpu.memref_slice %arg4[%add3A_43] : memref<320000xi32, #tpu.memory_space<hbm>> -> memref<40xi32, #tpu.memory_space<hbm>>
      %dma_start3A_47 = tpu.memref_slice %arg4[%add3A_43] : memref<320000xi32, #tpu.memory_space<hbm>> -> memref<40xi32, #tpu.memory_space<hbm>>
      tpu.enqueue_dma source(%dma_start3A_47 : memref<40xi32, #tpu.memory_space<hbm>>) target(%arg19 : memref<40xi32, #tpu.memory_space<vmem>>) target_semaphore(%arg35 : memref<!tpu.dma_semaphore, #tpu.memory_space<semaphore_mem>>)
      %mul3A_48 = arith.constant 10000 : i32
      %mul3A_49 = arith.muli %add3A, %mul3A_48 : i32
      %mul3A_50 = arith.constant 5 : i32
      %mul3A_51 = arith.muli %scan3A_9, %mul3A_50 : i32
      %add3A_52 = arith.constant 3 : i32
      %add3A_53 = arith.addi %mul3A_51, %add3A_52 : i32
      %mul3A_54 = arith.constant 40 : i32
      %mul3A_55 = arith.muli %add3A_53, %mul3A_54 : i32
      %add3A_56 = arith.addi %mul3A_49, %mul3A_55 : i32
      %dma_start3A_57 = tpu.memref_slice %arg3[%add3A_56] : memref<320000xi32, #tpu.memory_space<hbm>> -> memref<40xi32, #tpu.memory_space<hbm>>
      %dma_start3A_58 = tpu.memref_slice %arg3[%add3A_56] : memref<320000xi32, #tpu.memory_space<hbm>> -> memref<40xi32, #tpu.memory_space<hbm>>
      tpu.enqueue_dma source(%dma_start3A_58 : memref<40xi32, #tpu.memory_space<hbm>>) target(%arg15 : memref<40xi32, #tpu.memory_space<vmem>>) target_semaphore(%arg26 : memref<!tpu.dma_semaphore, #tpu.memory_space<semaphore_mem>>)
      %dma_start3A_59 = tpu.memref_slice %arg4[%add3A_56] : memref<320000xi32, #tpu.memory_space<hbm>> -> memref<40xi32, #tpu.memory_space<hbm>>
      %dma_start3A_60 = tpu.memref_slice %arg4[%add3A_56] : memref<320000xi32, #tpu.memory_space<hbm>> -> memref<40xi32, #tpu.memory_space<hbm>>
      tpu.enqueue_dma source(%dma_start3A_60 : memref<40xi32, #tpu.memory_space<hbm>>) target(%arg20 : memref<40xi32, #tpu.memory_space<vmem>>) target_semaphore(%arg36 : memref<!tpu.dma_semaphore, #tpu.memory_space<semaphore_mem>>)
      %mul3A_61 = arith.constant 10000 : i32
      %mul3A_62 = arith.muli %add3A, %mul3A_61 : i32
      %mul3A_63 = arith.constant 5 : i32
      %mul3A_64 = arith.muli %scan3A_9, %mul3A_63 : i32
      %add3A_65 = arith.constant 4 : i32
      %add3A_66 = arith.addi %mul3A_64, %add3A_65 : i32
      %mul3A_67 = arith.constant 40 : i32
      %mul3A_68 = arith.muli %add3A_66, %mul3A_67 : i32
      %add3A_69 = arith.addi %mul3A_62, %mul3A_68 : i32
      %dma_start3A_70 = tpu.memref_slice %arg3[%add3A_69] : memref<320000xi32, #tpu.memory_space<hbm>> -> memref<40xi32, #tpu.memory_space<hbm>>
      %dma_start3A_71 = tpu.memref_slice %arg3[%add3A_69] : memref<320000xi32, #tpu.memory_space<hbm>> -> memref<40xi32, #tpu.memory_space<hbm>>
      tpu.enqueue_dma source(%dma_start3A_71 : memref<40xi32, #tpu.memory_space<hbm>>) target(%arg16 : memref<40xi32, #tpu.memory_space<vmem>>) target_semaphore(%arg27 : memref<!tpu.dma_semaphore, #tpu.memory_space<semaphore_mem>>)
      %dma_start3A_72 = tpu.memref_slice %arg4[%add3A_69] : memref<320000xi32, #tpu.memory_space<hbm>> -> memref<40xi32, #tpu.memory_space<hbm>>
      %dma_start3A_73 = tpu.memref_slice %arg4[%add3A_69] : memref<320000xi32, #tpu.memory_space<hbm>> -> memref<40xi32, #tpu.memory_space<hbm>>
      tpu.enqueue_dma source(%dma_start3A_73 : memref<40xi32, #tpu.memory_space<hbm>>) target(%arg21 : memref<40xi32, #tpu.memory_space<vmem>>) target_semaphore(%arg37 : memref<!tpu.dma_semaphore, #tpu.memory_space<semaphore_mem>>)
      %dma_wait3A = tpu.memref_slice %arg3[%add3A_18] : memref<320000xi32, #tpu.memory_space<hbm>> -> memref<40xi32, #tpu.memory_space<hbm>>
      %dma_wait3A_74 = tpu.memref_slice %arg3[%add3A_18] : memref<320000xi32, #tpu.memory_space<hbm>> -> memref<40xi32, #tpu.memory_space<hbm>>
      tpu.wait_dma2 semaphore(%arg23 : memref<!tpu.dma_semaphore, #tpu.memory_space<semaphore_mem>>) src(%dma_wait3A_74 : memref<40xi32, #tpu.memory_space<hbm>>) dst(%arg12 : memref<40xi32, #tpu.memory_space<vmem>>)
      %dma_start3A_75 = arith.constant 0 : i32
      %dma_start3A_76 = arith.constant 0 : i32
      %dma_start3A_77 = tpu.memref_slice %arg2[%dma_start3A_75, %dma_start3A_76] : memref<10000x128xf32, #tpu.memory_space<hbm>> -> memref<10000x128xf32, #tpu.memory_space<hbm>>
      tpu.enqueue_indirect_dma source(%dma_start3A_77 : memref<10000x128xf32, #tpu.memory_space<hbm>>) target(%arg7 : memref<40x128xf32, #tpu.memory_space<vmem>>) offsets(%arg12 : memref<40xi32, #tpu.memory_space<vmem>>) semaphore(%arg28 : memref<!tpu.dma_semaphore, #tpu.memory_space<semaphore_mem>>)
      %dma_wait3A_78 = tpu.memref_slice %arg3[%add3A_30] : memref<320000xi32, #tpu.memory_space<hbm>> -> memref<40xi32, #tpu.memory_space<hbm>>
      %dma_wait3A_79 = tpu.memref_slice %arg3[%add3A_30] : memref<320000xi32, #tpu.memory_space<hbm>> -> memref<40xi32, #tpu.memory_space<hbm>>
      tpu.wait_dma2 semaphore(%arg24 : memref<!tpu.dma_semaphore, #tpu.memory_space<semaphore_mem>>) src(%dma_wait3A_79 : memref<40xi32, #tpu.memory_space<hbm>>) dst(%arg13 : memref<40xi32, #tpu.memory_space<vmem>>)
      %dma_start3A_80 = arith.constant 0 : i32
      %dma_start3A_81 = arith.constant 0 : i32
      %dma_start3A_82 = tpu.memref_slice %arg2[%dma_start3A_80, %dma_start3A_81] : memref<10000x128xf32, #tpu.memory_space<hbm>> -> memref<10000x128xf32, #tpu.memory_space<hbm>>
      tpu.enqueue_indirect_dma source(%dma_start3A_82 : memref<10000x128xf32, #tpu.memory_space<hbm>>) target(%arg8 : memref<40x128xf32, #tpu.memory_space<vmem>>) offsets(%arg13 : memref<40xi32, #tpu.memory_space<vmem>>) semaphore(%arg29 : memref<!tpu.dma_semaphore, #tpu.memory_space<semaphore_mem>>)
      %dma_wait3A_83 = tpu.memref_slice %arg3[%add3A_43] : memref<320000xi32, #tpu.memory_space<hbm>> -> memref<40xi32, #tpu.memory_space<hbm>>
      %dma_wait3A_84 = tpu.memref_slice %arg3[%add3A_43] : memref<320000xi32, #tpu.memory_space<hbm>> -> memref<40xi32, #tpu.memory_space<hbm>>
      tpu.wait_dma2 semaphore(%arg25 : memref<!tpu.dma_semaphore, #tpu.memory_space<semaphore_mem>>) src(%dma_wait3A_84 : memref<40xi32, #tpu.memory_space<hbm>>) dst(%arg14 : memref<40xi32, #tpu.memory_space<vmem>>)
      %dma_start3A_85 = arith.constant 0 : i32
      %dma_start3A_86 = arith.constant 0 : i32
      %dma_start3A_87 = tpu.memref_slice %arg2[%dma_start3A_85, %dma_start3A_86] : memref<10000x128xf32, #tpu.memory_space<hbm>> -> memref<10000x128xf32, #tpu.memory_space<hbm>>
      tpu.enqueue_indirect_dma source(%dma_start3A_87 : memref<10000x128xf32, #tpu.memory_space<hbm>>) target(%arg9 : memref<40x128xf32, #tpu.memory_space<vmem>>) offsets(%arg14 : memref<40xi32, #tpu.memory_space<vmem>>) semaphore(%arg30 : memref<!tpu.dma_semaphore, #tpu.memory_space<semaphore_mem>>)
      %dma_wait3A_88 = tpu.memref_slice %arg3[%add3A_56] : memref<320000xi32, #tpu.memory_space<hbm>> -> memref<40xi32, #tpu.memory_space<hbm>>
      %dma_wait3A_89 = tpu.memref_slice %arg3[%add3A_56] : memref<320000xi32, #tpu.memory_space<hbm>> -> memref<40xi32, #tpu.memory_space<hbm>>
      tpu.wait_dma2 semaphore(%arg26 : memref<!tpu.dma_semaphore, #tpu.memory_space<semaphore_mem>>) src(%dma_wait3A_89 : memref<40xi32, #tpu.memory_space<hbm>>) dst(%arg15 : memref<40xi32, #tpu.memory_space<vmem>>)
      %dma_start3A_90 = arith.constant 0 : i32
      %dma_start3A_91 = arith.constant 0 : i32
      %dma_start3A_92 = tpu.memref_slice %arg2[%dma_start3A_90, %dma_start3A_91] : memref<10000x128xf32, #tpu.memory_space<hbm>> -> memref<10000x128xf32, #tpu.memory_space<hbm>>
      tpu.enqueue_indirect_dma source(%dma_start3A_92 : memref<10000x128xf32, #tpu.memory_space<hbm>>) target(%arg10 : memref<40x128xf32, #tpu.memory_space<vmem>>) offsets(%arg15 : memref<40xi32, #tpu.memory_space<vmem>>) semaphore(%arg31 : memref<!tpu.dma_semaphore, #tpu.memory_space<semaphore_mem>>)
      %dma_wait3A_93 = tpu.memref_slice %arg3[%add3A_69] : memref<320000xi32, #tpu.memory_space<hbm>> -> memref<40xi32, #tpu.memory_space<hbm>>
      %dma_wait3A_94 = tpu.memref_slice %arg3[%add3A_69] : memref<320000xi32, #tpu.memory_space<hbm>> -> memref<40xi32, #tpu.memory_space<hbm>>
      tpu.wait_dma2 semaphore(%arg27 : memref<!tpu.dma_semaphore, #tpu.memory_space<semaphore_mem>>) src(%dma_wait3A_94 : memref<40xi32, #tpu.memory_space<hbm>>) dst(%arg16 : memref<40xi32, #tpu.memory_space<vmem>>)
      %dma_start3A_95 = arith.constant 0 : i32
      %dma_start3A_96 = arith.constant 0 : i32
      %dma_start3A_97 = tpu.memref_slice %arg2[%dma_start3A_95, %dma_start3A_96] : memref<10000x128xf32, #tpu.memory_space<hbm>> -> memref<10000x128xf32, #tpu.memory_space<hbm>>
      tpu.enqueue_indirect_dma source(%dma_start3A_97 : memref<10000x128xf32, #tpu.memory_space<hbm>>) target(%arg11 : memref<40x128xf32, #tpu.memory_space<vmem>>) offsets(%arg16 : memref<40xi32, #tpu.memory_space<vmem>>) semaphore(%arg32 : memref<!tpu.dma_semaphore, #tpu.memory_space<semaphore_mem>>)
      %dma_wait3A_98 = arith.constant 0 : i32
      %dma_wait3A_99 = arith.constant 0 : i32
      %dma_wait3A_100 = tpu.memref_slice %arg2[%dma_wait3A_98, %dma_wait3A_99] : memref<10000x128xf32, #tpu.memory_space<hbm>> -> memref<10000x128xf32, #tpu.memory_space<hbm>>
      tpu.wait_indirect_dma semaphore(%arg28 : memref<!tpu.dma_semaphore, #tpu.memory_space<semaphore_mem>>) src(%dma_wait3A_100 : memref<10000x128xf32, #tpu.memory_space<hbm>>) dst(%arg7 : memref<40x128xf32, #tpu.memory_space<vmem>>)
      %dma_wait3A_101 = tpu.memref_slice %arg4[%add3A_18] : memref<320000xi32, #tpu.memory_space<hbm>> -> memref<40xi32, #tpu.memory_space<hbm>>
      %dma_wait3A_102 = tpu.memref_slice %arg4[%add3A_18] : memref<320000xi32, #tpu.memory_space<hbm>> -> memref<40xi32, #tpu.memory_space<hbm>>
      tpu.wait_dma2 semaphore(%arg33 : memref<!tpu.dma_semaphore, #tpu.memory_space<semaphore_mem>>) src(%dma_wait3A_102 : memref<40xi32, #tpu.memory_space<hbm>>) dst(%arg17 : memref<40xi32, #tpu.memory_space<vmem>>)
      "tpu.region"() ({
        %run_scoped3A = tpu.sem_alloc : memref<!tpu.dma_semaphore, #tpu.memory_space<semaphore_mem>>
        %dma_start3A_123 = arith.constant 0 : i32
        %dma_start3A_124 = arith.constant 0 : i32
        %dma_start3A_125 = tpu.memref_slice %arg22[%dma_start3A_123, %dma_start3A_124] : memref<10240x128xf32, #tpu.memory_space<vmem_shared>> -> memref<10240x128xf32, #tpu.memory_space<vmem_shared>>
        tpu.enqueue_indirect_dma source(%arg7 : memref<40x128xf32, #tpu.memory_space<vmem>>) target(%dma_start3A_125 : memref<10240x128xf32, #tpu.memory_space<vmem_shared>>) offsets(%arg17 : memref<40xi32, #tpu.memory_space<vmem>>) semaphore(%run_scoped3A : memref<!tpu.dma_semaphore, #tpu.memory_space<semaphore_mem>>) {add = true}
        %dma_wait3A_126 = arith.constant 0 : i32
        %dma_wait3A_127 = arith.constant 0 : i32
        %dma_wait3A_128 = tpu.memref_slice %arg22[%dma_wait3A_126, %dma_wait3A_127] : memref<10240x128xf32, #tpu.memory_space<vmem_shared>> -> memref<10240x128xf32, #tpu.memory_space<vmem_shared>>
        tpu.wait_indirect_dma semaphore(%run_scoped3A : memref<!tpu.dma_semaphore, #tpu.memory_space<semaphore_mem>>) src(%arg7 : memref<40x128xf32, #tpu.memory_space<vmem>>) dst(%dma_wait3A_128 : memref<10240x128xf32, #tpu.memory_space<vmem_shared>>)
        tpu.yield
      }) : () -> ()
      %dma_wait3A_103 = arith.constant 0 : i32
      %dma_wait3A_104 = arith.constant 0 : i32
      %dma_wait3A_105 = tpu.memref_slice %arg2[%dma_wait3A_103, %dma_wait3A_104] : memref<10000x128xf32, #tpu.memory_space<hbm>> -> memref<10000x128xf32, #tpu.memory_space<hbm>>
      tpu.wait_indirect_dma semaphore(%arg29 : memref<!tpu.dma_semaphore, #tpu.memory_space<semaphore_mem>>) src(%dma_wait3A_105 : memref<10000x128xf32, #tpu.memory_space<hbm>>) dst(%arg8 : memref<40x128xf32, #tpu.memory_space<vmem>>)
      %dma_wait3A_106 = tpu.memref_slice %arg4[%add3A_30] : memref<320000xi32, #tpu.memory_space<hbm>> -> memref<40xi32, #tpu.memory_space<hbm>>
      %dma_wait3A_107 = tpu.memref_slice %arg4[%add3A_30] : memref<320000xi32, #tpu.memory_space<hbm>> -> memref<40xi32, #tpu.memory_space<hbm>>
      tpu.wait_dma2 semaphore(%arg34 : memref<!tpu.dma_semaphore, #tpu.memory_space<semaphore_mem>>) src(%dma_wait3A_107 : memref<40xi32, #tpu.memory_space<hbm>>) dst(%arg18 : memref<40xi32, #tpu.memory_space<vmem>>)
      "tpu.region"() ({
        %run_scoped3A = tpu.sem_alloc : memref<!tpu.dma_semaphore, #tpu.memory_space<semaphore_mem>>
        %dma_start3A_123 = arith.constant 0 : i32
        %dma_start3A_124 = arith.constant 0 : i32
        %dma_start3A_125 = tpu.memref_slice %arg22[%dma_start3A_123, %dma_start3A_124] : memref<10240x128xf32, #tpu.memory_space<vmem_shared>> -> memref<10240x128xf32, #tpu.memory_space<vmem_shared>>
        tpu.enqueue_indirect_dma source(%arg8 : memref<40x128xf32, #tpu.memory_space<vmem>>) target(%dma_start3A_125 : memref<10240x128xf32, #tpu.memory_space<vmem_shared>>) offsets(%arg18 : memref<40xi32, #tpu.memory_space<vmem>>) semaphore(%run_scoped3A : memref<!tpu.dma_semaphore, #tpu.memory_space<semaphore_mem>>) {add = true}
        %dma_wait3A_126 = arith.constant 0 : i32
        %dma_wait3A_127 = arith.constant 0 : i32
        %dma_wait3A_128 = tpu.memref_slice %arg22[%dma_wait3A_126, %dma_wait3A_127] : memref<10240x128xf32, #tpu.memory_space<vmem_shared>> -> memref<10240x128xf32, #tpu.memory_space<vmem_shared>>
        tpu.wait_indirect_dma semaphore(%run_scoped3A : memref<!tpu.dma_semaphore, #tpu.memory_space<semaphore_mem>>) src(%arg8 : memref<40x128xf32, #tpu.memory_space<vmem>>) dst(%dma_wait3A_128 : memref<10240x128xf32, #tpu.memory_space<vmem_shared>>)
        tpu.yield
      }) : () -> ()
      %dma_wait3A_108 = arith.constant 0 : i32
      %dma_wait3A_109 = arith.constant 0 : i32
      %dma_wait3A_110 = tpu.memref_slice %arg2[%dma_wait3A_108, %dma_wait3A_109] : memref<10000x128xf32, #tpu.memory_space<hbm>> -> memref<10000x128xf32, #tpu.memory_space<hbm>>
      tpu.wait_indirect_dma semaphore(%arg30 : memref<!tpu.dma_semaphore, #tpu.memory_space<semaphore_mem>>) src(%dma_wait3A_110 : memref<10000x128xf32, #tpu.memory_space<hbm>>) dst(%arg9 : memref<40x128xf32, #tpu.memory_space<vmem>>)
      %dma_wait3A_111 = tpu.memref_slice %arg4[%add3A_43] : memref<320000xi32, #tpu.memory_space<hbm>> -> memref<40xi32, #tpu.memory_space<hbm>>
      %dma_wait3A_112 = tpu.memref_slice %arg4[%add3A_43] : memref<320000xi32, #tpu.memory_space<hbm>> -> memref<40xi32, #tpu.memory_space<hbm>>
      tpu.wait_dma2 semaphore(%arg35 : memref<!tpu.dma_semaphore, #tpu.memory_space<semaphore_mem>>) src(%dma_wait3A_112 : memref<40xi32, #tpu.memory_space<hbm>>) dst(%arg19 : memref<40xi32, #tpu.memory_space<vmem>>)
      "tpu.region"() ({
        %run_scoped3A = tpu.sem_alloc : memref<!tpu.dma_semaphore, #tpu.memory_space<semaphore_mem>>
        %dma_start3A_123 = arith.constant 0 : i32
        %dma_start3A_124 = arith.constant 0 : i32
        %dma_start3A_125 = tpu.memref_slice %arg22[%dma_start3A_123, %dma_start3A_124] : memref<10240x128xf32, #tpu.memory_space<vmem_shared>> -> memref<10240x128xf32, #tpu.memory_space<vmem_shared>>
        tpu.enqueue_indirect_dma source(%arg9 : memref<40x128xf32, #tpu.memory_space<vmem>>) target(%dma_start3A_125 : memref<10240x128xf32, #tpu.memory_space<vmem_shared>>) offsets(%arg19 : memref<40xi32, #tpu.memory_space<vmem>>) semaphore(%run_scoped3A : memref<!tpu.dma_semaphore, #tpu.memory_space<semaphore_mem>>) {add = true}
        %dma_wait3A_126 = arith.constant 0 : i32
        %dma_wait3A_127 = arith.constant 0 : i32
        %dma_wait3A_128 = tpu.memref_slice %arg22[%dma_wait3A_126, %dma_wait3A_127] : memref<10240x128xf32, #tpu.memory_space<vmem_shared>> -> memref<10240x128xf32, #tpu.memory_space<vmem_shared>>
        tpu.wait_indirect_dma semaphore(%run_scoped3A : memref<!tpu.dma_semaphore, #tpu.memory_space<semaphore_mem>>) src(%arg9 : memref<40x128xf32, #tpu.memory_space<vmem>>) dst(%dma_wait3A_128 : memref<10240x128xf32, #tpu.memory_space<vmem_shared>>)
        tpu.yield
      }) : () -> ()
      %dma_wait3A_113 = arith.constant 0 : i32
      %dma_wait3A_114 = arith.constant 0 : i32
      %dma_wait3A_115 = tpu.memref_slice %arg2[%dma_wait3A_113, %dma_wait3A_114] : memref<10000x128xf32, #tpu.memory_space<hbm>> -> memref<10000x128xf32, #tpu.memory_space<hbm>>
      tpu.wait_indirect_dma semaphore(%arg31 : memref<!tpu.dma_semaphore, #tpu.memory_space<semaphore_mem>>) src(%dma_wait3A_115 : memref<10000x128xf32, #tpu.memory_space<hbm>>) dst(%arg10 : memref<40x128xf32, #tpu.memory_space<vmem>>)
      %dma_wait3A_116 = tpu.memref_slice %arg4[%add3A_56] : memref<320000xi32, #tpu.memory_space<hbm>> -> memref<40xi32, #tpu.memory_space<hbm>>
      %dma_wait3A_117 = tpu.memref_slice %arg4[%add3A_56] : memref<320000xi32, #tpu.memory_space<hbm>> -> memref<40xi32, #tpu.memory_space<hbm>>
      tpu.wait_dma2 semaphore(%arg36 : memref<!tpu.dma_semaphore, #tpu.memory_space<semaphore_mem>>) src(%dma_wait3A_117 : memref<40xi32, #tpu.memory_space<hbm>>) dst(%arg20 : memref<40xi32, #tpu.memory_space<vmem>>)
      "tpu.region"() ({
        %run_scoped3A = tpu.sem_alloc : memref<!tpu.dma_semaphore, #tpu.memory_space<semaphore_mem>>
        %dma_start3A_123 = arith.constant 0 : i32
        %dma_start3A_124 = arith.constant 0 : i32
        %dma_start3A_125 = tpu.memref_slice %arg22[%dma_start3A_123, %dma_start3A_124] : memref<10240x128xf32, #tpu.memory_space<vmem_shared>> -> memref<10240x128xf32, #tpu.memory_space<vmem_shared>>
        tpu.enqueue_indirect_dma source(%arg10 : memref<40x128xf32, #tpu.memory_space<vmem>>) target(%dma_start3A_125 : memref<10240x128xf32, #tpu.memory_space<vmem_shared>>) offsets(%arg20 : memref<40xi32, #tpu.memory_space<vmem>>) semaphore(%run_scoped3A : memref<!tpu.dma_semaphore, #tpu.memory_space<semaphore_mem>>) {add = true}
        %dma_wait3A_126 = arith.constant 0 : i32
        %dma_wait3A_127 = arith.constant 0 : i32
        %dma_wait3A_128 = tpu.memref_slice %arg22[%dma_wait3A_126, %dma_wait3A_127] : memref<10240x128xf32, #tpu.memory_space<vmem_shared>> -> memref<10240x128xf32, #tpu.memory_space<vmem_shared>>
        tpu.wait_indirect_dma semaphore(%run_scoped3A : memref<!tpu.dma_semaphore, #tpu.memory_space<semaphore_mem>>) src(%arg10 : memref<40x128xf32, #tpu.memory_space<vmem>>) dst(%dma_wait3A_128 : memref<10240x128xf32, #tpu.memory_space<vmem_shared>>)
        tpu.yield
      }) : () -> ()
      %dma_wait3A_118 = arith.constant 0 : i32
      %dma_wait3A_119 = arith.constant 0 : i32
      %dma_wait3A_120 = tpu.memref_slice %arg2[%dma_wait3A_118, %dma_wait3A_119] : memref<10000x128xf32, #tpu.memory_space<hbm>> -> memref<10000x128xf32, #tpu.memory_space<hbm>>
      tpu.wait_indirect_dma semaphore(%arg32 : memref<!tpu.dma_semaphore, #tpu.memory_space<semaphore_mem>>) src(%dma_wait3A_120 : memref<10000x128xf32, #tpu.memory_space<hbm>>) dst(%arg11 : memref<40x128xf32, #tpu.memory_space<vmem>>)
      %dma_wait3A_121 = tpu.memref_slice %arg4[%add3A_69] : memref<320000xi32, #tpu.memory_space<hbm>> -> memref<40xi32, #tpu.memory_space<hbm>>
      %dma_wait3A_122 = tpu.memref_slice %arg4[%add3A_69] : memref<320000xi32, #tpu.memory_space<hbm>> -> memref<40xi32, #tpu.memory_space<hbm>>
      tpu.wait_dma2 semaphore(%arg37 : memref<!tpu.dma_semaphore, #tpu.memory_space<semaphore_mem>>) src(%dma_wait3A_122 : memref<40xi32, #tpu.memory_space<hbm>>) dst(%arg21 : memref<40xi32, #tpu.memory_space<vmem>>)
      "tpu.region"() ({
        %run_scoped3A = tpu.sem_alloc : memref<!tpu.dma_semaphore, #tpu.memory_space<semaphore_mem>>
        %dma_start3A_123 = arith.constant 0 : i32
        %dma_start3A_124 = arith.constant 0 : i32
        %dma_start3A_125 = tpu.memref_slice %arg22[%dma_start3A_123, %dma_start3A_124] : memref<10240x128xf32, #tpu.memory_space<vmem_shared>> -> memref<10240x128xf32, #tpu.memory_space<vmem_shared>>
        tpu.enqueue_indirect_dma source(%arg11 : memref<40x128xf32, #tpu.memory_space<vmem>>) target(%dma_start3A_125 : memref<10240x128xf32, #tpu.memory_space<vmem_shared>>) offsets(%arg21 : memref<40xi32, #tpu.memory_space<vmem>>) semaphore(%run_scoped3A : memref<!tpu.dma_semaphore, #tpu.memory_space<semaphore_mem>>) {add = true}
        %dma_wait3A_126 = arith.constant 0 : i32
        %dma_wait3A_127 = arith.constant 0 : i32
        %dma_wait3A_128 = tpu.memref_slice %arg22[%dma_wait3A_126, %dma_wait3A_127] : memref<10240x128xf32, #tpu.memory_space<vmem_shared>> -> memref<10240x128xf32, #tpu.memory_space<vmem_shared>>
        tpu.wait_indirect_dma semaphore(%run_scoped3A : memref<!tpu.dma_semaphore, #tpu.memory_space<semaphore_mem>>) src(%arg11 : memref<40x128xf32, #tpu.memory_space<vmem>>) dst(%dma_wait3A_128 : memref<10240x128xf32, #tpu.memory_space<vmem_shared>>)
        tpu.yield
      }) : () -> ()
    }
    %scan3A_7 = arith.constant 50 : i32
    %barrier3A_8 = arith.constant 0 : index
    tpu.barrier barrier_id(%barrier3A_8)
    "tpu.region"() ({
      %run_scoped3A = tpu.sem_alloc : memref<!tpu.dma_semaphore, #tpu.memory_space<semaphore_mem>>
      %dma_start3A = arith.constant 0 : i32
      %dma_start3A_9 = tpu.memref_slice %arg6[%arg0, %mul3A_2, %dma_start3A] : memref<2x10240x128xf32, #tpu.memory_space<hbm>> -> memref<1x640x128xf32, #tpu.memory_space<hbm>>
      %dma_start3A_10 = tpu.memref_squeeze %dma_start3A_9 : memref<1x640x128xf32, #tpu.memory_space<hbm>> -> memref<640x128xf32, #tpu.memory_space<hbm>>
      %dma_start3A_11 = arith.constant 0 : i32
      %dma_start3A_12 = tpu.memref_slice %arg22[%mul3A_2, %dma_start3A_11] : memref<10240x128xf32, #tpu.memory_space<vmem_shared>> -> memref<640x128xf32, #tpu.memory_space<vmem_shared>>
      tpu.enqueue_dma source(%dma_start3A_12 : memref<640x128xf32, #tpu.memory_space<vmem_shared>>) target(%dma_start3A_10 : memref<640x128xf32, #tpu.memory_space<hbm>>) target_semaphore(%run_scoped3A : memref<!tpu.dma_semaphore, #tpu.memory_space<semaphore_mem>>)
      %dma_wait3A = arith.constant 0 : i32
      %dma_wait3A_13 = tpu.memref_slice %arg6[%arg0, %mul3A_2, %dma_wait3A] : memref<2x10240x128xf32, #tpu.memory_space<hbm>> -> memref<1x640x128xf32, #tpu.memory_space<hbm>>
      %dma_wait3A_14 = tpu.memref_squeeze %dma_wait3A_13 : memref<1x640x128xf32, #tpu.memory_space<hbm>> -> memref<640x128xf32, #tpu.memory_space<hbm>>
      %dma_wait3A_15 = arith.constant 0 : i32
      %dma_wait3A_16 = tpu.memref_slice %arg22[%mul3A_2, %dma_wait3A_15] : memref<10240x128xf32, #tpu.memory_space<vmem_shared>> -> memref<640x128xf32, #tpu.memory_space<vmem_shared>>
      tpu.wait_dma2 semaphore(%run_scoped3A : memref<!tpu.dma_semaphore, #tpu.memory_space<semaphore_mem>>) src(%dma_wait3A_16 : memref<640x128xf32, #tpu.memory_space<vmem_shared>>) dst(%dma_wait3A_14 : memref<640x128xf32, #tpu.memory_space<hbm>>)
      tpu.yield
    }) : () -> ()
    return
  }
}

#map = affine_map<(d0, d1) -> (0, 0)>
#map1 = affine_map<(d0, d1) -> (0)>
#map2 = affine_map<(d0, d1) -> (0, 0, 0)>
module attributes {stable_mosaic.version = 14 : i64} {
  func.func @_edge_pass(%arg0: i32, %arg1: i32, %arg2: memref<10000x128xf32, #tpu.memory_space<hbm>>, %arg3: memref<320000xi32, #tpu.memory_space<hbm>>, %arg4: memref<320000xi32, #tpu.memory_space<hbm>>, %arg5: memref<640x128xf32, #tpu.memory_space<hbm>>, %arg6: memref<2x10240x128xf32, #tpu.memory_space<hbm>>, %arg7: memref<40x128xf32, #tpu.memory_space<vmem>>, %arg8: memref<40x128xf32, #tpu.memory_space<vmem>>, %arg9: memref<40x128xf32, #tpu.memory_space<vmem>>, %arg10: memref<40x128xf32, #tpu.memory_space<vmem>>, %arg11: memref<40x128xf32, #tpu.memory_space<vmem>>, %arg12: memref<40xi32, #tpu.memory_space<vmem>>, %arg13: memref<40xi32, #tpu.memory_space<vmem>>, %arg14: memref<40xi32, #tpu.memory_space<vmem>>, %arg15: memref<40xi32, #tpu.memory_space<vmem>>, %arg16: memref<40xi32, #tpu.memory_space<vmem>>, %arg17: memref<40xi32, #tpu.memory_space<vmem>>, %arg18: memref<40xi32, #tpu.memory_space<vmem>>, %arg19: memref<40xi32, #tpu.memory_space<vmem>>, %arg20: memref<40xi32, #tpu.memory_space<vmem>>, %arg21: memref<40xi32, #tpu.memory_space<vmem>>, %arg22: memref<10240x128xf32, #tpu.memory_space<vmem_shared>>, %arg23: memref<!tpu.dma_semaphore, #tpu.memory_space<semaphore_mem>>, %arg24: memref<!tpu.dma_semaphore, #tpu.memory_space<semaphore_mem>>, %arg25: memref<!tpu.dma_semaphore, #tpu.memory_space<semaphore_mem>>, %arg26: memref<!tpu.dma_semaphore, #tpu.memory_space<semaphore_mem>>, %arg27: memref<!tpu.dma_semaphore, #tpu.memory_space<semaphore_mem>>, %arg28: memref<!tpu.dma_semaphore, #tpu.memory_space<semaphore_mem>>, %arg29: memref<!tpu.dma_semaphore, #tpu.memory_space<semaphore_mem>>, %arg30: memref<!tpu.dma_semaphore, #tpu.memory_space<semaphore_mem>>, %arg31: memref<!tpu.dma_semaphore, #tpu.memory_space<semaphore_mem>>, %arg32: memref<!tpu.dma_semaphore, #tpu.memory_space<semaphore_mem>>, %arg33: memref<!tpu.dma_semaphore, #tpu.memory_space<semaphore_mem>>, %arg34: memref<!tpu.dma_semaphore, #tpu.memory_space<semaphore_mem>>, %arg35: memref<!tpu.dma_semaphore, #tpu.memory_space<semaphore_mem>>, %arg36: memref<!tpu.dma_semaphore, #tpu.memory_space<semaphore_mem>>, %arg37: memref<!tpu.dma_semaphore, #tpu.memory_space<semaphore_mem>>, %arg38: memref<!tpu.dma_semaphore, #tpu.memory_space<semaphore_mem>>, %arg39: memref<!tpu.dma_semaphore, #tpu.memory_space<semaphore_mem>>, %arg40: memref<!tpu.dma_semaphore, #tpu.memory_space<semaphore_mem>>, %arg41: memref<!tpu.dma_semaphore, #tpu.memory_space<semaphore_mem>>, %arg42: memref<!tpu.dma_semaphore, #tpu.memory_space<semaphore_mem>>) attributes {dimension_semantics = [#tpu.dimension_semantics<core_parallel>, #tpu.dimension_semantics<subcore_parallel>], iteration_bounds = array<i64: 2, 16>, scalar_prefetch = 0 : i64, scratch_operands = 36 : i64, tpu.core_type = #tpu.core_type<sc_vector_subcore>, window_params = [{transform_indices = #map}, {transform_indices = #map1}, {transform_indices = #map1}, {transform_indices = #map}, {transform_indices = #map2}]} {
    %mul3A = arith.constant 2 : i32
    %mul3A_0 = arith.muli %arg1, %mul3A : i32
    %add3A = arith.addi %mul3A_0, %arg0 : i32
    %mul3A_1 = arith.constant 640 : i32
    %mul3A_2 = arith.muli %arg1, %mul3A_1 : i32
    "tpu.region"() ({
      %run_scoped3A = tpu.sem_alloc : memref<!tpu.dma_semaphore, #tpu.memory_space<semaphore_mem>>
      %dma_start3A = arith.constant 0 : i32
      %dma_start3A_9 = tpu.memref_slice %arg22[%mul3A_2, %dma_start3A] : memref<10240x128xf32, #tpu.memory_space<vmem_shared>> -> memref<640x128xf32, #tpu.memory_space<vmem_shared>>
      tpu.enqueue_dma source(%arg5 : memref<640x128xf32, #tpu.memory_space<hbm>>) target(%dma_start3A_9 : memref<640x128xf32, #tpu.memory_space<vmem_shared>>) target_semaphore(%run_scoped3A : memref<!tpu.dma_semaphore, #tpu.memory_space<semaphore_mem>>)
      %dma_wait3A = arith.constant 0 : i32
      %dma_wait3A_10 = tpu.memref_slice %arg22[%mul3A_2, %dma_wait3A] : memref<10240x128xf32, #tpu.memory_space<vmem_shared>> -> memref<640x128xf32, #tpu.memory_space<vmem_shared>>
      tpu.wait_dma2 semaphore(%run_scoped3A : memref<!tpu.dma_semaphore, #tpu.memory_space<semaphore_mem>>) src(%arg5 : memref<640x128xf32, #tpu.memory_space<hbm>>) dst(%dma_wait3A_10 : memref<640x128xf32, #tpu.memory_space<vmem_shared>>)
      tpu.yield
    }) : () -> ()
    %barrier3A = arith.constant 0 : index
    tpu.barrier barrier_id(%barrier3A)
    %scan3A = arith.constant 0 : i32
    %scan3A_3 = arith.constant 0 : i32
    %scan3A_4 = arith.constant 50 : i32
    %scan3A_5 = arith.addi %scan3A_3, %scan3A_4 : i32
    %scan3A_6 = arith.constant 1 : i32
    scf.for %scan3A_9 = %scan3A_3 to %scan3A_5 step %scan3A_6  : i32 {
      %mul3A_10 = arith.constant 10000 : i32
      %mul3A_11 = arith.muli %add3A, %mul3A_10 : i32
      %mul3A_12 = arith.constant 5 : i32
      %mul3A_13 = arith.muli %scan3A_9, %mul3A_12 : i32
      %add3A_14 = arith.constant 0 : i32
      %add3A_15 = arith.addi %mul3A_13, %add3A_14 : i32
      %mul3A_16 = arith.constant 40 : i32
      %mul3A_17 = arith.muli %add3A_15, %mul3A_16 : i32
      %add3A_18 = arith.addi %mul3A_11, %mul3A_17 : i32
      %dma_start3A = tpu.memref_slice %arg3[%add3A_18] : memref<320000xi32, #tpu.memory_space<hbm>> -> memref<40xi32, #tpu.memory_space<hbm>>
      %dma_start3A_19 = tpu.memref_slice %arg3[%add3A_18] : memref<320000xi32, #tpu.memory_space<hbm>> -> memref<40xi32, #tpu.memory_space<hbm>>
      tpu.enqueue_dma source(%dma_start3A_19 : memref<40xi32, #tpu.memory_space<hbm>>) target(%arg12 : memref<40xi32, #tpu.memory_space<vmem>>) target_semaphore(%arg23 : memref<!tpu.dma_semaphore, #tpu.memory_space<semaphore_mem>>)
      %dma_start3A_20 = tpu.memref_slice %arg4[%add3A_18] : memref<320000xi32, #tpu.memory_space<hbm>> -> memref<40xi32, #tpu.memory_space<hbm>>
      %dma_start3A_21 = tpu.memref_slice %arg4[%add3A_18] : memref<320000xi32, #tpu.memory_space<hbm>> -> memref<40xi32, #tpu.memory_space<hbm>>
      tpu.enqueue_dma source(%dma_start3A_21 : memref<40xi32, #tpu.memory_space<hbm>>) target(%arg17 : memref<40xi32, #tpu.memory_space<vmem>>) target_semaphore(%arg33 : memref<!tpu.dma_semaphore, #tpu.memory_space<semaphore_mem>>)
      %mul3A_22 = arith.constant 10000 : i32
      %mul3A_23 = arith.muli %add3A, %mul3A_22 : i32
      %mul3A_24 = arith.constant 5 : i32
      %mul3A_25 = arith.muli %scan3A_9, %mul3A_24 : i32
      %add3A_26 = arith.constant 1 : i32
      %add3A_27 = arith.addi %mul3A_25, %add3A_26 : i32
      %mul3A_28 = arith.constant 40 : i32
      %mul3A_29 = arith.muli %add3A_27, %mul3A_28 : i32
      %add3A_30 = arith.addi %mul3A_23, %mul3A_29 : i32
      %dma_start3A_31 = tpu.memref_slice %arg3[%add3A_30] : memref<320000xi32, #tpu.memory_space<hbm>> -> memref<40xi32, #tpu.memory_space<hbm>>
      %dma_start3A_32 = tpu.memref_slice %arg3[%add3A_30] : memref<320000xi32, #tpu.memory_space<hbm>> -> memref<40xi32, #tpu.memory_space<hbm>>
      tpu.enqueue_dma source(%dma_start3A_32 : memref<40xi32, #tpu.memory_space<hbm>>) target(%arg13 : memref<40xi32, #tpu.memory_space<vmem>>) target_semaphore(%arg24 : memref<!tpu.dma_semaphore, #tpu.memory_space<semaphore_mem>>)
      %dma_start3A_33 = tpu.memref_slice %arg4[%add3A_30] : memref<320000xi32, #tpu.memory_space<hbm>> -> memref<40xi32, #tpu.memory_space<hbm>>
      %dma_start3A_34 = tpu.memref_slice %arg4[%add3A_30] : memref<320000xi32, #tpu.memory_space<hbm>> -> memref<40xi32, #tpu.memory_space<hbm>>
      tpu.enqueue_dma source(%dma_start3A_34 : memref<40xi32, #tpu.memory_space<hbm>>) target(%arg18 : memref<40xi32, #tpu.memory_space<vmem>>) target_semaphore(%arg34 : memref<!tpu.dma_semaphore, #tpu.memory_space<semaphore_mem>>)
      %mul3A_35 = arith.constant 10000 : i32
      %mul3A_36 = arith.muli %add3A, %mul3A_35 : i32
      %mul3A_37 = arith.constant 5 : i32
      %mul3A_38 = arith.muli %scan3A_9, %mul3A_37 : i32
      %add3A_39 = arith.constant 2 : i32
      %add3A_40 = arith.addi %mul3A_38, %add3A_39 : i32
      %mul3A_41 = arith.constant 40 : i32
      %mul3A_42 = arith.muli %add3A_40, %mul3A_41 : i32
      %add3A_43 = arith.addi %mul3A_36, %mul3A_42 : i32
      %dma_start3A_44 = tpu.memref_slice %arg3[%add3A_43] : memref<320000xi32, #tpu.memory_space<hbm>> -> memref<40xi32, #tpu.memory_space<hbm>>
      %dma_start3A_45 = tpu.memref_slice %arg3[%add3A_43] : memref<320000xi32, #tpu.memory_space<hbm>> -> memref<40xi32, #tpu.memory_space<hbm>>
      tpu.enqueue_dma source(%dma_start3A_45 : memref<40xi32, #tpu.memory_space<hbm>>) target(%arg14 : memref<40xi32, #tpu.memory_space<vmem>>) target_semaphore(%arg25 : memref<!tpu.dma_semaphore, #tpu.memory_space<semaphore_mem>>)
      %dma_start3A_46 = tpu.memref_slice %arg4[%add3A_43] : memref<320000xi32, #tpu.memory_space<hbm>> -> memref<40xi32, #tpu.memory_space<hbm>>
      %dma_start3A_47 = tpu.memref_slice %arg4[%add3A_43] : memref<320000xi32, #tpu.memory_space<hbm>> -> memref<40xi32, #tpu.memory_space<hbm>>
      tpu.enqueue_dma source(%dma_start3A_47 : memref<40xi32, #tpu.memory_space<hbm>>) target(%arg19 : memref<40xi32, #tpu.memory_space<vmem>>) target_semaphore(%arg35 : memref<!tpu.dma_semaphore, #tpu.memory_space<semaphore_mem>>)
      %mul3A_48 = arith.constant 10000 : i32
      %mul3A_49 = arith.muli %add3A, %mul3A_48 : i32
      %mul3A_50 = arith.constant 5 : i32
      %mul3A_51 = arith.muli %scan3A_9, %mul3A_50 : i32
      %add3A_52 = arith.constant 3 : i32
      %add3A_53 = arith.addi %mul3A_51, %add3A_52 : i32
      %mul3A_54 = arith.constant 40 : i32
      %mul3A_55 = arith.muli %add3A_53, %mul3A_54 : i32
      %add3A_56 = arith.addi %mul3A_49, %mul3A_55 : i32
      %dma_start3A_57 = tpu.memref_slice %arg3[%add3A_56] : memref<320000xi32, #tpu.memory_space<hbm>> -> memref<40xi32, #tpu.memory_space<hbm>>
      %dma_start3A_58 = tpu.memref_slice %arg3[%add3A_56] : memref<320000xi32, #tpu.memory_space<hbm>> -> memref<40xi32, #tpu.memory_space<hbm>>
      tpu.enqueue_dma source(%dma_start3A_58 : memref<40xi32, #tpu.memory_space<hbm>>) target(%arg15 : memref<40xi32, #tpu.memory_space<vmem>>) target_semaphore(%arg26 : memref<!tpu.dma_semaphore, #tpu.memory_space<semaphore_mem>>)
      %dma_start3A_59 = tpu.memref_slice %arg4[%add3A_56] : memref<320000xi32, #tpu.memory_space<hbm>> -> memref<40xi32, #tpu.memory_space<hbm>>
      %dma_start3A_60 = tpu.memref_slice %arg4[%add3A_56] : memref<320000xi32, #tpu.memory_space<hbm>> -> memref<40xi32, #tpu.memory_space<hbm>>
      tpu.enqueue_dma source(%dma_start3A_60 : memref<40xi32, #tpu.memory_space<hbm>>) target(%arg20 : memref<40xi32, #tpu.memory_space<vmem>>) target_semaphore(%arg36 : memref<!tpu.dma_semaphore, #tpu.memory_space<semaphore_mem>>)
      %mul3A_61 = arith.constant 10000 : i32
      %mul3A_62 = arith.muli %add3A, %mul3A_61 : i32
      %mul3A_63 = arith.constant 5 : i32
      %mul3A_64 = arith.muli %scan3A_9, %mul3A_63 : i32
      %add3A_65 = arith.constant 4 : i32
      %add3A_66 = arith.addi %mul3A_64, %add3A_65 : i32
      %mul3A_67 = arith.constant 40 : i32
      %mul3A_68 = arith.muli %add3A_66, %mul3A_67 : i32
      %add3A_69 = arith.addi %mul3A_62, %mul3A_68 : i32
      %dma_start3A_70 = tpu.memref_slice %arg3[%add3A_69] : memref<320000xi32, #tpu.memory_space<hbm>> -> memref<40xi32, #tpu.memory_space<hbm>>
      %dma_start3A_71 = tpu.memref_slice %arg3[%add3A_69] : memref<320000xi32, #tpu.memory_space<hbm>> -> memref<40xi32, #tpu.memory_space<hbm>>
      tpu.enqueue_dma source(%dma_start3A_71 : memref<40xi32, #tpu.memory_space<hbm>>) target(%arg16 : memref<40xi32, #tpu.memory_space<vmem>>) target_semaphore(%arg27 : memref<!tpu.dma_semaphore, #tpu.memory_space<semaphore_mem>>)
      %dma_start3A_72 = tpu.memref_slice %arg4[%add3A_69] : memref<320000xi32, #tpu.memory_space<hbm>> -> memref<40xi32, #tpu.memory_space<hbm>>
      %dma_start3A_73 = tpu.memref_slice %arg4[%add3A_69] : memref<320000xi32, #tpu.memory_space<hbm>> -> memref<40xi32, #tpu.memory_space<hbm>>
      tpu.enqueue_dma source(%dma_start3A_73 : memref<40xi32, #tpu.memory_space<hbm>>) target(%arg21 : memref<40xi32, #tpu.memory_space<vmem>>) target_semaphore(%arg37 : memref<!tpu.dma_semaphore, #tpu.memory_space<semaphore_mem>>)
      %dma_wait3A = tpu.memref_slice %arg3[%add3A_18] : memref<320000xi32, #tpu.memory_space<hbm>> -> memref<40xi32, #tpu.memory_space<hbm>>
      %dma_wait3A_74 = tpu.memref_slice %arg3[%add3A_18] : memref<320000xi32, #tpu.memory_space<hbm>> -> memref<40xi32, #tpu.memory_space<hbm>>
      tpu.wait_dma2 semaphore(%arg23 : memref<!tpu.dma_semaphore, #tpu.memory_space<semaphore_mem>>) src(%dma_wait3A_74 : memref<40xi32, #tpu.memory_space<hbm>>) dst(%arg12 : memref<40xi32, #tpu.memory_space<vmem>>)
      %dma_start3A_75 = arith.constant 0 : i32
      %dma_start3A_76 = arith.constant 0 : i32
      %dma_start3A_77 = tpu.memref_slice %arg2[%dma_start3A_75, %dma_start3A_76] : memref<10000x128xf32, #tpu.memory_space<hbm>> -> memref<10000x128xf32, #tpu.memory_space<hbm>>
      tpu.enqueue_indirect_dma source(%dma_start3A_77 : memref<10000x128xf32, #tpu.memory_space<hbm>>) target(%arg7 : memref<40x128xf32, #tpu.memory_space<vmem>>) offsets(%arg12 : memref<40xi32, #tpu.memory_space<vmem>>) semaphore(%arg28 : memref<!tpu.dma_semaphore, #tpu.memory_space<semaphore_mem>>)
      %dma_wait3A_78 = tpu.memref_slice %arg3[%add3A_30] : memref<320000xi32, #tpu.memory_space<hbm>> -> memref<40xi32, #tpu.memory_space<hbm>>
      %dma_wait3A_79 = tpu.memref_slice %arg3[%add3A_30] : memref<320000xi32, #tpu.memory_space<hbm>> -> memref<40xi32, #tpu.memory_space<hbm>>
      tpu.wait_dma2 semaphore(%arg24 : memref<!tpu.dma_semaphore, #tpu.memory_space<semaphore_mem>>) src(%dma_wait3A_79 : memref<40xi32, #tpu.memory_space<hbm>>) dst(%arg13 : memref<40xi32, #tpu.memory_space<vmem>>)
      %dma_start3A_80 = arith.constant 0 : i32
      %dma_start3A_81 = arith.constant 0 : i32
      %dma_start3A_82 = tpu.memref_slice %arg2[%dma_start3A_80, %dma_start3A_81] : memref<10000x128xf32, #tpu.memory_space<hbm>> -> memref<10000x128xf32, #tpu.memory_space<hbm>>
      tpu.enqueue_indirect_dma source(%dma_start3A_82 : memref<10000x128xf32, #tpu.memory_space<hbm>>) target(%arg8 : memref<40x128xf32, #tpu.memory_space<vmem>>) offsets(%arg13 : memref<40xi32, #tpu.memory_space<vmem>>) semaphore(%arg29 : memref<!tpu.dma_semaphore, #tpu.memory_space<semaphore_mem>>)
      %dma_wait3A_83 = tpu.memref_slice %arg3[%add3A_43] : memref<320000xi32, #tpu.memory_space<hbm>> -> memref<40xi32, #tpu.memory_space<hbm>>
      %dma_wait3A_84 = tpu.memref_slice %arg3[%add3A_43] : memref<320000xi32, #tpu.memory_space<hbm>> -> memref<40xi32, #tpu.memory_space<hbm>>
      tpu.wait_dma2 semaphore(%arg25 : memref<!tpu.dma_semaphore, #tpu.memory_space<semaphore_mem>>) src(%dma_wait3A_84 : memref<40xi32, #tpu.memory_space<hbm>>) dst(%arg14 : memref<40xi32, #tpu.memory_space<vmem>>)
      %dma_start3A_85 = arith.constant 0 : i32
      %dma_start3A_86 = arith.constant 0 : i32
      %dma_start3A_87 = tpu.memref_slice %arg2[%dma_start3A_85, %dma_start3A_86] : memref<10000x128xf32, #tpu.memory_space<hbm>> -> memref<10000x128xf32, #tpu.memory_space<hbm>>
      tpu.enqueue_indirect_dma source(%dma_start3A_87 : memref<10000x128xf32, #tpu.memory_space<hbm>>) target(%arg9 : memref<40x128xf32, #tpu.memory_space<vmem>>) offsets(%arg14 : memref<40xi32, #tpu.memory_space<vmem>>) semaphore(%arg30 : memref<!tpu.dma_semaphore, #tpu.memory_space<semaphore_mem>>)
      %dma_wait3A_88 = tpu.memref_slice %arg3[%add3A_56] : memref<320000xi32, #tpu.memory_space<hbm>> -> memref<40xi32, #tpu.memory_space<hbm>>
      %dma_wait3A_89 = tpu.memref_slice %arg3[%add3A_56] : memref<320000xi32, #tpu.memory_space<hbm>> -> memref<40xi32, #tpu.memory_space<hbm>>
      tpu.wait_dma2 semaphore(%arg26 : memref<!tpu.dma_semaphore, #tpu.memory_space<semaphore_mem>>) src(%dma_wait3A_89 : memref<40xi32, #tpu.memory_space<hbm>>) dst(%arg15 : memref<40xi32, #tpu.memory_space<vmem>>)
      %dma_start3A_90 = arith.constant 0 : i32
      %dma_start3A_91 = arith.constant 0 : i32
      %dma_start3A_92 = tpu.memref_slice %arg2[%dma_start3A_90, %dma_start3A_91] : memref<10000x128xf32, #tpu.memory_space<hbm>> -> memref<10000x128xf32, #tpu.memory_space<hbm>>
      tpu.enqueue_indirect_dma source(%dma_start3A_92 : memref<10000x128xf32, #tpu.memory_space<hbm>>) target(%arg10 : memref<40x128xf32, #tpu.memory_space<vmem>>) offsets(%arg15 : memref<40xi32, #tpu.memory_space<vmem>>) semaphore(%arg31 : memref<!tpu.dma_semaphore, #tpu.memory_space<semaphore_mem>>)
      %dma_wait3A_93 = tpu.memref_slice %arg3[%add3A_69] : memref<320000xi32, #tpu.memory_space<hbm>> -> memref<40xi32, #tpu.memory_space<hbm>>
      %dma_wait3A_94 = tpu.memref_slice %arg3[%add3A_69] : memref<320000xi32, #tpu.memory_space<hbm>> -> memref<40xi32, #tpu.memory_space<hbm>>
      tpu.wait_dma2 semaphore(%arg27 : memref<!tpu.dma_semaphore, #tpu.memory_space<semaphore_mem>>) src(%dma_wait3A_94 : memref<40xi32, #tpu.memory_space<hbm>>) dst(%arg16 : memref<40xi32, #tpu.memory_space<vmem>>)
      %dma_start3A_95 = arith.constant 0 : i32
      %dma_start3A_96 = arith.constant 0 : i32
      %dma_start3A_97 = tpu.memref_slice %arg2[%dma_start3A_95, %dma_start3A_96] : memref<10000x128xf32, #tpu.memory_space<hbm>> -> memref<10000x128xf32, #tpu.memory_space<hbm>>
      tpu.enqueue_indirect_dma source(%dma_start3A_97 : memref<10000x128xf32, #tpu.memory_space<hbm>>) target(%arg11 : memref<40x128xf32, #tpu.memory_space<vmem>>) offsets(%arg16 : memref<40xi32, #tpu.memory_space<vmem>>) semaphore(%arg32 : memref<!tpu.dma_semaphore, #tpu.memory_space<semaphore_mem>>)
      %dma_wait3A_98 = arith.constant 0 : i32
      %dma_wait3A_99 = arith.constant 0 : i32
      %dma_wait3A_100 = tpu.memref_slice %arg2[%dma_wait3A_98, %dma_wait3A_99] : memref<10000x128xf32, #tpu.memory_space<hbm>> -> memref<10000x128xf32, #tpu.memory_space<hbm>>
      tpu.wait_indirect_dma semaphore(%arg28 : memref<!tpu.dma_semaphore, #tpu.memory_space<semaphore_mem>>) src(%dma_wait3A_100 : memref<10000x128xf32, #tpu.memory_space<hbm>>) dst(%arg7 : memref<40x128xf32, #tpu.memory_space<vmem>>)
      %dma_wait3A_101 = tpu.memref_slice %arg4[%add3A_18] : memref<320000xi32, #tpu.memory_space<hbm>> -> memref<40xi32, #tpu.memory_space<hbm>>
      %dma_wait3A_102 = tpu.memref_slice %arg4[%add3A_18] : memref<320000xi32, #tpu.memory_space<hbm>> -> memref<40xi32, #tpu.memory_space<hbm>>
      tpu.wait_dma2 semaphore(%arg33 : memref<!tpu.dma_semaphore, #tpu.memory_space<semaphore_mem>>) src(%dma_wait3A_102 : memref<40xi32, #tpu.memory_space<hbm>>) dst(%arg17 : memref<40xi32, #tpu.memory_space<vmem>>)
      "tpu.region"() ({
        %run_scoped3A = tpu.sem_alloc : memref<!tpu.dma_semaphore, #tpu.memory_space<semaphore_mem>>
        %dma_start3A_123 = arith.constant 0 : i32
        %dma_start3A_124 = arith.constant 0 : i32
        %dma_start3A_125 = tpu.memref_slice %arg22[%dma_start3A_123, %dma_start3A_124] : memref<10240x128xf32, #tpu.memory_space<vmem_shared>> -> memref<10240x128xf32, #tpu.memory_space<vmem_shared>>
        tpu.enqueue_indirect_dma source(%arg7 : memref<40x128xf32, #tpu.memory_space<vmem>>) target(%dma_start3A_125 : memref<10240x128xf32, #tpu.memory_space<vmem_shared>>) offsets(%arg17 : memref<40xi32, #tpu.memory_space<vmem>>) semaphore(%run_scoped3A : memref<!tpu.dma_semaphore, #tpu.memory_space<semaphore_mem>>) {add = true}
        %dma_wait3A_126 = arith.constant 0 : i32
        %dma_wait3A_127 = arith.constant 0 : i32
        %dma_wait3A_128 = tpu.memref_slice %arg22[%dma_wait3A_126, %dma_wait3A_127] : memref<10240x128xf32, #tpu.memory_space<vmem_shared>> -> memref<10240x128xf32, #tpu.memory_space<vmem_shared>>
        tpu.wait_indirect_dma semaphore(%run_scoped3A : memref<!tpu.dma_semaphore, #tpu.memory_space<semaphore_mem>>) src(%arg7 : memref<40x128xf32, #tpu.memory_space<vmem>>) dst(%dma_wait3A_128 : memref<10240x128xf32, #tpu.memory_space<vmem_shared>>)
        tpu.yield
      }) : () -> ()
      %dma_wait3A_103 = arith.constant 0 : i32
      %dma_wait3A_104 = arith.constant 0 : i32
      %dma_wait3A_105 = tpu.memref_slice %arg2[%dma_wait3A_103, %dma_wait3A_104] : memref<10000x128xf32, #tpu.memory_space<hbm>> -> memref<10000x128xf32, #tpu.memory_space<hbm>>
      tpu.wait_indirect_dma semaphore(%arg29 : memref<!tpu.dma_semaphore, #tpu.memory_space<semaphore_mem>>) src(%dma_wait3A_105 : memref<10000x128xf32, #tpu.memory_space<hbm>>) dst(%arg8 : memref<40x128xf32, #tpu.memory_space<vmem>>)
      %dma_wait3A_106 = tpu.memref_slice %arg4[%add3A_30] : memref<320000xi32, #tpu.memory_space<hbm>> -> memref<40xi32, #tpu.memory_space<hbm>>
      %dma_wait3A_107 = tpu.memref_slice %arg4[%add3A_30] : memref<320000xi32, #tpu.memory_space<hbm>> -> memref<40xi32, #tpu.memory_space<hbm>>
      tpu.wait_dma2 semaphore(%arg34 : memref<!tpu.dma_semaphore, #tpu.memory_space<semaphore_mem>>) src(%dma_wait3A_107 : memref<40xi32, #tpu.memory_space<hbm>>) dst(%arg18 : memref<40xi32, #tpu.memory_space<vmem>>)
      "tpu.region"() ({
        %run_scoped3A = tpu.sem_alloc : memref<!tpu.dma_semaphore, #tpu.memory_space<semaphore_mem>>
        %dma_start3A_123 = arith.constant 0 : i32
        %dma_start3A_124 = arith.constant 0 : i32
        %dma_start3A_125 = tpu.memref_slice %arg22[%dma_start3A_123, %dma_start3A_124] : memref<10240x128xf32, #tpu.memory_space<vmem_shared>> -> memref<10240x128xf32, #tpu.memory_space<vmem_shared>>
        tpu.enqueue_indirect_dma source(%arg8 : memref<40x128xf32, #tpu.memory_space<vmem>>) target(%dma_start3A_125 : memref<10240x128xf32, #tpu.memory_space<vmem_shared>>) offsets(%arg18 : memref<40xi32, #tpu.memory_space<vmem>>) semaphore(%run_scoped3A : memref<!tpu.dma_semaphore, #tpu.memory_space<semaphore_mem>>) {add = true}
        %dma_wait3A_126 = arith.constant 0 : i32
        %dma_wait3A_127 = arith.constant 0 : i32
        %dma_wait3A_128 = tpu.memref_slice %arg22[%dma_wait3A_126, %dma_wait3A_127] : memref<10240x128xf32, #tpu.memory_space<vmem_shared>> -> memref<10240x128xf32, #tpu.memory_space<vmem_shared>>
        tpu.wait_indirect_dma semaphore(%run_scoped3A : memref<!tpu.dma_semaphore, #tpu.memory_space<semaphore_mem>>) src(%arg8 : memref<40x128xf32, #tpu.memory_space<vmem>>) dst(%dma_wait3A_128 : memref<10240x128xf32, #tpu.memory_space<vmem_shared>>)
        tpu.yield
      }) : () -> ()
      %dma_wait3A_108 = arith.constant 0 : i32
      %dma_wait3A_109 = arith.constant 0 : i32
      %dma_wait3A_110 = tpu.memref_slice %arg2[%dma_wait3A_108, %dma_wait3A_109] : memref<10000x128xf32, #tpu.memory_space<hbm>> -> memref<10000x128xf32, #tpu.memory_space<hbm>>
      tpu.wait_indirect_dma semaphore(%arg30 : memref<!tpu.dma_semaphore, #tpu.memory_space<semaphore_mem>>) src(%dma_wait3A_110 : memref<10000x128xf32, #tpu.memory_space<hbm>>) dst(%arg9 : memref<40x128xf32, #tpu.memory_space<vmem>>)
      %dma_wait3A_111 = tpu.memref_slice %arg4[%add3A_43] : memref<320000xi32, #tpu.memory_space<hbm>> -> memref<40xi32, #tpu.memory_space<hbm>>
      %dma_wait3A_112 = tpu.memref_slice %arg4[%add3A_43] : memref<320000xi32, #tpu.memory_space<hbm>> -> memref<40xi32, #tpu.memory_space<hbm>>
      tpu.wait_dma2 semaphore(%arg35 : memref<!tpu.dma_semaphore, #tpu.memory_space<semaphore_mem>>) src(%dma_wait3A_112 : memref<40xi32, #tpu.memory_space<hbm>>) dst(%arg19 : memref<40xi32, #tpu.memory_space<vmem>>)
      "tpu.region"() ({
        %run_scoped3A = tpu.sem_alloc : memref<!tpu.dma_semaphore, #tpu.memory_space<semaphore_mem>>
        %dma_start3A_123 = arith.constant 0 : i32
        %dma_start3A_124 = arith.constant 0 : i32
        %dma_start3A_125 = tpu.memref_slice %arg22[%dma_start3A_123, %dma_start3A_124] : memref<10240x128xf32, #tpu.memory_space<vmem_shared>> -> memref<10240x128xf32, #tpu.memory_space<vmem_shared>>
        tpu.enqueue_indirect_dma source(%arg9 : memref<40x128xf32, #tpu.memory_space<vmem>>) target(%dma_start3A_125 : memref<10240x128xf32, #tpu.memory_space<vmem_shared>>) offsets(%arg19 : memref<40xi32, #tpu.memory_space<vmem>>) semaphore(%run_scoped3A : memref<!tpu.dma_semaphore, #tpu.memory_space<semaphore_mem>>) {add = true}
        %dma_wait3A_126 = arith.constant 0 : i32
        %dma_wait3A_127 = arith.constant 0 : i32
        %dma_wait3A_128 = tpu.memref_slice %arg22[%dma_wait3A_126, %dma_wait3A_127] : memref<10240x128xf32, #tpu.memory_space<vmem_shared>> -> memref<10240x128xf32, #tpu.memory_space<vmem_shared>>
        tpu.wait_indirect_dma semaphore(%run_scoped3A : memref<!tpu.dma_semaphore, #tpu.memory_space<semaphore_mem>>) src(%arg9 : memref<40x128xf32, #tpu.memory_space<vmem>>) dst(%dma_wait3A_128 : memref<10240x128xf32, #tpu.memory_space<vmem_shared>>)
        tpu.yield
      }) : () -> ()
      %dma_wait3A_113 = arith.constant 0 : i32
      %dma_wait3A_114 = arith.constant 0 : i32
      %dma_wait3A_115 = tpu.memref_slice %arg2[%dma_wait3A_113, %dma_wait3A_114] : memref<10000x128xf32, #tpu.memory_space<hbm>> -> memref<10000x128xf32, #tpu.memory_space<hbm>>
      tpu.wait_indirect_dma semaphore(%arg31 : memref<!tpu.dma_semaphore, #tpu.memory_space<semaphore_mem>>) src(%dma_wait3A_115 : memref<10000x128xf32, #tpu.memory_space<hbm>>) dst(%arg10 : memref<40x128xf32, #tpu.memory_space<vmem>>)
      %dma_wait3A_116 = tpu.memref_slice %arg4[%add3A_56] : memref<320000xi32, #tpu.memory_space<hbm>> -> memref<40xi32, #tpu.memory_space<hbm>>
      %dma_wait3A_117 = tpu.memref_slice %arg4[%add3A_56] : memref<320000xi32, #tpu.memory_space<hbm>> -> memref<40xi32, #tpu.memory_space<hbm>>
      tpu.wait_dma2 semaphore(%arg36 : memref<!tpu.dma_semaphore, #tpu.memory_space<semaphore_mem>>) src(%dma_wait3A_117 : memref<40xi32, #tpu.memory_space<hbm>>) dst(%arg20 : memref<40xi32, #tpu.memory_space<vmem>>)
      "tpu.region"() ({
        %run_scoped3A = tpu.sem_alloc : memref<!tpu.dma_semaphore, #tpu.memory_space<semaphore_mem>>
        %dma_start3A_123 = arith.constant 0 : i32
        %dma_start3A_124 = arith.constant 0 : i32
        %dma_start3A_125 = tpu.memref_slice %arg22[%dma_start3A_123, %dma_start3A_124] : memref<10240x128xf32, #tpu.memory_space<vmem_shared>> -> memref<10240x128xf32, #tpu.memory_space<vmem_shared>>
        tpu.enqueue_indirect_dma source(%arg10 : memref<40x128xf32, #tpu.memory_space<vmem>>) target(%dma_start3A_125 : memref<10240x128xf32, #tpu.memory_space<vmem_shared>>) offsets(%arg20 : memref<40xi32, #tpu.memory_space<vmem>>) semaphore(%run_scoped3A : memref<!tpu.dma_semaphore, #tpu.memory_space<semaphore_mem>>) {add = true}
        %dma_wait3A_126 = arith.constant 0 : i32
        %dma_wait3A_127 = arith.constant 0 : i32
        %dma_wait3A_128 = tpu.memref_slice %arg22[%dma_wait3A_126, %dma_wait3A_127] : memref<10240x128xf32, #tpu.memory_space<vmem_shared>> -> memref<10240x128xf32, #tpu.memory_space<vmem_shared>>
        tpu.wait_indirect_dma semaphore(%run_scoped3A : memref<!tpu.dma_semaphore, #tpu.memory_space<semaphore_mem>>) src(%arg10 : memref<40x128xf32, #tpu.memory_space<vmem>>) dst(%dma_wait3A_128 : memref<10240x128xf32, #tpu.memory_space<vmem_shared>>)
        tpu.yield
      }) : () -> ()
      %dma_wait3A_118 = arith.constant 0 : i32
      %dma_wait3A_119 = arith.constant 0 : i32
      %dma_wait3A_120 = tpu.memref_slice %arg2[%dma_wait3A_118, %dma_wait3A_119] : memref<10000x128xf32, #tpu.memory_space<hbm>> -> memref<10000x128xf32, #tpu.memory_space<hbm>>
      tpu.wait_indirect_dma semaphore(%arg32 : memref<!tpu.dma_semaphore, #tpu.memory_space<semaphore_mem>>) src(%dma_wait3A_120 : memref<10000x128xf32, #tpu.memory_space<hbm>>) dst(%arg11 : memref<40x128xf32, #tpu.memory_space<vmem>>)
      %dma_wait3A_121 = tpu.memref_slice %arg4[%add3A_69] : memref<320000xi32, #tpu.memory_space<hbm>> -> memref<40xi32, #tpu.memory_space<hbm>>
      %dma_wait3A_122 = tpu.memref_slice %arg4[%add3A_69] : memref<320000xi32, #tpu.memory_space<hbm>> -> memref<40xi32, #tpu.memory_space<hbm>>
      tpu.wait_dma2 semaphore(%arg37 : memref<!tpu.dma_semaphore, #tpu.memory_space<semaphore_mem>>) src(%dma_wait3A_122 : memref<40xi32, #tpu.memory_space<hbm>>) dst(%arg21 : memref<40xi32, #tpu.memory_space<vmem>>)
      "tpu.region"() ({
        %run_scoped3A = tpu.sem_alloc : memref<!tpu.dma_semaphore, #tpu.memory_space<semaphore_mem>>
        %dma_start3A_123 = arith.constant 0 : i32
        %dma_start3A_124 = arith.constant 0 : i32
        %dma_start3A_125 = tpu.memref_slice %arg22[%dma_start3A_123, %dma_start3A_124] : memref<10240x128xf32, #tpu.memory_space<vmem_shared>> -> memref<10240x128xf32, #tpu.memory_space<vmem_shared>>
        tpu.enqueue_indirect_dma source(%arg11 : memref<40x128xf32, #tpu.memory_space<vmem>>) target(%dma_start3A_125 : memref<10240x128xf32, #tpu.memory_space<vmem_shared>>) offsets(%arg21 : memref<40xi32, #tpu.memory_space<vmem>>) semaphore(%run_scoped3A : memref<!tpu.dma_semaphore, #tpu.memory_space<semaphore_mem>>) {add = true}
        %dma_wait3A_126 = arith.constant 0 : i32
        %dma_wait3A_127 = arith.constant 0 : i32
        %dma_wait3A_128 = tpu.memref_slice %arg22[%dma_wait3A_126, %dma_wait3A_127] : memref<10240x128xf32, #tpu.memory_space<vmem_shared>> -> memref<10240x128xf32, #tpu.memory_space<vmem_shared>>
        tpu.wait_indirect_dma semaphore(%run_scoped3A : memref<!tpu.dma_semaphore, #tpu.memory_space<semaphore_mem>>) src(%arg11 : memref<40x128xf32, #tpu.memory_space<vmem>>) dst(%dma_wait3A_128 : memref<10240x128xf32, #tpu.memory_space<vmem_shared>>)
        tpu.yield
      }) : () -> ()
    }
    %scan3A_7 = arith.constant 50 : i32
    %barrier3A_8 = arith.constant 0 : index
    tpu.barrier barrier_id(%barrier3A_8)
    "tpu.region"() ({
      %run_scoped3A = tpu.sem_alloc : memref<!tpu.dma_semaphore, #tpu.memory_space<semaphore_mem>>
      %dma_start3A = arith.constant 0 : i32
      %dma_start3A_9 = tpu.memref_slice %arg6[%arg0, %mul3A_2, %dma_start3A] : memref<2x10240x128xf32, #tpu.memory_space<hbm>> -> memref<1x640x128xf32, #tpu.memory_space<hbm>>
      %dma_start3A_10 = tpu.memref_squeeze %dma_start3A_9 : memref<1x640x128xf32, #tpu.memory_space<hbm>> -> memref<640x128xf32, #tpu.memory_space<hbm>>
      %dma_start3A_11 = arith.constant 0 : i32
      %dma_start3A_12 = tpu.memref_slice %arg22[%mul3A_2, %dma_start3A_11] : memref<10240x128xf32, #tpu.memory_space<vmem_shared>> -> memref<640x128xf32, #tpu.memory_space<vmem_shared>>
      tpu.enqueue_dma source(%dma_start3A_12 : memref<640x128xf32, #tpu.memory_space<vmem_shared>>) target(%dma_start3A_10 : memref<640x128xf32, #tpu.memory_space<hbm>>) target_semaphore(%run_scoped3A : memref<!tpu.dma_semaphore, #tpu.memory_space<semaphore_mem>>)
      %dma_wait3A = arith.constant 0 : i32
      %dma_wait3A_13 = tpu.memref_slice %arg6[%arg0, %mul3A_2, %dma_wait3A] : memref<2x10240x128xf32, #tpu.memory_space<hbm>> -> memref<1x640x128xf32, #tpu.memory_space<hbm>>
      %dma_wait3A_14 = tpu.memref_squeeze %dma_wait3A_13 : memref<1x640x128xf32, #tpu.memory_space<hbm>> -> memref<640x128xf32, #tpu.memory_space<hbm>>
      %dma_wait3A_15 = arith.constant 0 : i32
      %dma_wait3A_16 = tpu.memref_slice %arg22[%mul3A_2, %dma_wait3A_15] : memref<10240x128xf32, #tpu.memory_space<vmem_shared>> -> memref<640x128xf32, #tpu.memory_space<vmem_shared>>
      tpu.wait_dma2 semaphore(%run_scoped3A : memref<!tpu.dma_semaphore, #tpu.memory_space<semaphore_mem>>) src(%dma_wait3A_16 : memref<640x128xf32, #tpu.memory_space<vmem_shared>>) dst(%dma_wait3A_14 : memref<640x128xf32, #tpu.memory_space<hbm>>)
      tpu.yield
    }) : () -> ()
    return
  }
}

module attributes {stable_mosaic.version = 14 : i64} {
  func.func @_tc1_body(%arg0: i32, %arg1: memref<2000x128xf32, #tpu.memory_space<vmem>>, %arg2: memref<128x128xf32, #tpu.memory_space<vmem>>, %arg3: memref<2000x16xf32, #tpu.memory_space<vmem>>, %arg4: memref<2000x16xf32, #tpu.memory_space<vmem>>, %arg5: memref<2000x128xf32, #tpu.memory_space<vmem>>) attributes {dimension_semantics = [#tpu.dimension_semantics<arbitrary>], iteration_bounds = array<i64: 5>, scalar_prefetch = 0 : i64, scratch_operands = 0 : i64, tpu.core_type = #tpu.core_type<tc>, window_params = [{transform_indices = @transform_0, window_bounds = array<i64: 2000, 128>}, {pipeline_mode = #tpu.pipeline_mode<synchronous>, transform_indices = @transform_1, window_bounds = array<i64: 128, 128>}, {transform_indices = @transform_2, window_bounds = array<i64: 2000, 16>}, {transform_indices = @transform_3, window_bounds = array<i64: 2000, 16>}, {transform_indices = @transform_4, window_bounds = array<i64: 2000, 128>}]} {
    %get3A = arith.constant 0 : index
    %get3A_0 = arith.constant 0 : index
    %get3A_1 = vector.load %arg1[%get3A, %get3A_0] : memref<2000x128xf32, #tpu.memory_space<vmem>>, vector<2000x128xf32>
    %get3A_2 = arith.constant 0 : index
    %get3A_3 = arith.constant 0 : index
    %get3A_4 = vector.load %arg2[%get3A_2, %get3A_3] : memref<128x128xf32, #tpu.memory_space<vmem>>, vector<128x128xf32>
    %dot_general3A = arith.constant dense<0.000000e+00> : vector<2000x128xf32>
    %dot_general3A_5 = tpu.matmul %get3A_1, %get3A_4, %dot_general3A {dimension_numbers = #tpu.dot_dimension_numbers<[1], [0], [0], [1], [0, 0, 1, 1], [], []>, transpose_lhs_hint = false} : vector<2000x128xf32>, vector<128x128xf32>, vector<2000x128xf32> -> vector<2000x128xf32>
    %get3A_6 = arith.constant 0 : index
    %get3A_7 = arith.constant 0 : index
    %get3A_8 = vector.load %arg3[%get3A_6, %get3A_7] : memref<2000x16xf32, #tpu.memory_space<vmem>>, vector<2000x1xf32>
    %get3A_9 = arith.constant 0 : index
    %get3A_10 = arith.constant 0 : index
    %get3A_11 = vector.load %arg4[%get3A_9, %get3A_10] : memref<2000x16xf32, #tpu.memory_space<vmem>>, vector<2000x1xf32>
    %add3A = arith.addf %get3A_8, %get3A_11 : vector<2000x1xf32>
    %add3A_12 = arith.constant 1.000000e+00 : f32
    %add3A_13 = vector.broadcast %add3A_12 : f32 to vector<2000x1xf32>
    %add3A_14 = arith.addf %add3A, %add3A_13 : vector<2000x1xf32>
    %rsqrt3A = math.rsqrt %add3A_14 : vector<2000x1xf32>
    %mul3A = vector.broadcast %rsqrt3A : vector<2000x1xf32> to vector<2000x128xf32>
    %mul3A_15 = arith.mulf %dot_general3A_5, %mul3A : vector<2000x128xf32>
    %swap3A = arith.constant 0 : index
    %swap3A_16 = arith.constant 0 : index
    %swap3A_17 = vector.load %arg5[%swap3A, %swap3A_16] : memref<2000x128xf32, #tpu.memory_space<vmem>>, vector<2000x128xf32>
    tpu.vector_store %arg5[%swap3A, %swap3A_16], %mul3A_15 {strides = array<i32>} : memref<2000x128xf32, #tpu.memory_space<vmem>>, vector<2000x128xf32>,
    return
  }
  func.func @transform_0(%arg0: i32) -> (i32, i32) {
    %c0_i32 = arith.constant 0 : i32
    %c0_i32_0 = arith.constant 0 : i32
    return %arg0, %c0_i32 : i32, i32
  }
  func.func @transform_1(%arg0: i32) -> (i32, i32) {
    %c0_i32 = arith.constant 0 : i32
    %c0_i32_0 = arith.constant 0 : i32
    %c0_i32_1 = arith.constant 0 : i32
    return %c0_i32, %c0_i32_0 : i32, i32
  }
  func.func @transform_2(%arg0: i32) -> (i32, i32) {
    %c0_i32 = arith.constant 0 : i32
    %c0_i32_0 = arith.constant 0 : i32
    return %arg0, %c0_i32 : i32, i32
  }
  func.func @transform_3(%arg0: i32) -> (i32, i32) {
    %c0_i32 = arith.constant 0 : i32
    %c0_i32_0 = arith.constant 0 : i32
    return %arg0, %c0_i32 : i32, i32
  }
  func.func @transform_4(%arg0: i32) -> (i32, i32) {
    %c0_i32 = arith.constant 0 : i32
    %c0_i32_0 = arith.constant 0 : i32
    return %arg0, %c0_i32 : i32, i32
  }
}

module attributes {stable_mosaic.version = 14 : i64} {
  func.func @_tc2_body(%arg0: i32, %arg1: memref<2000x128xf32, #tpu.memory_space<vmem>>, %arg2: memref<2000x128xf32, #tpu.memory_space<vmem>>, %arg3: memref<2000x128xf32, #tpu.memory_space<vmem>>, %arg4: memref<2000x16xf32, #tpu.memory_space<vmem>>, %arg5: memref<2000x16xf32, #tpu.memory_space<vmem>>, %arg6: memref<1x128xf32, #tpu.memory_space<vmem>>, %arg7: memref<128x128xf32, #tpu.memory_space<vmem>>, %arg8: memref<2000x128xf32, #tpu.memory_space<vmem>>) attributes {dimension_semantics = [#tpu.dimension_semantics<arbitrary>], iteration_bounds = array<i64: 5>, scalar_prefetch = 0 : i64, scratch_operands = 0 : i64, tpu.core_type = #tpu.core_type<tc>, window_params = [{transform_indices = @transform_0, window_bounds = array<i64: 2000, 128>}, {transform_indices = @transform_1, window_bounds = array<i64: 2000, 128>}, {transform_indices = @transform_2, window_bounds = array<i64: 2000, 128>}, {transform_indices = @transform_3, window_bounds = array<i64: 2000, 16>}, {transform_indices = @transform_4, window_bounds = array<i64: 2000, 16>}, {pipeline_mode = #tpu.pipeline_mode<synchronous>, transform_indices = @transform_5, window_bounds = array<i64: 1, 128>}, {pipeline_mode = #tpu.pipeline_mode<synchronous>, transform_indices = @transform_6, window_bounds = array<i64: 128, 128>}, {transform_indices = @transform_7, window_bounds = array<i64: 2000, 128>}]} {
    %get3A = arith.constant 0 : index
    %get3A_0 = arith.constant 0 : index
    %get3A_1 = vector.load %arg4[%get3A, %get3A_0] : memref<2000x16xf32, #tpu.memory_space<vmem>>, vector<2000x1xf32>
    %get3A_2 = arith.constant 0 : index
    %get3A_3 = arith.constant 0 : index
    %get3A_4 = vector.load %arg5[%get3A_2, %get3A_3] : memref<2000x16xf32, #tpu.memory_space<vmem>>, vector<2000x1xf32>
    %add3A = arith.addf %get3A_1, %get3A_4 : vector<2000x1xf32>
    %add3A_5 = arith.constant 1.000000e+00 : f32
    %add3A_6 = vector.broadcast %add3A_5 : f32 to vector<2000x1xf32>
    %add3A_7 = arith.addf %add3A, %add3A_6 : vector<2000x1xf32>
    %rsqrt3A = math.rsqrt %add3A_7 : vector<2000x1xf32>
    %get3A_8 = arith.constant 0 : index
    %get3A_9 = arith.constant 0 : index
    %get3A_10 = vector.load %arg1[%get3A_8, %get3A_9] : memref<2000x128xf32, #tpu.memory_space<vmem>>, vector<2000x128xf32>
    %get3A_11 = arith.constant 0 : index
    %get3A_12 = arith.constant 0 : index
    %get3A_13 = vector.load %arg2[%get3A_11, %get3A_12] : memref<2000x128xf32, #tpu.memory_space<vmem>>, vector<2000x128xf32>
    %add3A_14 = arith.addf %get3A_10, %get3A_13 : vector<2000x128xf32>
    %get3A_15 = arith.constant 0 : index
    %get3A_16 = arith.constant 0 : index
    %get3A_17 = vector.load %arg3[%get3A_15, %get3A_16] : memref<2000x128xf32, #tpu.memory_space<vmem>>, vector<2000x128xf32>
    %add3A_18 = arith.addf %add3A_14, %get3A_17 : vector<2000x128xf32>
    %mul3A = vector.broadcast %rsqrt3A : vector<2000x1xf32> to vector<2000x128xf32>
    %mul3A_19 = arith.mulf %mul3A, %add3A_18 : vector<2000x128xf32>
    %get3A_20 = arith.constant 0 : index
    %get3A_21 = arith.constant 0 : index
    %get3A_22 = vector.load %arg6[%get3A_20, %get3A_21] : memref<1x128xf32, #tpu.memory_space<vmem>>, vector<1x128xf32>
    %add3A_23 = vector.broadcast %get3A_22 : vector<1x128xf32> to vector<2000x128xf32>
    %add3A_24 = arith.addf %mul3A_19, %add3A_23 : vector<2000x128xf32>
    %max3A = arith.constant 0.000000e+00 : f32
    %max3A_25 = vector.broadcast %max3A : f32 to vector<2000x128xf32>
    %max3A_26 = arith.maximumf %add3A_24, %max3A_25 : vector<2000x128xf32>
    %get3A_27 = arith.constant 0 : index
    %get3A_28 = arith.constant 0 : index
    %get3A_29 = vector.load %arg7[%get3A_27, %get3A_28] : memref<128x128xf32, #tpu.memory_space<vmem>>, vector<128x128xf32>
    %dot_general3A = arith.constant dense<0.000000e+00> : vector<2000x128xf32>
    %dot_general3A_30 = tpu.matmul %max3A_26, %get3A_29, %dot_general3A {dimension_numbers = #tpu.dot_dimension_numbers<[1], [0], [0], [1], [0, 0, 1, 1], [], []>, transpose_lhs_hint = false} : vector<2000x128xf32>, vector<128x128xf32>, vector<2000x128xf32> -> vector<2000x128xf32>
    %mul3A_31 = vector.broadcast %rsqrt3A : vector<2000x1xf32> to vector<2000x128xf32>
    %mul3A_32 = arith.mulf %dot_general3A_30, %mul3A_31 : vector<2000x128xf32>
    %swap3A = arith.constant 0 : index
    %swap3A_33 = arith.constant 0 : index
    %swap3A_34 = vector.load %arg8[%swap3A, %swap3A_33] : memref<2000x128xf32, #tpu.memory_space<vmem>>, vector<2000x128xf32>
    tpu.vector_store %arg8[%swap3A, %swap3A_33], %mul3A_32 {strides = array<i32>} : memref<2000x128xf32, #tpu.memory_space<vmem>>, vector<2000x128xf32>,
    return
  }
  func.func @transform_0(%arg0: i32) -> (i32, i32) {
    %c0_i32 = arith.constant 0 : i32
    %c0_i32_0 = arith.constant 0 : i32
    return %arg0, %c0_i32 : i32, i32
  }
  func.func @transform_1(%arg0: i32) -> (i32, i32) {
    %c0_i32 = arith.constant 0 : i32
    %c0_i32_0 = arith.constant 0 : i32
    return %arg0, %c0_i32 : i32, i32
  }
  func.func @transform_2(%arg0: i32) -> (i32, i32) {
    %c0_i32 = arith.constant 0 : i32
    %c0_i32_0 = arith.constant 0 : i32
    return %arg0, %c0_i32 : i32, i32
  }
  func.func @transform_3(%arg0: i32) -> (i32, i32) {
    %c0_i32 = arith.constant 0 : i32
    %c0_i32_0 = arith.constant 0 : i32
    return %arg0, %c0_i32 : i32, i32
  }
  func.func @transform_4(%arg0: i32) -> (i32, i32) {
    %c0_i32 = arith.constant 0 : i32
    %c0_i32_0 = arith.constant 0 : i32
    return %arg0, %c0_i32 : i32, i32
  }
  func.func @transform_5(%arg0: i32) -> (i32, i32) {
    %c0_i32 = arith.constant 0 : i32
    %c0_i32_0 = arith.constant 0 : i32
    %c0_i32_1 = arith.constant 0 : i32
    return %c0_i32, %c0_i32_0 : i32, i32
  }
  func.func @transform_6(%arg0: i32) -> (i32, i32) {
    %c0_i32 = arith.constant 0 : i32
    %c0_i32_0 = arith.constant 0 : i32
    %c0_i32_1 = arith.constant 0 : i32
    return %c0_i32, %c0_i32_0 : i32, i32
  }
  func.func @transform_7(%arg0: i32) -> (i32, i32) {
    %c0_i32 = arith.constant 0 : i32
    %c0_i32_0 = arith.constant 0 : i32
    return %arg0, %c0_i32 : i32, i32
  }
}

module attributes {stable_mosaic.version = 14 : i64} {
  func.func @_tc3_body(%arg0: i32, %arg1: memref<2000x128xf32, #tpu.memory_space<vmem>>, %arg2: memref<2000x128xf32, #tpu.memory_space<vmem>>, %arg3: memref<2000x128xf32, #tpu.memory_space<vmem>>, %arg4: memref<2000x16xf32, #tpu.memory_space<vmem>>, %arg5: memref<2000x16xf32, #tpu.memory_space<vmem>>, %arg6: memref<1x128xf32, #tpu.memory_space<vmem>>, %arg7: memref<2000x128xf32, #tpu.memory_space<vmem>>) attributes {dimension_semantics = [#tpu.dimension_semantics<arbitrary>], iteration_bounds = array<i64: 5>, scalar_prefetch = 0 : i64, scratch_operands = 0 : i64, tpu.core_type = #tpu.core_type<tc>, window_params = [{transform_indices = @transform_0, window_bounds = array<i64: 2000, 128>}, {transform_indices = @transform_1, window_bounds = array<i64: 2000, 128>}, {transform_indices = @transform_2, window_bounds = array<i64: 2000, 128>}, {transform_indices = @transform_3, window_bounds = array<i64: 2000, 16>}, {transform_indices = @transform_4, window_bounds = array<i64: 2000, 16>}, {pipeline_mode = #tpu.pipeline_mode<synchronous>, transform_indices = @transform_5, window_bounds = array<i64: 1, 128>}, {transform_indices = @transform_6, window_bounds = array<i64: 2000, 128>}]} {
    %get3A = arith.constant 0 : index
    %get3A_0 = arith.constant 0 : index
    %get3A_1 = vector.load %arg4[%get3A, %get3A_0] : memref<2000x16xf32, #tpu.memory_space<vmem>>, vector<2000x1xf32>
    %get3A_2 = arith.constant 0 : index
    %get3A_3 = arith.constant 0 : index
    %get3A_4 = vector.load %arg5[%get3A_2, %get3A_3] : memref<2000x16xf32, #tpu.memory_space<vmem>>, vector<2000x1xf32>
    %add3A = arith.addf %get3A_1, %get3A_4 : vector<2000x1xf32>
    %add3A_5 = arith.constant 1.000000e+00 : f32
    %add3A_6 = vector.broadcast %add3A_5 : f32 to vector<2000x1xf32>
    %add3A_7 = arith.addf %add3A, %add3A_6 : vector<2000x1xf32>
    %rsqrt3A = math.rsqrt %add3A_7 : vector<2000x1xf32>
    %get3A_8 = arith.constant 0 : index
    %get3A_9 = arith.constant 0 : index
    %get3A_10 = vector.load %arg1[%get3A_8, %get3A_9] : memref<2000x128xf32, #tpu.memory_space<vmem>>, vector<2000x128xf32>
    %get3A_11 = arith.constant 0 : index
    %get3A_12 = arith.constant 0 : index
    %get3A_13 = vector.load %arg2[%get3A_11, %get3A_12] : memref<2000x128xf32, #tpu.memory_space<vmem>>, vector<2000x128xf32>
    %add3A_14 = arith.addf %get3A_10, %get3A_13 : vector<2000x128xf32>
    %get3A_15 = arith.constant 0 : index
    %get3A_16 = arith.constant 0 : index
    %get3A_17 = vector.load %arg3[%get3A_15, %get3A_16] : memref<2000x128xf32, #tpu.memory_space<vmem>>, vector<2000x128xf32>
    %add3A_18 = arith.addf %add3A_14, %get3A_17 : vector<2000x128xf32>
    %mul3A = vector.broadcast %rsqrt3A : vector<2000x1xf32> to vector<2000x128xf32>
    %mul3A_19 = arith.mulf %mul3A, %add3A_18 : vector<2000x128xf32>
    %get3A_20 = arith.constant 0 : index
    %get3A_21 = arith.constant 0 : index
    %get3A_22 = vector.load %arg6[%get3A_20, %get3A_21] : memref<1x128xf32, #tpu.memory_space<vmem>>, vector<1x128xf32>
    %add3A_23 = vector.broadcast %get3A_22 : vector<1x128xf32> to vector<2000x128xf32>
    %add3A_24 = arith.addf %mul3A_19, %add3A_23 : vector<2000x128xf32>
    %swap3A = arith.constant 0 : index
    %swap3A_25 = arith.constant 0 : index
    %swap3A_26 = vector.load %arg7[%swap3A, %swap3A_25] : memref<2000x128xf32, #tpu.memory_space<vmem>>, vector<2000x128xf32>
    tpu.vector_store %arg7[%swap3A, %swap3A_25], %add3A_24 {strides = array<i32>} : memref<2000x128xf32, #tpu.memory_space<vmem>>, vector<2000x128xf32>,
    return
  }
  func.func @transform_0(%arg0: i32) -> (i32, i32) {
    %c0_i32 = arith.constant 0 : i32
    %c0_i32_0 = arith.constant 0 : i32
    return %arg0, %c0_i32 : i32, i32
  }
  func.func @transform_1(%arg0: i32) -> (i32, i32) {
    %c0_i32 = arith.constant 0 : i32
    %c0_i32_0 = arith.constant 0 : i32
    return %arg0, %c0_i32 : i32, i32
  }
  func.func @transform_2(%arg0: i32) -> (i32, i32) {
    %c0_i32 = arith.constant 0 : i32
    %c0_i32_0 = arith.constant 0 : i32
    return %arg0, %c0_i32 : i32, i32
  }
  func.func @transform_3(%arg0: i32) -> (i32, i32) {
    %c0_i32 = arith.constant 0 : i32
    %c0_i32_0 = arith.constant 0 : i32
    return %arg0, %c0_i32 : i32, i32
  }
  func.func @transform_4(%arg0: i32) -> (i32, i32) {
    %c0_i32 = arith.constant 0 : i32
    %c0_i32_0 = arith.constant 0 : i32
    return %arg0, %c0_i32 : i32, i32
  }
  func.func @transform_5(%arg0: i32) -> (i32, i32) {
    %c0_i32 = arith.constant 0 : i32
    %c0_i32_0 = arith.constant 0 : i32
    %c0_i32_1 = arith.constant 0 : i32
    return %c0_i32, %c0_i32_0 : i32, i32
  }
  func.func @transform_6(%arg0: i32) -> (i32, i32) {
    %c0_i32 = arith.constant 0 : i32
    %c0_i32_0 = arith.constant 0 : i32
    return %arg0, %c0_i32 : i32, i32
  }
}

</mosaic_0001>

<sc_bundles>
// kernel: kernel.11.cloned.1.call-start
scs
__scs_entry_jumppad:
0x0: {  	(pc) =	sbr.rel $0x88, $3  }
0x1: {  	(tag) =	ssettag $0x0;
	lr =	simm.s32 $0x1  }
0x2: {  	[smem:$0x3F9B] =	sst lr;
	_ =	strace $0xD0000000  }
0x3: {  	_ = 	snop  }
0x4: {  	_ = 	snop  }
0x5: {  	_ = 	snop  }
0x6: {  	_ = 	snop  }
0x7: {  	_ = 	snop  }
__scs_overlays_trampoline_lowered:
0x8: {  	[smem:$0x3FAA] =	sst s0  }
0x9: {  	[smem:$0x3FAB] =	sst s1  }
0xa: {  	[smem:$0x3FAC] =	sst s2  }
0xb: {  	[smem:$0x3FAD] =	sst s3  }
0xc: {  	[smem:$0x3FAE] =	sst s4  }
0xd: {  	[smem:$0x3FAF] =	sst s5  }
0xe: {  	[smem:$0x3FB0] =	sst s6  }
0xf: {  	[smem:$0x3FB1] =	sst s7  }
0x10: {  	[smem:$0x3FB2] =	sst s8  }
0x11: {  	[smem:$0x3FB3] =	sst s9;
	s0 =	simm.s32 @!p0 $0x0  }
0x12: {  	s1 =	sld [smem:$0x3F99];
	s0 =	simm.s32 @p0 $0x1  }
0x13: {  	[smem:$0x3FB4] =	sst s0;
	s0 =	simm.s32 @!p1 $0x0  }
0x14: {  	s2 =	sld [smem:$0x3F98];
	s0 =	simm.s32 @p1 $0x1  }
0x15: {  	[smem:$0x3FB5] =	sst s0;
	s0 =	simm.s32 @!p2 $0x0  }
0x16: {  	s3 =	sld [smem:$0x3FDB];
	s0 =	simm.s32 @p2 $0x1  }
0x17: {  	s4 =	simm.s32 $0x1BF5;
	[smem:$0x3FB7] =	sst s0  }
0x18: {  	s0 =	sld [smem:$0x3F9A];
	_ =	swait.ge [sflag:s4], $0x0  }
0x19: {  	s7 =	sld [smem:$0x3F9B]  }
0x1a: {  	s8 =	sadd.s32 $0xFFFFE003, lr  }
0x1b: {  	s9 =	sadd.s32 $0xFFFFFEF7, lr;
	s5 =	simm.s32 $0xFFFFFFFF;
	p2 =	slt.u32 s8, $0xFFFFF086  }
0x1c: {  	p1 =	slt.u32 s9, $0xF7A;
	s5 =	simm.s32 @!p2 $0x0  }
0x1d: {  	s5 =	simm.s32 @p1 $0x1;
	p0 =	seq.s32 s7, s2  }
0x1e: {  	s7 =	smul.u32 @!p0 $0xF7A, s2;
	p2 =	seq.s32 @!p0 s5, $0x0  }
0x1f: {  	s9 =	smul.u32 $0xF7A, s1;
	s8 =	simm.s32 @!p0 $0x1BF5;
	p2 =	por !p2, p0  }
0x20: {  	[sflag:s8] =	ssyncset.s32 @!p0 $0xFFFFF086;
	s6 =	sadd.s32 @!p0 s3, s7;
	s7 =	simm.s32 @!p0 $0x108  }
0x21: {  	s3 =	sadd.s32 s3, s9;
	s6 =	sadd.s32 @!p0 $0x88, s6;
	s7 =	simm.s32 @p2 $0x1082  }
0x22: {  	[simem:s7], [sflag:s8] =	dma.local @!p0 [hbm:s6], $0xF7A  }
0x23: {  	s9 =	sor.u32 $0xD0000000, s2;
	s6 =	simm.s32 $0x108;
	_ =	swait.ge @!p0 [sflag:s8], $0x0  }
0x24: {  	s3 =	sadd.s32 $0x88, s3;
	s6 =	simm.s32 @!p1 $0x1082;
	[sflag:s4] =	ssyncset.s32 $0xFFFFF086  }
0x25: {  	[simem:s6], [sflag:s4] =	dma.local [hbm:s3], $0xF7A  }
0x26: {  	[smem:$0x3F9B] =	sst s1;
	(tag) =	ssettag s2;
	_ =	strace s9  }
0x27: {  	s1 =	sld [smem:$0x3FAB]  }
0x28: {  	s2 =	sld [smem:$0x3FAC]  }
0x29: {  	s4 =	sld [smem:$0x3FAE]  }
0x2a: {  	p0 =	seq.s32 s5, $0x0;
	s5 =	sld [smem:$0x3FAF]  }
0x2b: {  	s6 =	sld [smem:$0x3FB0]  }
0x2c: {  	s7 =	sld [smem:$0x3FB1]  }
0x2d: {  	s3 =	simm.s32 $0x108;
	s8 =	sld [smem:$0x3FB2]  }
0x2e: {  	s3 =	simm.s32 @!p0 $0x1082;
	s9 =	sld [smem:$0x3FB3]  }
0x2f: {  	lr =	sadd.s32 s0, s3;
	s0 =	sld [smem:$0x3FAA]  }
0x30: {  	s3 =	sld [smem:$0x3FAD]  }
0x31: {  	[smem:$0x3FB6] =	sst s10  }
0x32: {  	s10 =	sld [smem:$0x3FB4];
	_ =	sdelay $0x3  }
0x33: {  	p0 =	seq.s32 s10, $0x1;
	s10 =	sld [smem:$0x3FB6];
	_ =	sdelay $0x3  }
0x34: {  	[smem:$0x3FB6] =	sst s10  }
0x35: {  	s10 =	sld [smem:$0x3FB5];
	_ =	sdelay $0x3  }
0x36: {  	p1 =	seq.s32 s10, $0x1;
	s10 =	sld [smem:$0x3FB6];
	_ =	sdelay $0x3  }
0x37: {  	[smem:$0x3FB6] =	sst s10  }
0x38: {  	s10 =	sld [smem:$0x3FB7]  }
0x39: {  	_ = 	snop;
	(pc) =	sbr.ind lr, $3  }
0x3a: {  	_ = 	snop  }
0x3b: {  	_ = 	snop  }
0x3c: {  	p2 =	seq.s32 s10, $0x1;
	s10 =	sld [smem:$0x3FB6]  }
0x3d: {  	_ =	shalt  }
0x3e: {  	_ =	shalt  }
0x3f: {  	_ =	shalt  }
0x40: {  	_ =	shalt  }
0x41: {  	_ =	shalt  }
0x42: {  	_ =	shalt  }
0x43: {  	_ =	shalt  }
0x44: {  	_ =	shalt  }
0x45: {  	_ =	shalt  }
0x46: {  	_ =	shalt  }
0x47: {  	_ =	shalt  }
0x48: {  	_ =	shalt  }
0x49: {  	_ =	shalt  }
0x4a: {  	_ =	shalt  }
0x4b: {  	_ =	shalt  }
0x4c: {  	_ =	shalt  }
0x4d: {  	_ =	shalt  }
0x4e: {  	_ =	shalt  }
0x4f: {  	_ =	shalt  }
0x50: {  	_ =	shalt  }
0x51: {  	_ =	shalt  }
0x52: {  	_ =	shalt  }
0x53: {  	_ =	shalt  }
0x54: {  	_ =	shalt  }
0x55: {  	_ =	shalt  }
0x56: {  	_ =	shalt  }
0x57: {  	_ =	shalt  }
0x58: {  	_ =	shalt  }
0x59: {  	_ =	shalt  }
0x5a: {  	_ =	shalt  }
0x5b: {  	_ =	shalt  }
0x5c: {  	_ =	shalt  }
0x5d: {  	_ =	shalt  }
0x5e: {  	_ =	shalt  }
0x5f: {  	_ =	shalt  }
0x60: {  	_ =	shalt  }
0x61: {  	_ =	shalt  }
0x62: {  	_ =	shalt  }
0x63: {  	_ =	shalt  }
0x64: {  	_ =	shalt  }
0x65: {  	_ =	shalt  }
0x66: {  	_ =	shalt  }
0x67: {  	_ =	shalt  }
0x68: {  	_ =	shalt  }
0x69: {  	_ =	shalt  }
0x6a: {  	_ =	shalt  }
0x6b: {  	_ =	shalt  }
0x6c: {  	_ =	shalt  }
0x6d: {  	_ =	shalt  }
0x6e: {  	_ =	shalt  }
0x6f: {  	_ =	shalt  }
0x70: {  	_ =	shalt  }
0x71: {  	_ =	shalt  }
0x72: {  	_ =	shalt  }
0x73: {  	_ =	shalt  }
0x74: {  	_ =	shalt  }
0x75: {  	_ =	shalt  }
0x76: {  	_ =	shalt  }
0x77: {  	_ =	shalt  }
0x78: {  	_ =	shalt  }
0x79: {  	_ =	shalt  }
0x7a: {  	_ =	shalt  }
0x7b: {  	_ =	shalt  }
0x7c: {  	_ =	shalt  }
0x7d: {  	_ =	shalt  }
0x7e: {  	_ =	shalt  }
0x7f: {  	_ =	shalt  }
0x80: {  	_ =	shalt  }
0x81: {  	_ =	shalt  }
0x82: {  	_ =	shalt  }
0x83: {  	_ =	shalt  }
0x84: {  	_ =	shalt  }
0x85: {  	_ =	shalt  }
0x86: {  	_ =	shalt  }
0x87: {  	_ =	shalt  }
.Lfunc_end0:
.L_simem_size_0:
called_computation.1_lowered:
.L_overlay_start_0:
0x88: {  	s2 =	sld [smem:$0x3FD9]  }
0x89: {  	s3 =	sld [smem:$0x3FFE];
	_ =	sdelay $0x1  }
0x8a: {  	s1 =	srdreg.scid  }
0x8b: {  	s0 =	sand.u32 $0x1, s1  }
0x8c: {  	s17 =	sshll.u32 s0, $0xA;
	s2 =	sadd.s32 s3, s2  }
0x8d: {  	s2 =	sadd.s32 s2, s17  }
0x8e: {  	[smem:$0x3FC2] =	sst s2  }
0x8f: {  	_ = 	snop  }
0x90: {  	s2 =	sld [smem:$0x3FD0];
	(tm) =	ssettm $0x1  }
0x91: {  	s18 =	sld [smem:$0x3FFB];
	_ =	sdelay $0x3  }
0x92: {  	_ =	strace s18  }
0x93: {  	s3 =	sld [smem:$0x3FFC];
	_ =	sdelay $0x3  }
0x94: {  	_ =	strace s3  }
0x95: {  	s3 =	sld [smem:$0x3FFD];
	_ =	sdelay $0x3  }
0x96: {  	_ =	strace s3  }
0x97: {  	_ =	strace $0x8FFFFFFF  }
0x98: {  	s19 =	sld [smem:$0x3FDB];
	_ =	sdelay $0x1  }
0x99: {  	s4 =	simm.s32 $_scs_section_size  }
0x9a: {  	s5 =	simm.s32 $_size__tile_overlayer_lowered;
	s6 =	simm.s32 $_tile_overlayer_lowered  }
0x9b: {  	s22 =	simm.s32 $0x1BFF;
	s21 =	sshll.u32 s6, $0x1;
	s3 =	sadd.s32 s4, s19  }
0x9c: {  	s7 =	simm.s32 $0x0;
	s20 =	sshll.u32 s5, $0x1;
	s5 =	sadd.s32 s21, s3  }
0x9d: {  	[timem:s7], [sflag:s22] =	dma.local [hbm:s5], s20  }
0x9e: {  	_ =	swait.ge [sflag:s22], s20  }
0x9f: {  	s4 =	ssub.s32 $0x0, s20;
	[sflag:s22] =	ssyncset.done $0x0  }
0xa0: {  	[sflag:s22] =	ssyncadd.s32 s4;
	_ =	sdelay $0x1  }
0xa1: {  	s23 =	simm.s32 $0x1B8B  }
0xa2: {  	_ =	swait.ge [sflag:s23], $0x1  }
0xa3: {  	[sflag:s23] =	ssyncset.done $0x0  }
0xa4: {  	s25 =	simm.s32 $0x1B8E;
	s24 =	sld [smem:$0x3FFE];
	[sflag:s23] =	ssyncadd.s32 $0xFFFFFFFF  }
0xa5: {  	s26 =	simm.s32 $execute0_lowered;
	[smem:$0x3FD2] =	sst s25  }
0xa6: {  	s5 =	sshll.u32 s26, $0x1;
	_ =	strace $0x80000049;
	[dreg:$0x1] =	wrdreg $0xFFFFFFFF  }
0xa7: {  	s28 =	simm.s32 $_size_execute0_lowered;
	s3 =	sadd.s32 s3, s5;
	[dreg:$0x0] =	wrdreg $0x0  }
0xa8: {  	s5 =	sshll.u32 s28, $0x1;
	[dreg:$0x2] =	wrdreg s3  }
0xa9: {  	[dreg:$0x3] =	wrdreg s5  }
0xaa: {  	[dreg:$0x4] =	wrdreg $0xC0  }
0xab: {  	_ =	task [dreg:s7], $0x5FFFF  }
0xac: {  	[dreg:$0x1] =	wrdreg $0xFFFFFFFF  }
0xad: {  	[dreg:$0x0] =	wrdreg $0x60  }
0xae: {  	[dreg:$0x2] =	wrdreg s2  }
0xaf: {  	[dreg:$0x3] =	wrdreg s24  }
0xb0: {  	[dreg:$0x4] =	wrdreg $0x69000  }
0xb1: {  	[dreg:$0x5] =	wrdreg $0x9  }
0xb2: {  	_ =	task.clear_ibuf [dreg:s7], $0x6FFFF;
	_ =	strace $0x90000049  }
0xb3: {  	s29 =	simm.s32 $0x9;
	_ =	strace $0x8000004B  }
0xb4: {  	_ =	swait.ge [sflag:s29], $0x1  }
0xb5: {  	[sflag:s29] =	ssyncadd.s32 $0xFFFFFFFF  }
0xb6: {  	_ =	strace $0x9000004B  }
0xb7: {  	_ =	sfence  }
0xb8: {  	s30 =	sld [smem:$0x0];
	_ =	sdelay $0x2  }
0xb9: {  	s31 =	sshll.u32 s1, $0xD;
	s1 =	sshrl.u32 s1, $0x2  }
0xba: {  	s3 =	sand.u32 $0x4000, s31;
	s1 =	sadd.s32 s1, s30  }
0xbb: {  	s0 =	sor.u32 s3, s0;
	s1 =	sshll.u32 s1, $0x11  }
0xbc: {  	s0 =	sor.u32 s1, s0  }
0xbd: {  	s0 =	sadd.s32 $0x8F2B, s0  }
0xbe: {  	[sflag:s0] =	ssyncadd.remote.s32 $0x1  }
0xbf: {  	_ =	sfence.sel $0xFFFF  }
0xc0: {  	[dreg:$0x0] =	wrdreg $0xFFFFFFFF;
	(pc) =	sbr.abs _section_cstart, $3  }
0xc1: {  	[dreg:$0x1] =	wrdreg $0xFFFFFFFF  }
0xc2: {  	_ =	task.clear_ibuf [dreg:s7], $0x2FFFF;
	_ =	strace $0x9FFFFFFF  }
0xc3: {  	(tm) =	ssettm $0x7FFFFFFF  }
tec
execute0_lowered:
.L_overlay_start_1:
0x0: {  	(tag) =	ssettag $0x1  }
0x1: {  	s1 =	rddreg [dreg:$0x0]  }
0x2: {  	s0 =	rddreg [dreg:$0x1]  }
0x3: {  	s2 =	rddreg [dreg:$0x2]  }
0x4: {  	s3 =	srdreg.scid;
	s4 =	simm.s32 $0x0;
	s11 =	stileid.u32  }
0x5: {  	s28 =	simm.s32 $0x4;
	s30 =	simm.s32 $0x5;
	s29 =	simm.s32 $0x6700  }
0x6: {  	s31 =	simm.s32 $0x6500;
	s3 =	sand.u32 $0x1, s3;
	s6 =	smul.u32 $0x14000, s11  }
0x7: {  	[smem:$0x7FF] =	sst s4;
	s7 =	sadd.s32 $0x3400, s0;
	s8 =	smul.u32 $0x4E20, s11  }
0x8: {  	s9 =	sadd.s32 $0xD200, s0;
	s10 =	sadd.s32 $0x67000, s0;
	s22 =	smul.u32 $0x50000, s11  }
0x9: {  	s12 =	sshll.u32 s11, $0x6;
	s11 =	simm.s32 $0xE;
	s5 =	smul.u32 $0x140000, s3  }
0xa: {  	_ =	strace $0x8000004A;
	s21 =	smul.u32 $0x2710, s3;
	s3 =	ssub.s32 $0x2, s3  }
0xb: {  	[dreg:$0xe] =	wrdreg s10;
	s23 =	sshrl.u32 s3, $0x1;
	s24 =	sshrl.u32 s22, $0x2  }
0xc: {  	s5 =	sadd.s32 s6, s5;
	s3 =	ssub.s32 s3, s23;
	s26 =	sadd.s32 s24, s2  }
0xd: {  	s5 =	sshrl.u32 s5, $0x3;
	[dreg:$0xf] =	wrdreg s26;
	s3 =	smax.u32 s3, $0x1  }
0xe: {  	s0 =	sadd.s32 s5, s0;
	s5 =	sadd.s32 s21, s8;
	[dreg:$0x12] =	wrdreg s3  }
0xf: {  	s3 =	simm.s32 $0xB;
	s25 =	sadd.s32 $0xA0, s5;
	s13 =	sadd.s32 $0x78, s5  }
0x10: {  	s16 =	sadd.s32 $0x50, s5;
	s20 =	sadd.s32 $0x28, s5;
	s5 =	sshrl.u32 s5, $0x3  }
0x11: {  	s0 =	sadd.s32 $0x69800, s0;
	s8 =	sshrl.u32 s25, $0x3;
	s14 =	sshrl.u32 s13, $0x3  }
0x12: {  	s18 =	sshrl.u32 s16, $0x3;
	[dreg:$0x11] =	wrdreg s0;
	s25 =	sadd.s32 s5, s9  }
0x13: {  	s22 =	sshrl.u32 s20, $0x3;
	s26 =	sadd.s32 s5, s7;
	[dreg:$0xc] =	wrdreg s25  }
0x14: {  	s0 =	simm.s32 $0x6;
	s10 =	sadd.s32 s8, s9;
	[dreg:$0xd] =	wrdreg s26  }
0x15: {  	s5 =	simm.s32 $0x7;
	s6 =	sadd.s32 s8, s7;
	[dreg:$0x4] =	wrdreg s10  }
0x16: {  	s13 =	simm.s32 $0xF;
	s15 =	sadd.s32 s14, s9;
	[dreg:$0x5] =	wrdreg s6  }
0x17: {  	s16 =	simm.s32 $0x0;
	s17 =	sadd.s32 s14, s7;
	[dreg:$0x6] =	wrdreg s15  }
0x18: {  	s19 =	sadd.s32 s18, s9;
	s21 =	sadd.s32 s18, s7;
	[dreg:$0x7] =	wrdreg s17  }
0x19: {  	s23 =	sadd.s32 s22, s9;
	s24 =	sadd.s32 s22, s7;
	[dreg:$0x8] =	wrdreg s19  }
0x1a: {  	s22 =	simm.s32 $0x28;
	s8 =	simm.s32 $0x8;
	[dreg:$0x9] =	wrdreg s21  }
0x1b: {  	s9 =	simm.s32 $0xD;
	s7 =	simm.s32 $0x9;
	[dreg:$0xa] =	wrdreg s23  }
0x1c: {  	s15 =	sor.u32 $0x1C10, s12;
	[dreg:$0xb] =	wrdreg s24;
	s10 =	simm.s32 $0x10  }
0x1d: {  	s6 =	simm.s32 $0xC;
	s12 =	simm.s32 $0xA;
	[dreg:$0x10] =	wrdreg s15  }
.LBB2_1:
0x1e: {  	[dreg:$0x13] =	wrdreg s16  }
0x1f: {  	s14 =	rddreg [dreg:$0xf]  }
0x20: {  	s18 =	rddreg [dreg:$0xe];
	s17 =	sshrl.u32 s14, $0x3  }
0x21: {  	[dreg:$0x14] =	wrdreg s17  }
0x22: {  	[spmem:s17], [sflag:s15] =	dma.local [hbm:s18], $0x2800  }
0x23: {  	_ =	swait.ge [sflag:s10], $0x2800  }
0x24: {  	[sflag:s10] =	ssyncset.done $0x0  }
0x25: {  	[sflag:s10] =	ssyncadd.s32 $0xFFFFD800  }
0x26: {  	[bflag:$0x0] =	sbarrier.arrive $0xFFFF  }
0x27: {  	s19 =	rddreg [dreg:$0xd]  }
0x28: {  	s17 =	simm.s32 $0x6400;
	s20 =	rddreg [dreg:$0xc];
	s14 =	sadd.s32 $0x0, s19  }
0x29: {  	[tilespmem:s17], [sflag:$0x1] =	stream.linear.gather [hbm4b:s14+s4], $0x28, $0x38;
	[tilespmem:$0x1A900] =	vst v63  }
0x2a: {  	s18 =	simm.s32 $0x6680;
	s21 =	rddreg [dreg:$0xb];
	s23 =	sadd.s32 $0x0, s20  }
0x2b: {  	[tilespmem:s18], [sflag:$0xB] =	stream.linear.gather [hbm4b:s23+s4], $0x28, $0x38;
	[tilespmem:$0x1A900] =	vst v63  }
0x2c: {  	s24 =	rddreg [dreg:$0xa];
	s25 =	sadd.s32 $0x0, s21;
	s19 =	simm.s32 $0x6480  }
0x2d: {  	[tilespmem:s19], [sflag:$0x2] =	stream.linear.gather [hbm4b:s25+s4], $0x28, $0x38;
	[tilespmem:$0x1A900] =	vst v63  }
0x2e: {  	s26 =	rddreg [dreg:$0x9];
	s21 =	sadd.s32 $0x0, s24;
	s20 =	simm.s32 $0x6700  }
0x2f: {  	[tilespmem:s20], [sflag:$0xC] =	stream.linear.gather [hbm4b:s21+s4], $0x28, $0x38;
	[tilespmem:$0x1A900] =	vst v63  }
0x30: {  	s24 =	simm.s32 $0x6500;
	s23 =	rddreg [dreg:$0x8];
	s25 =	sadd.s32 $0x0, s26  }
0x31: {  	[tilespmem:s24], [sflag:$0x3] =	stream.linear.gather [hbm4b:s25+s4], $0x28, $0x38;
	[tilespmem:$0x1A900] =	vst v63  }
0x32: {  	s23 =	sadd.s32 $0x0, s23;
	s26 =	rddreg [dreg:$0x7];
	s21 =	simm.s32 $0x6780  }
0x33: {  	[tilespmem:s21], [sflag:$0xD] =	stream.linear.gather [hbm4b:s23+s4], $0x28, $0x38;
	[tilespmem:$0x1A900] =	vst v63  }
0x34: {  	s25 =	rddreg [dreg:$0x6];
	s23 =	sadd.s32 $0x0, s26;
	s26 =	simm.s32 $0x6580  }
0x35: {  	[tilespmem:s26], [sflag:$0x4] =	stream.linear.gather [hbm4b:s23+s4], $0x28, $0x38;
	[tilespmem:$0x1A900] =	vst v63  }
0x36: {  	s16 =	rddreg [dreg:$0x5];
	s25 =	sadd.s32 $0x0, s25;
	s23 =	simm.s32 $0x6800  }
0x37: {  	[tilespmem:s23], [sflag:$0xE] =	stream.linear.gather [hbm4b:s25+s4], $0x28, $0x38;
	[tilespmem:$0x1A900] =	vst v63  }
0x38: {  	s15 =	rddreg [dreg:$0x4];
	s25 =	sadd.s32 $0x0, s16;
	s16 =	simm.s32 $0x6600  }
0x39: {  	[tilespmem:s16], [sflag:$0x5] =	stream.linear.gather [hbm4b:s25+s4], $0x28, $0x38;
	[tilespmem:$0x1A900] =	vst v63  }
0x3a: {  	s25 =	sadd.s32 $0x0, s15;
	s15 =	simm.s32 $0x6880  }
0x3b: {  	[tilespmem:s15], [sflag:$0xF] =	stream.linear.gather [hbm4b:s25+s4], $0x28, $0x38;
	[tilespmem:$0x1A900] =	vst v63  }
0x3c: {  	s25 =	simm.s32 $0x1  }
0x3d: {  	_ =	swait.ge [sflag:s25], $0x28  }
0x3e: {  	[sflag:s25] =	ssyncset.done $0x0  }
0x3f: {  	[sflag:s25] =	ssyncadd.s32 $0xFFFFFFD8  }
0x40: {  	[tilespmem:s4], [sflag:$0x6] =	stream.indirect.gather [hbm4b:s1+s22], $0x80, s17, s22, $0xb8;
	[tilespmem:$0x1A900] =	vst v63  }
0x41: {  	s17 =	simm.s32 $0x2  }
0x42: {  	_ =	swait.ge [sflag:s17], $0x28  }
0x43: {  	[sflag:s17] =	ssyncset.done $0x0  }
0x44: {  	s14 =	simm.s32 $0x1400;
	s25 =	simm.s32 $0x3;
	[sflag:s17] =	ssyncadd.s32 $0xFFFFFFD8  }
0x45: {  	[tilespmem:s14], [sflag:$0x7] =	stream.indirect.gather [hbm4b:s1+s22], $0x80, s19, s22, $0xb8;
	[tilespmem:$0x1A900] =	vst v63  }
0x46: {  	_ =	swait.ge [sflag:s25], $0x28  }
0x47: {  	[sflag:s25] =	ssyncset.done $0x0  }
0x48: {  	s19 =	simm.s32 $0x2800;
	[sflag:s25] =	ssyncadd.s32 $0xFFFFFFD8  }
0x49: {  	[tilespmem:s19], [sflag:$0x8] =	stream.indirect.gather [hbm4b:s1+s22], $0x80, s24, s22, $0xb8;
	[tilespmem:$0x1A900] =	vst v63  }
0x4a: {  	_ =	swait.ge [sflag:s28], $0x28  }
0x4b: {  	[sflag:s28] =	ssyncset.done $0x0  }
0x4c: {  	s25 =	simm.s32 $0x3C00;
	[sflag:s28] =	ssyncadd.s32 $0xFFFFFFD8  }
0x4d: {  	[tilespmem:s25], [sflag:$0x9] =	stream.indirect.gather [hbm4b:s1+s22], $0x80, s26, s22, $0xb8;
	[tilespmem:$0x1A900] =	vst v63  }
0x4e: {  	_ =	swait.ge [sflag:s30], $0x28  }
0x4f: {  	[sflag:s30] =	ssyncset.done $0x0  }
0x50: {  	s26 =	simm.s32 $0x5000;
	[sflag:s30] =	ssyncadd.s32 $0xFFFFFFD8  }
0x51: {  	[tilespmem:s26], [sflag:$0xA] =	stream.indirect.gather [hbm4b:s1+s22], $0x80, s16, s22, $0xb8;
	[tilespmem:$0x1A900] =	vst v63  }
0x52: {  	_ =	swait.ge [sflag:s0], $0x1400  }
0x53: {  	[sflag:s0] =	ssyncset.done $0x0  }
0x54: {  	[sflag:s0] =	ssyncadd.s32 $0xFFFFEC00  }
0x55: {  	_ =	swait.ge [sflag:s3], $0x28  }
0x56: {  	[sflag:s3] =	ssyncset.done $0x0  }
0x57: {  	[sflag:s3] =	ssyncadd.s32 $0xFFFFFFD8  }
0x58: {  	[spmem:s2] =	stream.indirect.scatter.add.f32 [tilespmem:s4], [sflag:$0x10], $0x80, s18, s22, $0xb8;
	[tilespmem:$0x1A900] =	vst v63  }
0x59: {  	_ =	swait.ge [sflag:s10], $0x1400  }
0x5a: {  	[sflag:s10] =	ssyncset.done $0x0  }
0x5b: {  	[sflag:s10] =	ssyncadd.s32 $0xFFFFEC00  }
0x5c: {  	_ =	swait.ge [sflag:s5], $0x1400  }
0x5d: {  	[sflag:s5] =	ssyncset.done $0x0  }
0x5e: {  	[sflag:s5] =	ssyncadd.s32 $0xFFFFEC00  }
0x5f: {  	_ =	swait.ge [sflag:s6], $0x28  }
0x60: {  	[sflag:s6] =	ssyncset.done $0x0  }
0x61: {  	[sflag:s6] =	ssyncadd.s32 $0xFFFFFFD8  }
0x62: {  	[spmem:s2] =	stream.indirect.scatter.add.f32 [tilespmem:s14], [sflag:$0x10], $0x80, s20, s22, $0xb8;
	[tilespmem:$0x1A900] =	vst v63  }
0x63: {  	_ =	swait.ge [sflag:s10], $0x1400  }
0x64: {  	[sflag:s10] =	ssyncset.done $0x0  }
0x65: {  	[sflag:s10] =	ssyncadd.s32 $0xFFFFEC00  }
0x66: {  	_ =	swait.ge [sflag:s8], $0x1400  }
0x67: {  	[sflag:s8] =	ssyncset.done $0x0  }
0x68: {  	[sflag:s8] =	ssyncadd.s32 $0xFFFFEC00  }
0x69: {  	_ =	swait.ge [sflag:s9], $0x28  }
0x6a: {  	[sflag:s9] =	ssyncset.done $0x0  }
0x6b: {  	[sflag:s9] =	ssyncadd.s32 $0xFFFFFFD8  }
0x6c: {  	[spmem:s2] =	stream.indirect.scatter.add.f32 [tilespmem:s19], [sflag:$0x10], $0x80, s21, s22, $0xb8;
	[tilespmem:$0x1A900] =	vst v63  }
0x6d: {  	_ =	swait.ge [sflag:s10], $0x1400  }
0x6e: {  	[sflag:s10] =	ssyncset.done $0x0  }
0x6f: {  	[sflag:s10] =	ssyncadd.s32 $0xFFFFEC00  }
0x70: {  	_ =	swait.ge [sflag:s7], $0x1400  }
0x71: {  	[sflag:s7] =	ssyncset.done $0x0  }
0x72: {  	[sflag:s7] =	ssyncadd.s32 $0xFFFFEC00  }
0x73: {  	_ =	swait.ge [sflag:s11], $0x28  }
0x74: {  	[sflag:s11] =	ssyncset.done $0x0  }
0x75: {  	[sflag:s11] =	ssyncadd.s32 $0xFFFFFFD8  }
0x76: {  	[spmem:s2] =	stream.indirect.scatter.add.f32 [tilespmem:s25], [sflag:$0x10], $0x80, s23, s22, $0xb8;
	[tilespmem:$0x1A900] =	vst v63  }
0x77: {  	_ =	swait.ge [sflag:s10], $0x1400  }
0x78: {  	[sflag:s10] =	ssyncset.done $0x0  }
0x79: {  	[sflag:s10] =	ssyncadd.s32 $0xFFFFEC00  }
0x7a: {  	_ =	swait.ge [sflag:s12], $0x1400  }
0x7b: {  	[sflag:s12] =	ssyncset.done $0x0  }
0x7c: {  	[sflag:s12] =	ssyncadd.s32 $0xFFFFEC00  }
0x7d: {  	_ =	swait.ge [sflag:s13], $0x28  }
0x7e: {  	[sflag:s13] =	ssyncset.done $0x0  }
0x7f: {  	[sflag:s13] =	ssyncadd.s32 $0xFFFFFFD8  }
0x80: {  	[spmem:s2] =	stream.indirect.scatter.add.f32 [tilespmem:s26], [sflag:$0x10], $0x80, s15, s22, $0xb8;
	[tilespmem:$0x1A900] =	vst v63  }
0x81: {  	s14 =	simm.s32 $0x19;
	_ =	swait.ge [sflag:s10], $0x1400  }
0x82: {  	s15 =	simm.s32 $0x32;
	s16 =	rddreg [dreg:$0xd];
	[sflag:s10] =	ssyncset.done $0x0  }
.LBB2_2:
0x83: {  	[sflag:s10] =	ssyncadd.s32 $0xFFFFEC00  }
0x84: {  	s18 =	rddreg [dreg:$0xc];
	s16 =	sadd.s32 s14, s16;
	s20 =	simm.s32 $0x6400  }
0x85: {  	[tilespmem:s20], [sflag:$0x1] =	stream.linear.gather [hbm4b:s16+s4], $0x28, $0x38;
	[tilespmem:$0x1A900] =	vst v63  }
0x86: {  	s19 =	rddreg [dreg:$0xb];
	s24 =	simm.s32 $0x6680;
	s18 =	sadd.s32 s14, s18  }
0x87: {  	[tilespmem:s24], [sflag:$0xB] =	stream.linear.gather [hbm4b:s18+s4], $0x28, $0x38;
	[tilespmem:$0x1A900] =	vst v63  }
0x88: {  	s21 =	rddreg [dreg:$0xa];
	s26 =	simm.s32 $0x6480;
	s23 =	sadd.s32 s14, s19  }
0x89: {  	[tilespmem:s26], [sflag:$0x2] =	stream.linear.gather [hbm4b:s23+s4], $0x28, $0x38;
	[tilespmem:$0x1A900] =	vst v63  }
0x8a: {  	s25 =	rddreg [dreg:$0x9];
	s18 =	sadd.s32 s14, s21  }
0x8b: {  	[tilespmem:s29], [sflag:$0xC] =	stream.linear.gather [hbm4b:s18+s4], $0x28, $0x38;
	[tilespmem:$0x1A900] =	vst v63  }
0x8c: {  	s17 =	smov.u32 s15;
	s21 =	rddreg [dreg:$0x8];
	s23 =	sadd.s32 s14, s25  }
0x8d: {  	[tilespmem:s31], [sflag:$0x3] =	stream.linear.gather [hbm4b:s23+s4], $0x28, $0x38;
	[tilespmem:$0x1A900] =	vst v63  }
0x8e: {  	s25 =	rddreg [dreg:$0x7];
	s23 =	sadd.s32 s14, s21;
	s21 =	simm.s32 $0x6780  }
0x8f: {  	[tilespmem:s21], [sflag:$0xD] =	stream.linear.gather [hbm4b:s23+s4], $0x28, $0x38;
	[tilespmem:$0x1A900] =	vst v63  }
0x90: {  	s25 =	sadd.s32 s14, s25;
	s18 =	rddreg [dreg:$0x6];
	s23 =	simm.s32 $0x6580  }
0x91: {  	[tilespmem:s23], [sflag:$0x4] =	stream.linear.gather [hbm4b:s25+s4], $0x28, $0x38;
	[tilespmem:$0x1A900] =	vst v63  }
0x92: {  	s19 =	rddreg [dreg:$0x5];
	s16 =	sadd.s32 s14, s18;
	s25 =	simm.s32 $0x6800  }
0x93: {  	[tilespmem:s25], [sflag:$0xE] =	stream.linear.gather [hbm4b:s16+s4], $0x28, $0x38;
	[tilespmem:$0x1A900] =	vst v63  }
0x94: {  	s18 =	rddreg [dreg:$0x4];
	s16 =	sadd.s32 s14, s19;
	s19 =	simm.s32 $0x6600  }
0x95: {  	[tilespmem:s19], [sflag:$0x5] =	stream.linear.gather [hbm4b:s16+s4], $0x28, $0x38;
	[tilespmem:$0x1A900] =	vst v63  }
0x96: {  	s18 =	sadd.s32 s14, s18;
	s14 =	smov.u32 s17;
	s17 =	simm.s32 $0x6880  }
0x97: {  	[tilespmem:s17], [sflag:$0xF] =	stream.linear.gather [hbm4b:s18+s4], $0x28, $0x38;
	[tilespmem:$0x1A900] =	vst v63  }
0x98: {  	s18 =	simm.s32 $0x1  }
0x99: {  	_ =	swait.ge [sflag:s18], $0x28  }
0x9a: {  	[sflag:s18] =	ssyncset.done $0x0  }
0x9b: {  	[sflag:s18] =	ssyncadd.s32 $0xFFFFFFD8;
	s18 =	simm.s32 $0x2  }
0x9c: {  	[tilespmem:s4], [sflag:$0x6] =	stream.indirect.gather [hbm4b:s1+s22], $0x80, s20, s22, $0xb8;
	[tilespmem:$0x1A900] =	vst v63  }
0x9d: {  	_ =	swait.ge [sflag:s18], $0x28  }
0x9e: {  	[sflag:s18] =	ssyncset.done $0x0  }
0x9f: {  	s16 =	simm.s32 $0x1400;
	s20 =	simm.s32 $0x3;
	[sflag:s18] =	ssyncadd.s32 $0xFFFFFFD8  }
0xa0: {  	[tilespmem:s16], [sflag:$0x7] =	stream.indirect.gather [hbm4b:s1+s22], $0x80, s26, s22, $0xb8;
	[tilespmem:$0x1A900] =	vst v63  }
0xa1: {  	_ =	swait.ge [sflag:s20], $0x28  }
0xa2: {  	[sflag:s20] =	ssyncset.done $0x0  }
0xa3: {  	s18 =	simm.s32 $0x2800;
	[sflag:s20] =	ssyncadd.s32 $0xFFFFFFD8  }
0xa4: {  	[tilespmem:s18], [sflag:$0x8] =	stream.indirect.gather [hbm4b:s1+s22], $0x80, s31, s22, $0xb8;
	[tilespmem:$0x1A900] =	vst v63  }
0xa5: {  	_ =	swait.ge [sflag:s28], $0x28  }
0xa6: {  	[sflag:s28] =	ssyncset.done $0x0  }
0xa7: {  	s20 =	simm.s32 $0x3C00;
	[sflag:s28] =	ssyncadd.s32 $0xFFFFFFD8  }
0xa8: {  	[tilespmem:s20], [sflag:$0x9] =	stream.indirect.gather [hbm4b:s1+s22], $0x80, s23, s22, $0xb8;
	[tilespmem:$0x1A900] =	vst v63  }
0xa9: {  	_ =	swait.ge [sflag:s30], $0x28  }
0xaa: {  	[sflag:s30] =	ssyncset.done $0x0  }
0xab: {  	s26 =	simm.s32 $0x5000;
	[sflag:s30] =	ssyncadd.s32 $0xFFFFFFD8  }
0xac: {  	[tilespmem:s26], [sflag:$0xA] =	stream.indirect.gather [hbm4b:s1+s22], $0x80, s19, s22, $0xb8;
	[tilespmem:$0x1A900] =	vst v63  }
0xad: {  	_ =	swait.ge [sflag:s0], $0x1400  }
0xae: {  	[sflag:s0] =	ssyncset.done $0x0  }
0xaf: {  	[sflag:s0] =	ssyncadd.s32 $0xFFFFEC00  }
0xb0: {  	_ =	swait.ge [sflag:s3], $0x28  }
0xb1: {  	[sflag:s3] =	ssyncset.done $0x0  }
0xb2: {  	[sflag:s3] =	ssyncadd.s32 $0xFFFFFFD8  }
0xb3: {  	[spmem:s2] =	stream.indirect.scatter.add.f32 [tilespmem:s4], [sflag:$0x10], $0x80, s24, s22, $0xb8;
	[tilespmem:$0x1A900] =	vst v63  }
0xb4: {  	_ =	swait.ge [sflag:s10], $0x1400  }
0xb5: {  	[sflag:s10] =	ssyncset.done $0x0  }
0xb6: {  	[sflag:s10] =	ssyncadd.s32 $0xFFFFEC00  }
0xb7: {  	_ =	swait.ge [sflag:s5], $0x1400  }
0xb8: {  	[sflag:s5] =	ssyncset.done $0x0  }
0xb9: {  	[sflag:s5] =	ssyncadd.s32 $0xFFFFEC00  }
0xba: {  	_ =	swait.ge [sflag:s6], $0x28  }
0xbb: {  	[sflag:s6] =	ssyncset.done $0x0  }
0xbc: {  	[sflag:s6] =	ssyncadd.s32 $0xFFFFFFD8  }
0xbd: {  	[spmem:s2] =	stream.indirect.scatter.add.f32 [tilespmem:s16], [sflag:$0x10], $0x80, s29, s22, $0xb8;
	[tilespmem:$0x1A900] =	vst v63  }
0xbe: {  	_ =	swait.ge [sflag:s10], $0x1400  }
0xbf: {  	[sflag:s10] =	ssyncset.done $0x0  }
0xc0: {  	[sflag:s10] =	ssyncadd.s32 $0xFFFFEC00  }
0xc1: {  	_ =	swait.ge [sflag:s8], $0x1400  }
0xc2: {  	[sflag:s8] =	ssyncset.done $0x0  }
0xc3: {  	[sflag:s8] =	ssyncadd.s32 $0xFFFFEC00  }
0xc4: {  	_ =	swait.ge [sflag:s9], $0x28  }
0xc5: {  	[sflag:s9] =	ssyncset.done $0x0  }
0xc6: {  	[sflag:s9] =	ssyncadd.s32 $0xFFFFFFD8  }
0xc7: {  	[spmem:s2] =	stream.indirect.scatter.add.f32 [tilespmem:s18], [sflag:$0x10], $0x80, s21, s22, $0xb8;
	[tilespmem:$0x1A900] =	vst v63  }
0xc8: {  	_ =	swait.ge [sflag:s10], $0x1400  }
0xc9: {  	[sflag:s10] =	ssyncset.done $0x0  }
0xca: {  	[sflag:s10] =	ssyncadd.s32 $0xFFFFEC00  }
0xcb: {  	_ =	swait.ge [sflag:s7], $0x1400  }
0xcc: {  	[sflag:s7] =	ssyncset.done $0x0  }
0xcd: {  	[sflag:s7] =	ssyncadd.s32 $0xFFFFEC00  }
0xce: {  	_ =	swait.ge [sflag:s11], $0x28  }
0xcf: {  	[sflag:s11] =	ssyncset.done $0x0  }
0xd0: {  	[sflag:s11] =	ssyncadd.s32 $0xFFFFFFD8  }
0xd1: {  	[spmem:s2] =	stream.indirect.scatter.add.f32 [tilespmem:s20], [sflag:$0x10], $0x80, s25, s22, $0xb8;
	[tilespmem:$0x1A900] =	vst v63  }
0xd2: {  	_ =	swait.ge [sflag:s10], $0x1400  }
0xd3: {  	[sflag:s10] =	ssyncset.done $0x0  }
0xd4: {  	[sflag:s10] =	ssyncadd.s32 $0xFFFFEC00  }
0xd5: {  	_ =	swait.ge [sflag:s12], $0x1400  }
0xd6: {  	[sflag:s12] =	ssyncset.done $0x0  }
0xd7: {  	[sflag:s12] =	ssyncadd.s32 $0xFFFFEC00  }
0xd8: {  	p0 =	sne.s32 s15, $0x4C9;
	_ =	swait.ge [sflag:s13], $0x28  }
.Ltmp0:
0xd9: {  	[sflag:s13] =	ssyncset.done $0x0;
	(pc) =	sbr.rel @p0 .LBB2_2-.Ltmp0, $4  }
0xda: {  	[sflag:s13] =	ssyncadd.s32 $0xFFFFFFD8  }
0xdb: {  	[spmem:s2] =	stream.indirect.scatter.add.f32 [tilespmem:s26], [sflag:$0x10], $0x80, s17, s22, $0xb8;
	[tilespmem:$0x1A900] =	vst v63  }
0xdc: {  	_ =	swait.ge [sflag:s10], $0x1400  }
0xdd: {  	s15 =	sadd.s32 $0x19, s15;
	s16 =	rddreg [dreg:$0xd];
	[sflag:s10] =	ssyncset.done $0x0  }
0xde: {  	s15 =	rddreg [dreg:$0xc]  }
0xdf: {  	[sflag:s10] =	ssyncadd.s32 $0xFFFFEC00;
	s16 =	sadd.s32 s14, s16;
	s17 =	simm.s32 $0x6400  }
0xe0: {  	[tilespmem:s17], [sflag:$0x1] =	stream.linear.gather [hbm4b:s16+s4], $0x28, $0x38;
	[tilespmem:$0x1A900] =	vst v63  }
0xe1: {  	s24 =	rddreg [dreg:$0xb];
	s18 =	simm.s32 $0x6680;
	s15 =	sadd.s32 s14, s15  }
0xe2: {  	[tilespmem:s18], [sflag:$0xB] =	stream.linear.gather [hbm4b:s15+s4], $0x28, $0x38;
	[tilespmem:$0x1A900] =	vst v63  }
0xe3: {  	s25 =	rddreg [dreg:$0xa];
	s19 =	simm.s32 $0x6480;
	s16 =	sadd.s32 s14, s24  }
0xe4: {  	[tilespmem:s19], [sflag:$0x2] =	stream.linear.gather [hbm4b:s16+s4], $0x28, $0x38;
	[tilespmem:$0x1A900] =	vst v63  }
0xe5: {  	s26 =	rddreg [dreg:$0x9];
	s20 =	simm.s32 $0x6700;
	s15 =	sadd.s32 s14, s25  }
0xe6: {  	[tilespmem:s20], [sflag:$0xC] =	stream.linear.gather [hbm4b:s15+s4], $0x28, $0x38;
	[tilespmem:$0x1A900] =	vst v63  }
0xe7: {  	s21 =	rddreg [dreg:$0x8];
	s24 =	simm.s32 $0x6500;
	s16 =	sadd.s32 s14, s26  }
0xe8: {  	[tilespmem:s24], [sflag:$0x3] =	stream.linear.gather [hbm4b:s16+s4], $0x28, $0x38;
	[tilespmem:$0x1A900] =	vst v63  }
0xe9: {  	s23 =	rddreg [dreg:$0x7];
	s15 =	sadd.s32 s14, s21;
	s21 =	simm.s32 $0x6780  }
0xea: {  	[tilespmem:s21], [sflag:$0xD] =	stream.linear.gather [hbm4b:s15+s4], $0x28, $0x38;
	[tilespmem:$0x1A900] =	vst v63  }
0xeb: {  	s25 =	rddreg [dreg:$0x6];
	s16 =	sadd.s32 s14, s23;
	s23 =	simm.s32 $0x6580  }
0xec: {  	[tilespmem:s23], [sflag:$0x4] =	stream.linear.gather [hbm4b:s16+s4], $0x28, $0x38;
	[tilespmem:$0x1A900] =	vst v63  }
0xed: {  	s26 =	rddreg [dreg:$0x5];
	s15 =	sadd.s32 s14, s25;
	s25 =	simm.s32 $0x6800  }
0xee: {  	[tilespmem:s25], [sflag:$0xE] =	stream.linear.gather [hbm4b:s15+s4], $0x28, $0x38;
	[tilespmem:$0x1A900] =	vst v63  }
0xef: {  	s16 =	sadd.s32 s14, s26;
	s26 =	simm.s32 $0x6600;
	s15 =	rddreg [dreg:$0x4]  }
0xf0: {  	[tilespmem:s26], [sflag:$0x5] =	stream.linear.gather [hbm4b:s16+s4], $0x28, $0x38;
	[tilespmem:$0x1A900] =	vst v63  }
0xf1: {  	s16 =	sadd.s32 s14, s15;
	s15 =	simm.s32 $0x6880  }
0xf2: {  	[tilespmem:s15], [sflag:$0xF] =	stream.linear.gather [hbm4b:s16+s4], $0x28, $0x38;
	[tilespmem:$0x1A900] =	vst v63  }
0xf3: {  	s16 =	simm.s32 $0x1  }
0xf4: {  	_ =	swait.ge [sflag:s16], $0x28  }
0xf5: {  	[sflag:s16] =	ssyncset.done $0x0  }
0xf6: {  	[sflag:s16] =	ssyncadd.s32 $0xFFFFFFD8  }
0xf7: {  	[tilespmem:s4], [sflag:$0x6] =	stream.indirect.gather [hbm4b:s1+s22], $0x80, s17, s22, $0xb8;
	[tilespmem:$0x1A900] =	vst v63  }
0xf8: {  	s17 =	simm.s32 $0x2  }
0xf9: {  	_ =	swait.ge [sflag:s17], $0x28  }
0xfa: {  	[sflag:s17] =	ssyncset.done $0x0  }
0xfb: {  	s14 =	simm.s32 $0x1400;
	[sflag:s17] =	ssyncadd.s32 $0xFFFFFFD8  }
0xfc: {  	[tilespmem:s14], [sflag:$0x7] =	stream.indirect.gather [hbm4b:s1+s22], $0x80, s19, s22, $0xb8;
	[tilespmem:$0x1A900] =	vst v63  }
0xfd: {  	s19 =	simm.s32 $0x3  }
0xfe: {  	_ =	swait.ge [sflag:s19], $0x28  }
0xff: {  	[sflag:s19] =	ssyncset.done $0x0  }
0x100: {  	s17 =	simm.s32 $0x2800;
	[sflag:s19] =	ssyncadd.s32 $0xFFFFFFD8  }
0x101: {  	[tilespmem:s17], [sflag:$0x8] =	stream.indirect.gather [hbm4b:s1+s22], $0x80, s24, s22, $0xb8;
	[tilespmem:$0x1A900] =	vst v63  }
0x102: {  	_ =	swait.ge [sflag:s28], $0x28  }
0x103: {  	[sflag:s28] =	ssyncset.done $0x0  }
0x104: {  	s19 =	simm.s32 $0x3C00;
	[sflag:s28] =	ssyncadd.s32 $0xFFFFFFD8  }
0x105: {  	[tilespmem:s19], [sflag:$0x9] =	stream.indirect.gather [hbm4b:s1+s22], $0x80, s23, s22, $0xb8;
	[tilespmem:$0x1A900] =	vst v63  }
0x106: {  	_ =	swait.ge [sflag:s30], $0x28  }
0x107: {  	[sflag:s30] =	ssyncset.done $0x0  }
0x108: {  	s24 =	simm.s32 $0x5000;
	[sflag:s30] =	ssyncadd.s32 $0xFFFFFFD8  }
0x109: {  	[tilespmem:s24], [sflag:$0xA] =	stream.indirect.gather [hbm4b:s1+s22], $0x80, s26, s22, $0xb8;
	[tilespmem:$0x1A900] =	vst v63  }
0x10a: {  	_ =	swait.ge [sflag:s0], $0x1400  }
0x10b: {  	[sflag:s0] =	ssyncset.done $0x0  }
0x10c: {  	[sflag:s0] =	ssyncadd.s32 $0xFFFFEC00  }
0x10d: {  	_ =	swait.ge [sflag:s3], $0x28  }
0x10e: {  	[sflag:s3] =	ssyncset.done $0x0  }
0x10f: {  	[sflag:s3] =	ssyncadd.s32 $0xFFFFFFD8  }
0x110: {  	[spmem:s2] =	stream.indirect.scatter.add.f32 [tilespmem:s4], [sflag:$0x10], $0x80, s18, s22, $0xb8;
	[tilespmem:$0x1A900] =	vst v63  }
0x111: {  	_ =	swait.ge [sflag:s10], $0x1400  }
0x112: {  	[sflag:s10] =	ssyncset.done $0x0  }
0x113: {  	[sflag:s10] =	ssyncadd.s32 $0xFFFFEC00  }
0x114: {  	_ =	swait.ge [sflag:s5], $0x1400  }
0x115: {  	[sflag:s5] =	ssyncset.done $0x0  }
0x116: {  	[sflag:s5] =	ssyncadd.s32 $0xFFFFEC00  }
0x117: {  	_ =	swait.ge [sflag:s6], $0x28  }
0x118: {  	[sflag:s6] =	ssyncset.done $0x0  }
0x119: {  	[sflag:s6] =	ssyncadd.s32 $0xFFFFFFD8  }
0x11a: {  	[spmem:s2] =	stream.indirect.scatter.add.f32 [tilespmem:s14], [sflag:$0x10], $0x80, s20, s22, $0xb8;
	[tilespmem:$0x1A900] =	vst v63  }
0x11b: {  	_ =	swait.ge [sflag:s10], $0x1400  }
0x11c: {  	[sflag:s10] =	ssyncset.done $0x0  }
0x11d: {  	[sflag:s10] =	ssyncadd.s32 $0xFFFFEC00  }
0x11e: {  	_ =	swait.ge [sflag:s8], $0x1400  }
0x11f: {  	[sflag:s8] =	ssyncset.done $0x0  }
0x120: {  	[sflag:s8] =	ssyncadd.s32 $0xFFFFEC00  }
0x121: {  	_ =	swait.ge [sflag:s9], $0x28  }
0x122: {  	[sflag:s9] =	ssyncset.done $0x0  }
0x123: {  	[sflag:s9] =	ssyncadd.s32 $0xFFFFFFD8  }
0x124: {  	[spmem:s2] =	stream.indirect.scatter.add.f32 [tilespmem:s17], [sflag:$0x10], $0x80, s21, s22, $0xb8;
	[tilespmem:$0x1A900] =	vst v63  }
0x125: {  	_ =	swait.ge [sflag:s10], $0x1400  }
0x126: {  	[sflag:s10] =	ssyncset.done $0x0  }
0x127: {  	[sflag:s10] =	ssyncadd.s32 $0xFFFFEC00  }
0x128: {  	_ =	swait.ge [sflag:s7], $0x1400  }
0x129: {  	[sflag:s7] =	ssyncset.done $0x0  }
0x12a: {  	[sflag:s7] =	ssyncadd.s32 $0xFFFFEC00  }
0x12b: {  	_ =	swait.ge [sflag:s11], $0x28  }
0x12c: {  	[sflag:s11] =	ssyncset.done $0x0  }
0x12d: {  	[sflag:s11] =	ssyncadd.s32 $0xFFFFFFD8  }
0x12e: {  	[spmem:s2] =	stream.indirect.scatter.add.f32 [tilespmem:s19], [sflag:$0x10], $0x80, s25, s22, $0xb8;
	[tilespmem:$0x1A900] =	vst v63  }
0x12f: {  	_ =	swait.ge [sflag:s10], $0x1400  }
0x130: {  	[sflag:s10] =	ssyncset.done $0x0  }
0x131: {  	[sflag:s10] =	ssyncadd.s32 $0xFFFFEC00  }
0x132: {  	_ =	swait.ge [sflag:s12], $0x1400  }
0x133: {  	[sflag:s12] =	ssyncset.done $0x0  }
0x134: {  	[sflag:s12] =	ssyncadd.s32 $0xFFFFEC00  }
0x135: {  	_ =	swait.ge [sflag:s13], $0x28  }
0x136: {  	[sflag:s13] =	ssyncset.done $0x0  }
0x137: {  	[sflag:s13] =	ssyncadd.s32 $0xFFFFFFD8  }
0x138: {  	[spmem:s2] =	stream.indirect.scatter.add.f32 [tilespmem:s24], [sflag:$0x10], $0x80, s15, s22, $0xb8;
	[tilespmem:$0x1A900] =	vst v63  }
0x139: {  	_ =	swait.ge [sflag:s10], $0x1400  }
0x13a: {  	[sflag:s10] =	ssyncset.done $0x0  }
0x13b: {  	[sflag:s10] =	ssyncadd.s32 $0xFFFFEC00  }
0x13c: {  	[bflag:$0x0] =	sbarrier.arrive $0xFFFF  }
0x13d: {  	s15 =	rddreg [dreg:$0x10]  }
0x13e: {  	s23 =	rddreg [dreg:$0x11]  }
0x13f: {  	s24 =	rddreg [dreg:$0x14]  }
0x140: {  	[hbm:s23], [sflag:s15] =	dma.local [spmem:s24], $0x2800  }
0x141: {  	_ =	swait.ge [sflag:s10], $0x2800  }
0x142: {  	s25 =	rddreg [dreg:$0x13]  }
0x143: {  	s26 =	rddreg [dreg:$0x12];
	s16 =	sadd.s32 $0x1, s25  }
0x144: {  	p0 =	sne.s32 s16, s26  }
.Ltmp1:
0x145: {  	_ = 	snop;
	(pc) =	sbr.rel @p0 .LBB2_1-.Ltmp1, $3  }
0x146: {  	_ =	sdelay $0x1  }
0x147: {  	[sflag:s10] =	ssyncset.done $0x0  }
0x148: {  	[sflag:s10] =	ssyncadd.s32 $0xFFFFD800  }
0x149: {  	_ =	sfence.sel $0x180000  }
0x14a: {  	[bflag:$0x0] =	sbarrier.arrive $0xFFFF  }
0x14b: {  	_ =	strace $0x9000004A  }
0x14c: {  	s0 =	stileid.u32;
	[bflag:$0x2] =	sbarrier.arrive $0xFFFF  }
0x14d: {  	p0 =	sne.s32 s0, $0x0;
	s0 =	rddreg [dreg:$0x3]  }
0x14e: {  	s0 =	sadd.s32 @!p0 $0x100000, s0  }
0x14f: {  	[sflag:s0] =	ssyncadd.tile.s32 @!p0 $0x1;
	_ =	shalt  }
.Lfunc_end2:
_tile_overlayer_lowered:
.L_overlay_start_2:
0x150: {  	(tag) =	ssettag $0x2  }
0x151: {  	s0 =	rddreg [dreg:$0x0];
	s2 =	stileid.u32  }
0x152: {  	s1 =	rddreg [dreg:$0x1];
	p0 =	sne.s32 s2, $0x0  }
0x153: {  	s3 =	rddreg [dreg:$0x2];
	[bflag:$0x3] =	sbarrier.arrive $0xFFFF;
	s2 =	simm.s32 @!p0 $0x1C10  }
0x154: {  	[timem:s3], [sflag:s2] =	dma.local @!p0 [hbm:s0], s1  }
0x155: {  	s0 =	simm.s32 @!p0 $0x10  }
0x156: {  	_ =	swait.ge @!p0 [sflag:s0], s1  }
0x157: {  	s1 =	ssub.s32 @!p0 $0x0, s1;
	[sflag:s0] =	ssyncset.done @!p0 $0x0  }
0x158: {  	[sflag:s0] =	ssyncadd.s32 @!p0 s1  }
0x159: {  	[bflag:$0x3] =	sbarrier.arrive $0xFFFF  }
0x15a: {  	_ =	shalt  }

// kernel: kernel.14.cloned.1.call-start
scs
__scs_entry_jumppad:
0x0: {  	(pc) =	sbr.rel $0x88, $3  }
0x1: {  	(tag) =	ssettag $0x0;
	lr =	simm.s32 $0x1  }
0x2: {  	[smem:$0x3F9B] =	sst lr;
	_ =	strace $0xD0000000  }
0x3: {  	_ = 	snop  }
0x4: {  	_ = 	snop  }
0x5: {  	_ = 	snop  }
0x6: {  	_ = 	snop  }
0x7: {  	_ = 	snop  }
__scs_overlays_trampoline_lowered:
0x8: {  	[smem:$0x3FAA] =	sst s0  }
0x9: {  	[smem:$0x3FAB] =	sst s1  }
0xa: {  	[smem:$0x3FAC] =	sst s2  }
0xb: {  	[smem:$0x3FAD] =	sst s3  }
0xc: {  	[smem:$0x3FAE] =	sst s4  }
0xd: {  	[smem:$0x3FAF] =	sst s5  }
0xe: {  	[smem:$0x3FB0] =	sst s6  }
0xf: {  	[smem:$0x3FB1] =	sst s7  }
0x10: {  	[smem:$0x3FB2] =	sst s8  }
0x11: {  	[smem:$0x3FB3] =	sst s9;
	s0 =	simm.s32 @!p0 $0x0  }
0x12: {  	s1 =	sld [smem:$0x3F99];
	s0 =	simm.s32 @p0 $0x1  }
0x13: {  	[smem:$0x3FB4] =	sst s0;
	s0 =	simm.s32 @!p1 $0x0  }
0x14: {  	s2 =	sld [smem:$0x3F98];
	s0 =	simm.s32 @p1 $0x1  }
0x15: {  	[smem:$0x3FB5] =	sst s0;
	s0 =	simm.s32 @!p2 $0x0  }
0x16: {  	s3 =	sld [smem:$0x3FDB];
	s0 =	simm.s32 @p2 $0x1  }
0x17: {  	s4 =	simm.s32 $0x1BF5;
	[smem:$0x3FB7] =	sst s0  }
0x18: {  	s0 =	sld [smem:$0x3F9A];
	_ =	swait.ge [sflag:s4], $0x0  }
0x19: {  	s7 =	sld [smem:$0x3F9B]  }
0x1a: {  	s8 =	sadd.s32 $0xFFFFE003, lr  }
0x1b: {  	s9 =	sadd.s32 $0xFFFFFEF7, lr;
	s5 =	simm.s32 $0xFFFFFFFF;
	p2 =	slt.u32 s8, $0xFFFFF086  }
0x1c: {  	p1 =	slt.u32 s9, $0xF7A;
	s5 =	simm.s32 @!p2 $0x0  }
0x1d: {  	s5 =	simm.s32 @p1 $0x1;
	p0 =	seq.s32 s7, s2  }
0x1e: {  	s7 =	smul.u32 @!p0 $0xF7A, s2;
	p2 =	seq.s32 @!p0 s5, $0x0  }
0x1f: {  	s9 =	smul.u32 $0xF7A, s1;
	s8 =	simm.s32 @!p0 $0x1BF5;
	p2 =	por !p2, p0  }
0x20: {  	[sflag:s8] =	ssyncset.s32 @!p0 $0xFFFFF086;
	s6 =	sadd.s32 @!p0 s3, s7;
	s7 =	simm.s32 @!p0 $0x108  }
0x21: {  	s3 =	sadd.s32 s3, s9;
	s6 =	sadd.s32 @!p0 $0x88, s6;
	s7 =	simm.s32 @p2 $0x1082  }
0x22: {  	[simem:s7], [sflag:s8] =	dma.local @!p0 [hbm:s6], $0xF7A  }
0x23: {  	s9 =	sor.u32 $0xD0000000, s2;
	s6 =	simm.s32 $0x108;
	_ =	swait.ge @!p0 [sflag:s8], $0x0  }
0x24: {  	s3 =	sadd.s32 $0x88, s3;
	s6 =	simm.s32 @!p1 $0x1082;
	[sflag:s4] =	ssyncset.s32 $0xFFFFF086  }
0x25: {  	[simem:s6], [sflag:s4] =	dma.local [hbm:s3], $0xF7A  }
0x26: {  	[smem:$0x3F9B] =	sst s1;
	(tag) =	ssettag s2;
	_ =	strace s9  }
0x27: {  	s1 =	sld [smem:$0x3FAB]  }
0x28: {  	s2 =	sld [smem:$0x3FAC]  }
0x29: {  	s4 =	sld [smem:$0x3FAE]  }
0x2a: {  	p0 =	seq.s32 s5, $0x0;
	s5 =	sld [smem:$0x3FAF]  }
0x2b: {  	s6 =	sld [smem:$0x3FB0]  }
0x2c: {  	s7 =	sld [smem:$0x3FB1]  }
0x2d: {  	s3 =	simm.s32 $0x108;
	s8 =	sld [smem:$0x3FB2]  }
0x2e: {  	s3 =	simm.s32 @!p0 $0x1082;
	s9 =	sld [smem:$0x3FB3]  }
0x2f: {  	lr =	sadd.s32 s0, s3;
	s0 =	sld [smem:$0x3FAA]  }
0x30: {  	s3 =	sld [smem:$0x3FAD]  }
0x31: {  	[smem:$0x3FB6] =	sst s10  }
0x32: {  	s10 =	sld [smem:$0x3FB4];
	_ =	sdelay $0x3  }
0x33: {  	p0 =	seq.s32 s10, $0x1;
	s10 =	sld [smem:$0x3FB6];
	_ =	sdelay $0x3  }
0x34: {  	[smem:$0x3FB6] =	sst s10  }
0x35: {  	s10 =	sld [smem:$0x3FB5];
	_ =	sdelay $0x3  }
0x36: {  	p1 =	seq.s32 s10, $0x1;
	s10 =	sld [smem:$0x3FB6];
	_ =	sdelay $0x3  }
0x37: {  	[smem:$0x3FB6] =	sst s10  }
0x38: {  	s10 =	sld [smem:$0x3FB7]  }
0x39: {  	_ = 	snop;
	(pc) =	sbr.ind lr, $3  }
0x3a: {  	_ = 	snop  }
0x3b: {  	_ = 	snop  }
0x3c: {  	p2 =	seq.s32 s10, $0x1;
	s10 =	sld [smem:$0x3FB6]  }
0x3d: {  	_ =	shalt  }
0x3e: {  	_ =	shalt  }
0x3f: {  	_ =	shalt  }
0x40: {  	_ =	shalt  }
0x41: {  	_ =	shalt  }
0x42: {  	_ =	shalt  }
0x43: {  	_ =	shalt  }
0x44: {  	_ =	shalt  }
0x45: {  	_ =	shalt  }
0x46: {  	_ =	shalt  }
0x47: {  	_ =	shalt  }
0x48: {  	_ =	shalt  }
0x49: {  	_ =	shalt  }
0x4a: {  	_ =	shalt  }
0x4b: {  	_ =	shalt  }
0x4c: {  	_ =	shalt  }
0x4d: {  	_ =	shalt  }
0x4e: {  	_ =	shalt  }
0x4f: {  	_ =	shalt  }
0x50: {  	_ =	shalt  }
0x51: {  	_ =	shalt  }
0x52: {  	_ =	shalt  }
0x53: {  	_ =	shalt  }
0x54: {  	_ =	shalt  }
0x55: {  	_ =	shalt  }
0x56: {  	_ =	shalt  }
0x57: {  	_ =	shalt  }
0x58: {  	_ =	shalt  }
0x59: {  	_ =	shalt  }
0x5a: {  	_ =	shalt  }
0x5b: {  	_ =	shalt  }
0x5c: {  	_ =	shalt  }
0x5d: {  	_ =	shalt  }
0x5e: {  	_ =	shalt  }
0x5f: {  	_ =	shalt  }
0x60: {  	_ =	shalt  }
0x61: {  	_ =	shalt  }
0x62: {  	_ =	shalt  }
0x63: {  	_ =	shalt  }
0x64: {  	_ =	shalt  }
0x65: {  	_ =	shalt  }
0x66: {  	_ =	shalt  }
0x67: {  	_ =	shalt  }
0x68: {  	_ =	shalt  }
0x69: {  	_ =	shalt  }
0x6a: {  	_ =	shalt  }
0x6b: {  	_ =	shalt  }
0x6c: {  	_ =	shalt  }
0x6d: {  	_ =	shalt  }
0x6e: {  	_ =	shalt  }
0x6f: {  	_ =	shalt  }
0x70: {  	_ =	shalt  }
0x71: {  	_ =	shalt  }
0x72: {  	_ =	shalt  }
0x73: {  	_ =	shalt  }
0x74: {  	_ =	shalt  }
0x75: {  	_ =	shalt  }
0x76: {  	_ =	shalt  }
0x77: {  	_ =	shalt  }
0x78: {  	_ =	shalt  }
0x79: {  	_ =	shalt  }
0x7a: {  	_ =	shalt  }
0x7b: {  	_ =	shalt  }
0x7c: {  	_ =	shalt  }
0x7d: {  	_ =	shalt  }
0x7e: {  	_ =	shalt  }
0x7f: {  	_ =	shalt  }
0x80: {  	_ =	shalt  }
0x81: {  	_ =	shalt  }
0x82: {  	_ =	shalt  }
0x83: {  	_ =	shalt  }
0x84: {  	_ =	shalt  }
0x85: {  	_ =	shalt  }
0x86: {  	_ =	shalt  }
0x87: {  	_ =	shalt  }
.Lfunc_end0:
.L_simem_size_0:
called_computation.2_lowered:
.L_overlay_start_0:
0x88: {  	s2 =	sld [smem:$0x3FD9]  }
0x89: {  	s3 =	sld [smem:$0x3FFE];
	_ =	sdelay $0x1  }
0x8a: {  	s1 =	srdreg.scid  }
0x8b: {  	s0 =	sand.u32 $0x1, s1  }
0x8c: {  	s17 =	sshll.u32 s0, $0xA;
	s2 =	sadd.s32 s3, s2  }
0x8d: {  	s2 =	sadd.s32 s2, s17  }
0x8e: {  	[smem:$0x3FC2] =	sst s2  }
0x8f: {  	_ = 	snop  }
0x90: {  	s2 =	sld [smem:$0x3FD0];
	(tm) =	ssettm $0x1  }
0x91: {  	s18 =	sld [smem:$0x3FFB];
	_ =	sdelay $0x3  }
0x92: {  	_ =	strace s18  }
0x93: {  	s3 =	sld [smem:$0x3FFC];
	_ =	sdelay $0x3  }
0x94: {  	_ =	strace s3  }
0x95: {  	s3 =	sld [smem:$0x3FFD];
	_ =	sdelay $0x3  }
0x96: {  	_ =	strace s3  }
0x97: {  	_ =	strace $0x8FFFFFFF  }
0x98: {  	s19 =	sld [smem:$0x3FDB];
	_ =	sdelay $0x1  }
0x99: {  	s4 =	simm.s32 $_scs_section_size  }
0x9a: {  	s5 =	simm.s32 $_size__tile_overlayer_lowered;
	s6 =	simm.s32 $_tile_overlayer_lowered  }
0x9b: {  	s22 =	simm.s32 $0x1BFF;
	s21 =	sshll.u32 s6, $0x1;
	s3 =	sadd.s32 s4, s19  }
0x9c: {  	s7 =	simm.s32 $0x0;
	s20 =	sshll.u32 s5, $0x1;
	s5 =	sadd.s32 s21, s3  }
0x9d: {  	[timem:s7], [sflag:s22] =	dma.local [hbm:s5], s20  }
0x9e: {  	_ =	swait.ge [sflag:s22], s20  }
0x9f: {  	s4 =	ssub.s32 $0x0, s20;
	[sflag:s22] =	ssyncset.done $0x0  }
0xa0: {  	[sflag:s22] =	ssyncadd.s32 s4;
	_ =	sdelay $0x1  }
0xa1: {  	s23 =	simm.s32 $0x1B8B  }
0xa2: {  	_ =	swait.ge [sflag:s23], $0x1  }
0xa3: {  	[sflag:s23] =	ssyncset.done $0x0  }
0xa4: {  	s25 =	simm.s32 $0x1B8E;
	s24 =	sld [smem:$0x3FFE];
	[sflag:s23] =	ssyncadd.s32 $0xFFFFFFFF  }
0xa5: {  	s26 =	simm.s32 $execute0_lowered;
	[smem:$0x3FD2] =	sst s25  }
0xa6: {  	s5 =	sshll.u32 s26, $0x1;
	_ =	strace $0x8000004C;
	[dreg:$0x1] =	wrdreg $0xFFFFFFFF  }
0xa7: {  	s28 =	simm.s32 $_size_execute0_lowered;
	s3 =	sadd.s32 s3, s5;
	[dreg:$0x0] =	wrdreg $0x0  }
0xa8: {  	s5 =	sshll.u32 s28, $0x1;
	[dreg:$0x2] =	wrdreg s3  }
0xa9: {  	[dreg:$0x3] =	wrdreg s5  }
0xaa: {  	[dreg:$0x4] =	wrdreg $0xC0  }
0xab: {  	_ =	task [dreg:s7], $0x5FFFF  }
0xac: {  	[dreg:$0x1] =	wrdreg $0xFFFFFFFF  }
0xad: {  	[dreg:$0x0] =	wrdreg $0x60  }
0xae: {  	[dreg:$0x2] =	wrdreg s2  }
0xaf: {  	[dreg:$0x3] =	wrdreg s24  }
0xb0: {  	[dreg:$0x4] =	wrdreg $0x69000  }
0xb1: {  	[dreg:$0x5] =	wrdreg $0x9  }
0xb2: {  	_ =	task.clear_ibuf [dreg:s7], $0x6FFFF;
	_ =	strace $0x9000004C  }
0xb3: {  	s29 =	simm.s32 $0x9;
	_ =	strace $0x8000004E  }
0xb4: {  	_ =	swait.ge [sflag:s29], $0x1  }
0xb5: {  	[sflag:s29] =	ssyncadd.s32 $0xFFFFFFFF  }
0xb6: {  	_ =	strace $0x9000004E  }
0xb7: {  	_ =	sfence  }
0xb8: {  	s30 =	sld [smem:$0x0];
	_ =	sdelay $0x2  }
0xb9: {  	s31 =	sshll.u32 s1, $0xD;
	s1 =	sshrl.u32 s1, $0x2  }
0xba: {  	s3 =	sand.u32 $0x4000, s31;
	s1 =	sadd.s32 s1, s30  }
0xbb: {  	s0 =	sor.u32 s3, s0;
	s1 =	sshll.u32 s1, $0x11  }
0xbc: {  	s0 =	sor.u32 s1, s0  }
0xbd: {  	s0 =	sadd.s32 $0x8F2B, s0  }
0xbe: {  	[sflag:s0] =	ssyncadd.remote.s32 $0x1  }
0xbf: {  	_ =	sfence.sel $0xFFFF  }
0xc0: {  	[dreg:$0x0] =	wrdreg $0xFFFFFFFF;
	(pc) =	sbr.abs _section_cstart, $3  }
0xc1: {  	[dreg:$0x1] =	wrdreg $0xFFFFFFFF  }
0xc2: {  	_ =	task.clear_ibuf [dreg:s7], $0x2FFFF;
	_ =	strace $0x9FFFFFFF  }
0xc3: {  	(tm) =	ssettm $0x7FFFFFFF  }
tec
execute0_lowered:
.L_overlay_start_1:
0x0: {  	(tag) =	ssettag $0x1  }
0x1: {  	s1 =	rddreg [dreg:$0x0]  }
0x2: {  	s0 =	rddreg [dreg:$0x1]  }
0x3: {  	s2 =	rddreg [dreg:$0x2]  }
0x4: {  	s3 =	srdreg.scid;
	s4 =	simm.s32 $0x0;
	s11 =	stileid.u32  }
0x5: {  	s28 =	simm.s32 $0x4;
	s30 =	simm.s32 $0x5;
	s29 =	simm.s32 $0x6700  }
0x6: {  	s31 =	simm.s32 $0x6500;
	s3 =	sand.u32 $0x1, s3;
	s6 =	smul.u32 $0x14000, s11  }
0x7: {  	[smem:$0x7FF] =	sst s4;
	s7 =	sadd.s32 $0x3400, s0;
	s8 =	smul.u32 $0x4E20, s11  }
0x8: {  	s9 =	sadd.s32 $0xD200, s0;
	s10 =	sadd.s32 $0x67000, s0;
	s22 =	smul.u32 $0x50000, s11  }
0x9: {  	s12 =	sshll.u32 s11, $0x6;
	s11 =	simm.s32 $0xE;
	s5 =	smul.u32 $0x140000, s3  }
0xa: {  	_ =	strace $0x8000004D;
	s21 =	smul.u32 $0x2710, s3;
	s3 =	ssub.s32 $0x2, s3  }
0xb: {  	[dreg:$0xe] =	wrdreg s10;
	s23 =	sshrl.u32 s3, $0x1;
	s24 =	sshrl.u32 s22, $0x2  }
0xc: {  	s5 =	sadd.s32 s6, s5;
	s3 =	ssub.s32 s3, s23;
	s26 =	sadd.s32 s24, s2  }
0xd: {  	s5 =	sshrl.u32 s5, $0x3;
	[dreg:$0xf] =	wrdreg s26;
	s3 =	smax.u32 s3, $0x1  }
0xe: {  	s0 =	sadd.s32 s5, s0;
	s5 =	sadd.s32 s21, s8;
	[dreg:$0x12] =	wrdreg s3  }
0xf: {  	s3 =	simm.s32 $0xB;
	s25 =	sadd.s32 $0xA0, s5;
	s13 =	sadd.s32 $0x78, s5  }
0x10: {  	s16 =	sadd.s32 $0x50, s5;
	s20 =	sadd.s32 $0x28, s5;
	s5 =	sshrl.u32 s5, $0x3  }
0x11: {  	s0 =	sadd.s32 $0x69800, s0;
	s8 =	sshrl.u32 s25, $0x3;
	s14 =	sshrl.u32 s13, $0x3  }
0x12: {  	s18 =	sshrl.u32 s16, $0x3;
	[dreg:$0x11] =	wrdreg s0;
	s25 =	sadd.s32 s5, s9  }
0x13: {  	s22 =	sshrl.u32 s20, $0x3;
	s26 =	sadd.s32 s5, s7;
	[dreg:$0xc] =	wrdreg s25  }
0x14: {  	s0 =	simm.s32 $0x6;
	s10 =	sadd.s32 s8, s9;
	[dreg:$0xd] =	wrdreg s26  }
0x15: {  	s5 =	simm.s32 $0x7;
	s6 =	sadd.s32 s8, s7;
	[dreg:$0x4] =	wrdreg s10  }
0x16: {  	s13 =	simm.s32 $0xF;
	s15 =	sadd.s32 s14, s9;
	[dreg:$0x5] =	wrdreg s6  }
0x17: {  	s16 =	simm.s32 $0x0;
	s17 =	sadd.s32 s14, s7;
	[dreg:$0x6] =	wrdreg s15  }
0x18: {  	s19 =	sadd.s32 s18, s9;
	s21 =	sadd.s32 s18, s7;
	[dreg:$0x7] =	wrdreg s17  }
0x19: {  	s23 =	sadd.s32 s22, s9;
	s24 =	sadd.s32 s22, s7;
	[dreg:$0x8] =	wrdreg s19  }
0x1a: {  	s22 =	simm.s32 $0x28;
	s8 =	simm.s32 $0x8;
	[dreg:$0x9] =	wrdreg s21  }
0x1b: {  	s9 =	simm.s32 $0xD;
	s7 =	simm.s32 $0x9;
	[dreg:$0xa] =	wrdreg s23  }
0x1c: {  	s15 =	sor.u32 $0x1C10, s12;
	[dreg:$0xb] =	wrdreg s24;
	s10 =	simm.s32 $0x10  }
0x1d: {  	s6 =	simm.s32 $0xC;
	s12 =	simm.s32 $0xA;
	[dreg:$0x10] =	wrdreg s15  }
.LBB2_1:
0x1e: {  	[dreg:$0x13] =	wrdreg s16  }
0x1f: {  	s14 =	rddreg [dreg:$0xf]  }
0x20: {  	s18 =	rddreg [dreg:$0xe];
	s17 =	sshrl.u32 s14, $0x3  }
0x21: {  	[dreg:$0x14] =	wrdreg s17  }
0x22: {  	[spmem:s17], [sflag:s15] =	dma.local [hbm:s18], $0x2800  }
0x23: {  	_ =	swait.ge [sflag:s10], $0x2800  }
0x24: {  	[sflag:s10] =	ssyncset.done $0x0  }
0x25: {  	[sflag:s10] =	ssyncadd.s32 $0xFFFFD800  }
0x26: {  	[bflag:$0x0] =	sbarrier.arrive $0xFFFF  }
0x27: {  	s19 =	rddreg [dreg:$0xd]  }
0x28: {  	s17 =	simm.s32 $0x6400;
	s20 =	rddreg [dreg:$0xc];
	s14 =	sadd.s32 $0x0, s19  }
0x29: {  	[tilespmem:s17], [sflag:$0x1] =	stream.linear.gather [hbm4b:s14+s4], $0x28, $0x38;
	[tilespmem:$0x1A900] =	vst v63  }
0x2a: {  	s18 =	simm.s32 $0x6680;
	s21 =	rddreg [dreg:$0xb];
	s23 =	sadd.s32 $0x0, s20  }
0x2b: {  	[tilespmem:s18], [sflag:$0xB] =	stream.linear.gather [hbm4b:s23+s4], $0x28, $0x38;
	[tilespmem:$0x1A900] =	vst v63  }
0x2c: {  	s24 =	rddreg [dreg:$0xa];
	s25 =	sadd.s32 $0x0, s21;
	s19 =	simm.s32 $0x6480  }
0x2d: {  	[tilespmem:s19], [sflag:$0x2] =	stream.linear.gather [hbm4b:s25+s4], $0x28, $0x38;
	[tilespmem:$0x1A900] =	vst v63  }
0x2e: {  	s26 =	rddreg [dreg:$0x9];
	s21 =	sadd.s32 $0x0, s24;
	s20 =	simm.s32 $0x6700  }
0x2f: {  	[tilespmem:s20], [sflag:$0xC] =	stream.linear.gather [hbm4b:s21+s4], $0x28, $0x38;
	[tilespmem:$0x1A900] =	vst v63  }
0x30: {  	s24 =	simm.s32 $0x6500;
	s23 =	rddreg [dreg:$0x8];
	s25 =	sadd.s32 $0x0, s26  }
0x31: {  	[tilespmem:s24], [sflag:$0x3] =	stream.linear.gather [hbm4b:s25+s4], $0x28, $0x38;
	[tilespmem:$0x1A900] =	vst v63  }
0x32: {  	s23 =	sadd.s32 $0x0, s23;
	s26 =	rddreg [dreg:$0x7];
	s21 =	simm.s32 $0x6780  }
0x33: {  	[tilespmem:s21], [sflag:$0xD] =	stream.linear.gather [hbm4b:s23+s4], $0x28, $0x38;
	[tilespmem:$0x1A900] =	vst v63  }
0x34: {  	s25 =	rddreg [dreg:$0x6];
	s23 =	sadd.s32 $0x0, s26;
	s26 =	simm.s32 $0x6580  }
0x35: {  	[tilespmem:s26], [sflag:$0x4] =	stream.linear.gather [hbm4b:s23+s4], $0x28, $0x38;
	[tilespmem:$0x1A900] =	vst v63  }
0x36: {  	s16 =	rddreg [dreg:$0x5];
	s25 =	sadd.s32 $0x0, s25;
	s23 =	simm.s32 $0x6800  }
0x37: {  	[tilespmem:s23], [sflag:$0xE] =	stream.linear.gather [hbm4b:s25+s4], $0x28, $0x38;
	[tilespmem:$0x1A900] =	vst v63  }
0x38: {  	s15 =	rddreg [dreg:$0x4];
	s25 =	sadd.s32 $0x0, s16;
	s16 =	simm.s32 $0x6600  }
0x39: {  	[tilespmem:s16], [sflag:$0x5] =	stream.linear.gather [hbm4b:s25+s4], $0x28, $0x38;
	[tilespmem:$0x1A900] =	vst v63  }
0x3a: {  	s25 =	sadd.s32 $0x0, s15;
	s15 =	simm.s32 $0x6880  }
0x3b: {  	[tilespmem:s15], [sflag:$0xF] =	stream.linear.gather [hbm4b:s25+s4], $0x28, $0x38;
	[tilespmem:$0x1A900] =	vst v63  }
0x3c: {  	s25 =	simm.s32 $0x1  }
0x3d: {  	_ =	swait.ge [sflag:s25], $0x28  }
0x3e: {  	[sflag:s25] =	ssyncset.done $0x0  }
0x3f: {  	[sflag:s25] =	ssyncadd.s32 $0xFFFFFFD8  }
0x40: {  	[tilespmem:s4], [sflag:$0x6] =	stream.indirect.gather [hbm4b:s1+s22], $0x80, s17, s22, $0xb8;
	[tilespmem:$0x1A900] =	vst v63  }
0x41: {  	s17 =	simm.s32 $0x2  }
0x42: {  	_ =	swait.ge [sflag:s17], $0x28  }
0x43: {  	[sflag:s17] =	ssyncset.done $0x0  }
0x44: {  	s14 =	simm.s32 $0x1400;
	s25 =	simm.s32 $0x3;
	[sflag:s17] =	ssyncadd.s32 $0xFFFFFFD8  }
0x45: {  	[tilespmem:s14], [sflag:$0x7] =	stream.indirect.gather [hbm4b:s1+s22], $0x80, s19, s22, $0xb8;
	[tilespmem:$0x1A900] =	vst v63  }
0x46: {  	_ =	swait.ge [sflag:s25], $0x28  }
0x47: {  	[sflag:s25] =	ssyncset.done $0x0  }
0x48: {  	s19 =	simm.s32 $0x2800;
	[sflag:s25] =	ssyncadd.s32 $0xFFFFFFD8  }
0x49: {  	[tilespmem:s19], [sflag:$0x8] =	stream.indirect.gather [hbm4b:s1+s22], $0x80, s24, s22, $0xb8;
	[tilespmem:$0x1A900] =	vst v63  }
0x4a: {  	_ =	swait.ge [sflag:s28], $0x28  }
0x4b: {  	[sflag:s28] =	ssyncset.done $0x0  }
0x4c: {  	s25 =	simm.s32 $0x3C00;
	[sflag:s28] =	ssyncadd.s32 $0xFFFFFFD8  }
0x4d: {  	[tilespmem:s25], [sflag:$0x9] =	stream.indirect.gather [hbm4b:s1+s22], $0x80, s26, s22, $0xb8;
	[tilespmem:$0x1A900] =	vst v63  }
0x4e: {  	_ =	swait.ge [sflag:s30], $0x28  }
0x4f: {  	[sflag:s30] =	ssyncset.done $0x0  }
0x50: {  	s26 =	simm.s32 $0x5000;
	[sflag:s30] =	ssyncadd.s32 $0xFFFFFFD8  }
0x51: {  	[tilespmem:s26], [sflag:$0xA] =	stream.indirect.gather [hbm4b:s1+s22], $0x80, s16, s22, $0xb8;
	[tilespmem:$0x1A900] =	vst v63  }
0x52: {  	_ =	swait.ge [sflag:s0], $0x1400  }
0x53: {  	[sflag:s0] =	ssyncset.done $0x0  }
0x54: {  	[sflag:s0] =	ssyncadd.s32 $0xFFFFEC00  }
0x55: {  	_ =	swait.ge [sflag:s3], $0x28  }
0x56: {  	[sflag:s3] =	ssyncset.done $0x0  }
0x57: {  	[sflag:s3] =	ssyncadd.s32 $0xFFFFFFD8  }
0x58: {  	[spmem:s2] =	stream.indirect.scatter.add.f32 [tilespmem:s4], [sflag:$0x10], $0x80, s18, s22, $0xb8;
	[tilespmem:$0x1A900] =	vst v63  }
0x59: {  	_ =	swait.ge [sflag:s10], $0x1400  }
0x5a: {  	[sflag:s10] =	ssyncset.done $0x0  }
0x5b: {  	[sflag:s10] =	ssyncadd.s32 $0xFFFFEC00  }
0x5c: {  	_ =	swait.ge [sflag:s5], $0x1400  }
0x5d: {  	[sflag:s5] =	ssyncset.done $0x0  }
0x5e: {  	[sflag:s5] =	ssyncadd.s32 $0xFFFFEC00  }
0x5f: {  	_ =	swait.ge [sflag:s6], $0x28  }
0x60: {  	[sflag:s6] =	ssyncset.done $0x0  }
0x61: {  	[sflag:s6] =	ssyncadd.s32 $0xFFFFFFD8  }
0x62: {  	[spmem:s2] =	stream.indirect.scatter.add.f32 [tilespmem:s14], [sflag:$0x10], $0x80, s20, s22, $0xb8;
	[tilespmem:$0x1A900] =	vst v63  }
0x63: {  	_ =	swait.ge [sflag:s10], $0x1400  }
0x64: {  	[sflag:s10] =	ssyncset.done $0x0  }
0x65: {  	[sflag:s10] =	ssyncadd.s32 $0xFFFFEC00  }
0x66: {  	_ =	swait.ge [sflag:s8], $0x1400  }
0x67: {  	[sflag:s8] =	ssyncset.done $0x0  }
0x68: {  	[sflag:s8] =	ssyncadd.s32 $0xFFFFEC00  }
0x69: {  	_ =	swait.ge [sflag:s9], $0x28  }
0x6a: {  	[sflag:s9] =	ssyncset.done $0x0  }
0x6b: {  	[sflag:s9] =	ssyncadd.s32 $0xFFFFFFD8  }
0x6c: {  	[spmem:s2] =	stream.indirect.scatter.add.f32 [tilespmem:s19], [sflag:$0x10], $0x80, s21, s22, $0xb8;
	[tilespmem:$0x1A900] =	vst v63  }
0x6d: {  	_ =	swait.ge [sflag:s10], $0x1400  }
0x6e: {  	[sflag:s10] =	ssyncset.done $0x0  }
0x6f: {  	[sflag:s10] =	ssyncadd.s32 $0xFFFFEC00  }
0x70: {  	_ =	swait.ge [sflag:s7], $0x1400  }
0x71: {  	[sflag:s7] =	ssyncset.done $0x0  }
0x72: {  	[sflag:s7] =	ssyncadd.s32 $0xFFFFEC00  }
0x73: {  	_ =	swait.ge [sflag:s11], $0x28  }
0x74: {  	[sflag:s11] =	ssyncset.done $0x0  }
0x75: {  	[sflag:s11] =	ssyncadd.s32 $0xFFFFFFD8  }
0x76: {  	[spmem:s2] =	stream.indirect.scatter.add.f32 [tilespmem:s25], [sflag:$0x10], $0x80, s23, s22, $0xb8;
	[tilespmem:$0x1A900] =	vst v63  }
0x77: {  	_ =	swait.ge [sflag:s10], $0x1400  }
0x78: {  	[sflag:s10] =	ssyncset.done $0x0  }
0x79: {  	[sflag:s10] =	ssyncadd.s32 $0xFFFFEC00  }
0x7a: {  	_ =	swait.ge [sflag:s12], $0x1400  }
0x7b: {  	[sflag:s12] =	ssyncset.done $0x0  }
0x7c: {  	[sflag:s12] =	ssyncadd.s32 $0xFFFFEC00  }
0x7d: {  	_ =	swait.ge [sflag:s13], $0x28  }
0x7e: {  	[sflag:s13] =	ssyncset.done $0x0  }
0x7f: {  	[sflag:s13] =	ssyncadd.s32 $0xFFFFFFD8  }
0x80: {  	[spmem:s2] =	stream.indirect.scatter.add.f32 [tilespmem:s26], [sflag:$0x10], $0x80, s15, s22, $0xb8;
	[tilespmem:$0x1A900] =	vst v63  }
0x81: {  	s14 =	simm.s32 $0x19;
	_ =	swait.ge [sflag:s10], $0x1400  }
0x82: {  	s15 =	simm.s32 $0x32;
	s16 =	rddreg [dreg:$0xd];
	[sflag:s10] =	ssyncset.done $0x0  }
.LBB2_2:
0x83: {  	[sflag:s10] =	ssyncadd.s32 $0xFFFFEC00  }
0x84: {  	s18 =	rddreg [dreg:$0xc];
	s16 =	sadd.s32 s14, s16;
	s20 =	simm.s32 $0x6400  }
0x85: {  	[tilespmem:s20], [sflag:$0x1] =	stream.linear.gather [hbm4b:s16+s4], $0x28, $0x38;
	[tilespmem:$0x1A900] =	vst v63  }
0x86: {  	s19 =	rddreg [dreg:$0xb];
	s24 =	simm.s32 $0x6680;
	s18 =	sadd.s32 s14, s18  }
0x87: {  	[tilespmem:s24], [sflag:$0xB] =	stream.linear.gather [hbm4b:s18+s4], $0x28, $0x38;
	[tilespmem:$0x1A900] =	vst v63  }
0x88: {  	s21 =	rddreg [dreg:$0xa];
	s26 =	simm.s32 $0x6480;
	s23 =	sadd.s32 s14, s19  }
0x89: {  	[tilespmem:s26], [sflag:$0x2] =	stream.linear.gather [hbm4b:s23+s4], $0x28, $0x38;
	[tilespmem:$0x1A900] =	vst v63  }
0x8a: {  	s25 =	rddreg [dreg:$0x9];
	s18 =	sadd.s32 s14, s21  }
0x8b: {  	[tilespmem:s29], [sflag:$0xC] =	stream.linear.gather [hbm4b:s18+s4], $0x28, $0x38;
	[tilespmem:$0x1A900] =	vst v63  }
0x8c: {  	s17 =	smov.u32 s15;
	s21 =	rddreg [dreg:$0x8];
	s23 =	sadd.s32 s14, s25  }
0x8d: {  	[tilespmem:s31], [sflag:$0x3] =	stream.linear.gather [hbm4b:s23+s4], $0x28, $0x38;
	[tilespmem:$0x1A900] =	vst v63  }
0x8e: {  	s25 =	rddreg [dreg:$0x7];
	s23 =	sadd.s32 s14, s21;
	s21 =	simm.s32 $0x6780  }
0x8f: {  	[tilespmem:s21], [sflag:$0xD] =	stream.linear.gather [hbm4b:s23+s4], $0x28, $0x38;
	[tilespmem:$0x1A900] =	vst v63  }
0x90: {  	s25 =	sadd.s32 s14, s25;
	s18 =	rddreg [dreg:$0x6];
	s23 =	simm.s32 $0x6580  }
0x91: {  	[tilespmem:s23], [sflag:$0x4] =	stream.linear.gather [hbm4b:s25+s4], $0x28, $0x38;
	[tilespmem:$0x1A900] =	vst v63  }
0x92: {  	s19 =	rddreg [dreg:$0x5];
	s16 =	sadd.s32 s14, s18;
	s25 =	simm.s32 $0x6800  }
0x93: {  	[tilespmem:s25], [sflag:$0xE] =	stream.linear.gather [hbm4b:s16+s4], $0x28, $0x38;
	[tilespmem:$0x1A900] =	vst v63  }
0x94: {  	s18 =	rddreg [dreg:$0x4];
	s16 =	sadd.s32 s14, s19;
	s19 =	simm.s32 $0x6600  }
0x95: {  	[tilespmem:s19], [sflag:$0x5] =	stream.linear.gather [hbm4b:s16+s4], $0x28, $0x38;
	[tilespmem:$0x1A900] =	vst v63  }
0x96: {  	s18 =	sadd.s32 s14, s18;
	s14 =	smov.u32 s17;
	s17 =	simm.s32 $0x6880  }
0x97: {  	[tilespmem:s17], [sflag:$0xF] =	stream.linear.gather [hbm4b:s18+s4], $0x28, $0x38;
	[tilespmem:$0x1A900] =	vst v63  }
0x98: {  	s18 =	simm.s32 $0x1  }
0x99: {  	_ =	swait.ge [sflag:s18], $0x28  }
0x9a: {  	[sflag:s18] =	ssyncset.done $0x0  }
0x9b: {  	[sflag:s18] =	ssyncadd.s32 $0xFFFFFFD8;
	s18 =	simm.s32 $0x2  }
0x9c: {  	[tilespmem:s4], [sflag:$0x6] =	stream.indirect.gather [hbm4b:s1+s22], $0x80, s20, s22, $0xb8;
	[tilespmem:$0x1A900] =	vst v63  }
0x9d: {  	_ =	swait.ge [sflag:s18], $0x28  }
0x9e: {  	[sflag:s18] =	ssyncset.done $0x0  }
0x9f: {  	s16 =	simm.s32 $0x1400;
	s20 =	simm.s32 $0x3;
	[sflag:s18] =	ssyncadd.s32 $0xFFFFFFD8  }
0xa0: {  	[tilespmem:s16], [sflag:$0x7] =	stream.indirect.gather [hbm4b:s1+s22], $0x80, s26, s22, $0xb8;
	[tilespmem:$0x1A900] =	vst v63  }
0xa1: {  	_ =	swait.ge [sflag:s20], $0x28  }
0xa2: {  	[sflag:s20] =	ssyncset.done $0x0  }
0xa3: {  	s18 =	simm.s32 $0x2800;
	[sflag:s20] =	ssyncadd.s32 $0xFFFFFFD8  }
0xa4: {  	[tilespmem:s18], [sflag:$0x8] =	stream.indirect.gather [hbm4b:s1+s22], $0x80, s31, s22, $0xb8;
	[tilespmem:$0x1A900] =	vst v63  }
0xa5: {  	_ =	swait.ge [sflag:s28], $0x28  }
0xa6: {  	[sflag:s28] =	ssyncset.done $0x0  }
0xa7: {  	s20 =	simm.s32 $0x3C00;
	[sflag:s28] =	ssyncadd.s32 $0xFFFFFFD8  }
0xa8: {  	[tilespmem:s20], [sflag:$0x9] =	stream.indirect.gather [hbm4b:s1+s22], $0x80, s23, s22, $0xb8;
	[tilespmem:$0x1A900] =	vst v63  }
0xa9: {  	_ =	swait.ge [sflag:s30], $0x28  }
0xaa: {  	[sflag:s30] =	ssyncset.done $0x0  }
0xab: {  	s26 =	simm.s32 $0x5000;
	[sflag:s30] =	ssyncadd.s32 $0xFFFFFFD8  }
0xac: {  	[tilespmem:s26], [sflag:$0xA] =	stream.indirect.gather [hbm4b:s1+s22], $0x80, s19, s22, $0xb8;
	[tilespmem:$0x1A900] =	vst v63  }
0xad: {  	_ =	swait.ge [sflag:s0], $0x1400  }
0xae: {  	[sflag:s0] =	ssyncset.done $0x0  }
0xaf: {  	[sflag:s0] =	ssyncadd.s32 $0xFFFFEC00  }
0xb0: {  	_ =	swait.ge [sflag:s3], $0x28  }
0xb1: {  	[sflag:s3] =	ssyncset.done $0x0  }
0xb2: {  	[sflag:s3] =	ssyncadd.s32 $0xFFFFFFD8  }
0xb3: {  	[spmem:s2] =	stream.indirect.scatter.add.f32 [tilespmem:s4], [sflag:$0x10], $0x80, s24, s22, $0xb8;
	[tilespmem:$0x1A900] =	vst v63  }
0xb4: {  	_ =	swait.ge [sflag:s10], $0x1400  }
0xb5: {  	[sflag:s10] =	ssyncset.done $0x0  }
0xb6: {  	[sflag:s10] =	ssyncadd.s32 $0xFFFFEC00  }
0xb7: {  	_ =	swait.ge [sflag:s5], $0x1400  }
0xb8: {  	[sflag:s5] =	ssyncset.done $0x0  }
0xb9: {  	[sflag:s5] =	ssyncadd.s32 $0xFFFFEC00  }
0xba: {  	_ =	swait.ge [sflag:s6], $0x28  }
0xbb: {  	[sflag:s6] =	ssyncset.done $0x0  }
0xbc: {  	[sflag:s6] =	ssyncadd.s32 $0xFFFFFFD8  }
0xbd: {  	[spmem:s2] =	stream.indirect.scatter.add.f32 [tilespmem:s16], [sflag:$0x10], $0x80, s29, s22, $0xb8;
	[tilespmem:$0x1A900] =	vst v63  }
0xbe: {  	_ =	swait.ge [sflag:s10], $0x1400  }
0xbf: {  	[sflag:s10] =	ssyncset.done $0x0  }
0xc0: {  	[sflag:s10] =	ssyncadd.s32 $0xFFFFEC00  }
0xc1: {  	_ =	swait.ge [sflag:s8], $0x1400  }
0xc2: {  	[sflag:s8] =	ssyncset.done $0x0  }
0xc3: {  	[sflag:s8] =	ssyncadd.s32 $0xFFFFEC00  }
0xc4: {  	_ =	swait.ge [sflag:s9], $0x28  }
0xc5: {  	[sflag:s9] =	ssyncset.done $0x0  }
0xc6: {  	[sflag:s9] =	ssyncadd.s32 $0xFFFFFFD8  }
0xc7: {  	[spmem:s2] =	stream.indirect.scatter.add.f32 [tilespmem:s18], [sflag:$0x10], $0x80, s21, s22, $0xb8;
	[tilespmem:$0x1A900] =	vst v63  }
0xc8: {  	_ =	swait.ge [sflag:s10], $0x1400  }
0xc9: {  	[sflag:s10] =	ssyncset.done $0x0  }
0xca: {  	[sflag:s10] =	ssyncadd.s32 $0xFFFFEC00  }
0xcb: {  	_ =	swait.ge [sflag:s7], $0x1400  }
0xcc: {  	[sflag:s7] =	ssyncset.done $0x0  }
0xcd: {  	[sflag:s7] =	ssyncadd.s32 $0xFFFFEC00  }
0xce: {  	_ =	swait.ge [sflag:s11], $0x28  }
0xcf: {  	[sflag:s11] =	ssyncset.done $0x0  }
0xd0: {  	[sflag:s11] =	ssyncadd.s32 $0xFFFFFFD8  }
0xd1: {  	[spmem:s2] =	stream.indirect.scatter.add.f32 [tilespmem:s20], [sflag:$0x10], $0x80, s25, s22, $0xb8;
	[tilespmem:$0x1A900] =	vst v63  }
0xd2: {  	_ =	swait.ge [sflag:s10], $0x1400  }
0xd3: {  	[sflag:s10] =	ssyncset.done $0x0  }
0xd4: {  	[sflag:s10] =	ssyncadd.s32 $0xFFFFEC00  }
0xd5: {  	_ =	swait.ge [sflag:s12], $0x1400  }
0xd6: {  	[sflag:s12] =	ssyncset.done $0x0  }
0xd7: {  	[sflag:s12] =	ssyncadd.s32 $0xFFFFEC00  }
0xd8: {  	p0 =	sne.s32 s15, $0x4C9;
	_ =	swait.ge [sflag:s13], $0x28  }
.Ltmp0:
0xd9: {  	[sflag:s13] =	ssyncset.done $0x0;
	(pc) =	sbr.rel @p0 .LBB2_2-.Ltmp0, $4  }
0xda: {  	[sflag:s13] =	ssyncadd.s32 $0xFFFFFFD8  }
0xdb: {  	[spmem:s2] =	stream.indirect.scatter.add.f32 [tilespmem:s26], [sflag:$0x10], $0x80, s17, s22, $0xb8;
	[tilespmem:$0x1A900] =	vst v63  }
0xdc: {  	_ =	swait.ge [sflag:s10], $0x1400  }
0xdd: {  	s15 =	sadd.s32 $0x19, s15;
	s16 =	rddreg [dreg:$0xd];
	[sflag:s10] =	ssyncset.done $0x0  }
0xde: {  	s15 =	rddreg [dreg:$0xc]  }
0xdf: {  	[sflag:s10] =	ssyncadd.s32 $0xFFFFEC00;
	s16 =	sadd.s32 s14, s16;
	s17 =	simm.s32 $0x6400  }
0xe0: {  	[tilespmem:s17], [sflag:$0x1] =	stream.linear.gather [hbm4b:s16+s4], $0x28, $0x38;
	[tilespmem:$0x1A900] =	vst v63  }
0xe1: {  	s24 =	rddreg [dreg:$0xb];
	s18 =	simm.s32 $0x6680;
	s15 =	sadd.s32 s14, s15  }
0xe2: {  	[tilespmem:s18], [sflag:$0xB] =	stream.linear.gather [hbm4b:s15+s4], $0x28, $0x38;
	[tilespmem:$0x1A900] =	vst v63  }
0xe3: {  	s25 =	rddreg [dreg:$0xa];
	s19 =	simm.s32 $0x6480;
	s16 =	sadd.s32 s14, s24  }
0xe4: {  	[tilespmem:s19], [sflag:$0x2] =	stream.linear.gather [hbm4b:s16+s4], $0x28, $0x38;
	[tilespmem:$0x1A900] =	vst v63  }
0xe5: {  	s26 =	rddreg [dreg:$0x9];
	s20 =	simm.s32 $0x6700;
	s15 =	sadd.s32 s14, s25  }
0xe6: {  	[tilespmem:s20], [sflag:$0xC] =	stream.linear.gather [hbm4b:s15+s4], $0x28, $0x38;
	[tilespmem:$0x1A900] =	vst v63  }
0xe7: {  	s21 =	rddreg [dreg:$0x8];
	s24 =	simm.s32 $0x6500;
	s16 =	sadd.s32 s14, s26  }
0xe8: {  	[tilespmem:s24], [sflag:$0x3] =	stream.linear.gather [hbm4b:s16+s4], $0x28, $0x38;
	[tilespmem:$0x1A900] =	vst v63  }
0xe9: {  	s23 =	rddreg [dreg:$0x7];
	s15 =	sadd.s32 s14, s21;
	s21 =	simm.s32 $0x6780  }
0xea: {  	[tilespmem:s21], [sflag:$0xD] =	stream.linear.gather [hbm4b:s15+s4], $0x28, $0x38;
	[tilespmem:$0x1A900] =	vst v63  }
0xeb: {  	s25 =	rddreg [dreg:$0x6];
	s16 =	sadd.s32 s14, s23;
	s23 =	simm.s32 $0x6580  }
0xec: {  	[tilespmem:s23], [sflag:$0x4] =	stream.linear.gather [hbm4b:s16+s4], $0x28, $0x38;
	[tilespmem:$0x1A900] =	vst v63  }
0xed: {  	s26 =	rddreg [dreg:$0x5];
	s15 =	sadd.s32 s14, s25;
	s25 =	simm.s32 $0x6800  }
0xee: {  	[tilespmem:s25], [sflag:$0xE] =	stream.linear.gather [hbm4b:s15+s4], $0x28, $0x38;
	[tilespmem:$0x1A900] =	vst v63  }
0xef: {  	s16 =	sadd.s32 s14, s26;
	s26 =	simm.s32 $0x6600;
	s15 =	rddreg [dreg:$0x4]  }
0xf0: {  	[tilespmem:s26], [sflag:$0x5] =	stream.linear.gather [hbm4b:s16+s4], $0x28, $0x38;
	[tilespmem:$0x1A900] =	vst v63  }
0xf1: {  	s16 =	sadd.s32 s14, s15;
	s15 =	simm.s32 $0x6880  }
0xf2: {  	[tilespmem:s15], [sflag:$0xF] =	stream.linear.gather [hbm4b:s16+s4], $0x28, $0x38;
	[tilespmem:$0x1A900] =	vst v63  }
0xf3: {  	s16 =	simm.s32 $0x1  }
0xf4: {  	_ =	swait.ge [sflag:s16], $0x28  }
0xf5: {  	[sflag:s16] =	ssyncset.done $0x0  }
0xf6: {  	[sflag:s16] =	ssyncadd.s32 $0xFFFFFFD8  }
0xf7: {  	[tilespmem:s4], [sflag:$0x6] =	stream.indirect.gather [hbm4b:s1+s22], $0x80, s17, s22, $0xb8;
	[tilespmem:$0x1A900] =	vst v63  }
0xf8: {  	s17 =	simm.s32 $0x2  }
0xf9: {  	_ =	swait.ge [sflag:s17], $0x28  }
0xfa: {  	[sflag:s17] =	ssyncset.done $0x0  }
0xfb: {  	s14 =	simm.s32 $0x1400;
	[sflag:s17] =	ssyncadd.s32 $0xFFFFFFD8  }
0xfc: {  	[tilespmem:s14], [sflag:$0x7] =	stream.indirect.gather [hbm4b:s1+s22], $0x80, s19, s22, $0xb8;
	[tilespmem:$0x1A900] =	vst v63  }
0xfd: {  	s19 =	simm.s32 $0x3  }
0xfe: {  	_ =	swait.ge [sflag:s19], $0x28  }
0xff: {  	[sflag:s19] =	ssyncset.done $0x0  }
0x100: {  	s17 =	simm.s32 $0x2800;
	[sflag:s19] =	ssyncadd.s32 $0xFFFFFFD8  }
0x101: {  	[tilespmem:s17], [sflag:$0x8] =	stream.indirect.gather [hbm4b:s1+s22], $0x80, s24, s22, $0xb8;
	[tilespmem:$0x1A900] =	vst v63  }
0x102: {  	_ =	swait.ge [sflag:s28], $0x28  }
0x103: {  	[sflag:s28] =	ssyncset.done $0x0  }
0x104: {  	s19 =	simm.s32 $0x3C00;
	[sflag:s28] =	ssyncadd.s32 $0xFFFFFFD8  }
0x105: {  	[tilespmem:s19], [sflag:$0x9] =	stream.indirect.gather [hbm4b:s1+s22], $0x80, s23, s22, $0xb8;
	[tilespmem:$0x1A900] =	vst v63  }
0x106: {  	_ =	swait.ge [sflag:s30], $0x28  }
0x107: {  	[sflag:s30] =	ssyncset.done $0x0  }
0x108: {  	s24 =	simm.s32 $0x5000;
	[sflag:s30] =	ssyncadd.s32 $0xFFFFFFD8  }
0x109: {  	[tilespmem:s24], [sflag:$0xA] =	stream.indirect.gather [hbm4b:s1+s22], $0x80, s26, s22, $0xb8;
	[tilespmem:$0x1A900] =	vst v63  }
0x10a: {  	_ =	swait.ge [sflag:s0], $0x1400  }
0x10b: {  	[sflag:s0] =	ssyncset.done $0x0  }
0x10c: {  	[sflag:s0] =	ssyncadd.s32 $0xFFFFEC00  }
0x10d: {  	_ =	swait.ge [sflag:s3], $0x28  }
0x10e: {  	[sflag:s3] =	ssyncset.done $0x0  }
0x10f: {  	[sflag:s3] =	ssyncadd.s32 $0xFFFFFFD8  }
0x110: {  	[spmem:s2] =	stream.indirect.scatter.add.f32 [tilespmem:s4], [sflag:$0x10], $0x80, s18, s22, $0xb8;
	[tilespmem:$0x1A900] =	vst v63  }
0x111: {  	_ =	swait.ge [sflag:s10], $0x1400  }
0x112: {  	[sflag:s10] =	ssyncset.done $0x0  }
0x113: {  	[sflag:s10] =	ssyncadd.s32 $0xFFFFEC00  }
0x114: {  	_ =	swait.ge [sflag:s5], $0x1400  }
0x115: {  	[sflag:s5] =	ssyncset.done $0x0  }
0x116: {  	[sflag:s5] =	ssyncadd.s32 $0xFFFFEC00  }
0x117: {  	_ =	swait.ge [sflag:s6], $0x28  }
0x118: {  	[sflag:s6] =	ssyncset.done $0x0  }
0x119: {  	[sflag:s6] =	ssyncadd.s32 $0xFFFFFFD8  }
0x11a: {  	[spmem:s2] =	stream.indirect.scatter.add.f32 [tilespmem:s14], [sflag:$0x10], $0x80, s20, s22, $0xb8;
	[tilespmem:$0x1A900] =	vst v63  }
0x11b: {  	_ =	swait.ge [sflag:s10], $0x1400  }
0x11c: {  	[sflag:s10] =	ssyncset.done $0x0  }
0x11d: {  	[sflag:s10] =	ssyncadd.s32 $0xFFFFEC00  }
0x11e: {  	_ =	swait.ge [sflag:s8], $0x1400  }
0x11f: {  	[sflag:s8] =	ssyncset.done $0x0  }
0x120: {  	[sflag:s8] =	ssyncadd.s32 $0xFFFFEC00  }
0x121: {  	_ =	swait.ge [sflag:s9], $0x28  }
0x122: {  	[sflag:s9] =	ssyncset.done $0x0  }
0x123: {  	[sflag:s9] =	ssyncadd.s32 $0xFFFFFFD8  }
0x124: {  	[spmem:s2] =	stream.indirect.scatter.add.f32 [tilespmem:s17], [sflag:$0x10], $0x80, s21, s22, $0xb8;
	[tilespmem:$0x1A900] =	vst v63  }
0x125: {  	_ =	swait.ge [sflag:s10], $0x1400  }
0x126: {  	[sflag:s10] =	ssyncset.done $0x0  }
0x127: {  	[sflag:s10] =	ssyncadd.s32 $0xFFFFEC00  }
0x128: {  	_ =	swait.ge [sflag:s7], $0x1400  }
0x129: {  	[sflag:s7] =	ssyncset.done $0x0  }
0x12a: {  	[sflag:s7] =	ssyncadd.s32 $0xFFFFEC00  }
0x12b: {  	_ =	swait.ge [sflag:s11], $0x28  }
0x12c: {  	[sflag:s11] =	ssyncset.done $0x0  }
0x12d: {  	[sflag:s11] =	ssyncadd.s32 $0xFFFFFFD8  }
0x12e: {  	[spmem:s2] =	stream.indirect.scatter.add.f32 [tilespmem:s19], [sflag:$0x10], $0x80, s25, s22, $0xb8;
	[tilespmem:$0x1A900] =	vst v63  }
0x12f: {  	_ =	swait.ge [sflag:s10], $0x1400  }
0x130: {  	[sflag:s10] =	ssyncset.done $0x0  }
0x131: {  	[sflag:s10] =	ssyncadd.s32 $0xFFFFEC00  }
0x132: {  	_ =	swait.ge [sflag:s12], $0x1400  }
0x133: {  	[sflag:s12] =	ssyncset.done $0x0  }
0x134: {  	[sflag:s12] =	ssyncadd.s32 $0xFFFFEC00  }
0x135: {  	_ =	swait.ge [sflag:s13], $0x28  }
0x136: {  	[sflag:s13] =	ssyncset.done $0x0  }
0x137: {  	[sflag:s13] =	ssyncadd.s32 $0xFFFFFFD8  }
0x138: {  	[spmem:s2] =	stream.indirect.scatter.add.f32 [tilespmem:s24], [sflag:$0x10], $0x80, s15, s22, $0xb8;
	[tilespmem:$0x1A900] =	vst v63  }
0x139: {  	_ =	swait.ge [sflag:s10], $0x1400  }
0x13a: {  	[sflag:s10] =	ssyncset.done $0x0  }
0x13b: {  	[sflag:s10] =	ssyncadd.s32 $0xFFFFEC00  }
0x13c: {  	[bflag:$0x0] =	sbarrier.arrive $0xFFFF  }
0x13d: {  	s15 =	rddreg [dreg:$0x10]  }
0x13e: {  	s23 =	rddreg [dreg:$0x11]  }
0x13f: {  	s24 =	rddreg [dreg:$0x14]  }
0x140: {  	[hbm:s23], [sflag:s15] =	dma.local [spmem:s24], $0x2800  }
0x141: {  	_ =	swait.ge [sflag:s10], $0x2800  }
0x142: {  	s25 =	rddreg [dreg:$0x13]  }
0x143: {  	s26 =	rddreg [dreg:$0x12];
	s16 =	sadd.s32 $0x1, s25  }
0x144: {  	p0 =	sne.s32 s16, s26  }
.Ltmp1:
0x145: {  	_ = 	snop;
	(pc) =	sbr.rel @p0 .LBB2_1-.Ltmp1, $3  }
0x146: {  	_ =	sdelay $0x1  }
0x147: {  	[sflag:s10] =	ssyncset.done $0x0  }
0x148: {  	[sflag:s10] =	ssyncadd.s32 $0xFFFFD800  }
0x149: {  	_ =	sfence.sel $0x180000  }
0x14a: {  	[bflag:$0x0] =	sbarrier.arrive $0xFFFF  }
0x14b: {  	_ =	strace $0x9000004D  }
0x14c: {  	s0 =	stileid.u32;
	[bflag:$0x2] =	sbarrier.arrive $0xFFFF  }
0x14d: {  	p0 =	sne.s32 s0, $0x0;
	s0 =	rddreg [dreg:$0x3]  }
0x14e: {  	s0 =	sadd.s32 @!p0 $0x100000, s0  }
0x14f: {  	[sflag:s0] =	ssyncadd.tile.s32 @!p0 $0x1;
	_ =	shalt  }
.Lfunc_end2:
_tile_overlayer_lowered:
.L_overlay_start_2:
0x150: {  	(tag) =	ssettag $0x2  }
0x151: {  	s0 =	rddreg [dreg:$0x0];
	s2 =	stileid.u32  }
0x152: {  	s1 =	rddreg [dreg:$0x1];
	p0 =	sne.s32 s2, $0x0  }
0x153: {  	s3 =	rddreg [dreg:$0x2];
	[bflag:$0x3] =	sbarrier.arrive $0xFFFF;
	s2 =	simm.s32 @!p0 $0x1C10  }
0x154: {  	[timem:s3], [sflag:s2] =	dma.local @!p0 [hbm:s0], s1  }
0x155: {  	s0 =	simm.s32 @!p0 $0x10  }
0x156: {  	_ =	swait.ge @!p0 [sflag:s0], s1  }
0x157: {  	s1 =	ssub.s32 @!p0 $0x0, s1;
	[sflag:s0] =	ssyncset.done @!p0 $0x0  }
0x158: {  	[sflag:s0] =	ssyncadd.s32 @!p0 s1  }
0x159: {  	[bflag:$0x3] =	sbarrier.arrive $0xFFFF  }
0x15a: {  	_ =	shalt  }

// kernel: kernel.8.cloned.1.call-start
scs
__scs_entry_jumppad:
0x0: {  	(pc) =	sbr.rel $0x88, $3  }
0x1: {  	(tag) =	ssettag $0x0;
	lr =	simm.s32 $0x1  }
0x2: {  	[smem:$0x3F9B] =	sst lr;
	_ =	strace $0xD0000000  }
0x3: {  	_ = 	snop  }
0x4: {  	_ = 	snop  }
0x5: {  	_ = 	snop  }
0x6: {  	_ = 	snop  }
0x7: {  	_ = 	snop  }
__scs_overlays_trampoline_lowered:
0x8: {  	[smem:$0x3FAA] =	sst s0  }
0x9: {  	[smem:$0x3FAB] =	sst s1  }
0xa: {  	[smem:$0x3FAC] =	sst s2  }
0xb: {  	[smem:$0x3FAD] =	sst s3  }
0xc: {  	[smem:$0x3FAE] =	sst s4  }
0xd: {  	[smem:$0x3FAF] =	sst s5  }
0xe: {  	[smem:$0x3FB0] =	sst s6  }
0xf: {  	[smem:$0x3FB1] =	sst s7  }
0x10: {  	[smem:$0x3FB2] =	sst s8  }
0x11: {  	[smem:$0x3FB3] =	sst s9;
	s0 =	simm.s32 @!p0 $0x0  }
0x12: {  	s1 =	sld [smem:$0x3F99];
	s0 =	simm.s32 @p0 $0x1  }
0x13: {  	[smem:$0x3FB4] =	sst s0;
	s0 =	simm.s32 @!p1 $0x0  }
0x14: {  	s2 =	sld [smem:$0x3F98];
	s0 =	simm.s32 @p1 $0x1  }
0x15: {  	[smem:$0x3FB5] =	sst s0;
	s0 =	simm.s32 @!p2 $0x0  }
0x16: {  	s3 =	sld [smem:$0x3FDB];
	s0 =	simm.s32 @p2 $0x1  }
0x17: {  	s4 =	simm.s32 $0x1BF5;
	[smem:$0x3FB7] =	sst s0  }
0x18: {  	s0 =	sld [smem:$0x3F9A];
	_ =	swait.ge [sflag:s4], $0x0  }
0x19: {  	s7 =	sld [smem:$0x3F9B]  }
0x1a: {  	s8 =	sadd.s32 $0xFFFFE003, lr  }
0x1b: {  	s9 =	sadd.s32 $0xFFFFFEF7, lr;
	s5 =	simm.s32 $0xFFFFFFFF;
	p2 =	slt.u32 s8, $0xFFFFF086  }
0x1c: {  	p1 =	slt.u32 s9, $0xF7A;
	s5 =	simm.s32 @!p2 $0x0  }
0x1d: {  	s5 =	simm.s32 @p1 $0x1;
	p0 =	seq.s32 s7, s2  }
0x1e: {  	s7 =	smul.u32 @!p0 $0xF7A, s2;
	p2 =	seq.s32 @!p0 s5, $0x0  }
0x1f: {  	s9 =	smul.u32 $0xF7A, s1;
	s8 =	simm.s32 @!p0 $0x1BF5;
	p2 =	por !p2, p0  }
0x20: {  	[sflag:s8] =	ssyncset.s32 @!p0 $0xFFFFF086;
	s6 =	sadd.s32 @!p0 s3, s7;
	s7 =	simm.s32 @!p0 $0x108  }
0x21: {  	s3 =	sadd.s32 s3, s9;
	s6 =	sadd.s32 @!p0 $0x88, s6;
	s7 =	simm.s32 @p2 $0x1082  }
0x22: {  	[simem:s7], [sflag:s8] =	dma.local @!p0 [hbm:s6], $0xF7A  }
0x23: {  	s9 =	sor.u32 $0xD0000000, s2;
	s6 =	simm.s32 $0x108;
	_ =	swait.ge @!p0 [sflag:s8], $0x0  }
0x24: {  	s3 =	sadd.s32 $0x88, s3;
	s6 =	simm.s32 @!p1 $0x1082;
	[sflag:s4] =	ssyncset.s32 $0xFFFFF086  }
0x25: {  	[simem:s6], [sflag:s4] =	dma.local [hbm:s3], $0xF7A  }
0x26: {  	[smem:$0x3F9B] =	sst s1;
	(tag) =	ssettag s2;
	_ =	strace s9  }
0x27: {  	s1 =	sld [smem:$0x3FAB]  }
0x28: {  	s2 =	sld [smem:$0x3FAC]  }
0x29: {  	s4 =	sld [smem:$0x3FAE]  }
0x2a: {  	p0 =	seq.s32 s5, $0x0;
	s5 =	sld [smem:$0x3FAF]  }
0x2b: {  	s6 =	sld [smem:$0x3FB0]  }
0x2c: {  	s7 =	sld [smem:$0x3FB1]  }
0x2d: {  	s3 =	simm.s32 $0x108;
	s8 =	sld [smem:$0x3FB2]  }
0x2e: {  	s3 =	simm.s32 @!p0 $0x1082;
	s9 =	sld [smem:$0x3FB3]  }
0x2f: {  	lr =	sadd.s32 s0, s3;
	s0 =	sld [smem:$0x3FAA]  }
0x30: {  	s3 =	sld [smem:$0x3FAD]  }
0x31: {  	[smem:$0x3FB6] =	sst s10  }
0x32: {  	s10 =	sld [smem:$0x3FB4];
	_ =	sdelay $0x3  }
0x33: {  	p0 =	seq.s32 s10, $0x1;
	s10 =	sld [smem:$0x3FB6];
	_ =	sdelay $0x3  }
0x34: {  	[smem:$0x3FB6] =	sst s10  }
0x35: {  	s10 =	sld [smem:$0x3FB5];
	_ =	sdelay $0x3  }
0x36: {  	p1 =	seq.s32 s10, $0x1;
	s10 =	sld [smem:$0x3FB6];
	_ =	sdelay $0x3  }
0x37: {  	[smem:$0x3FB6] =	sst s10  }
0x38: {  	s10 =	sld [smem:$0x3FB7]  }
0x39: {  	_ = 	snop;
	(pc) =	sbr.ind lr, $3  }
0x3a: {  	_ = 	snop  }
0x3b: {  	_ = 	snop  }
0x3c: {  	p2 =	seq.s32 s10, $0x1;
	s10 =	sld [smem:$0x3FB6]  }
0x3d: {  	_ =	shalt  }
0x3e: {  	_ =	shalt  }
0x3f: {  	_ =	shalt  }
0x40: {  	_ =	shalt  }
0x41: {  	_ =	shalt  }
0x42: {  	_ =	shalt  }
0x43: {  	_ =	shalt  }
0x44: {  	_ =	shalt  }
0x45: {  	_ =	shalt  }
0x46: {  	_ =	shalt  }
0x47: {  	_ =	shalt  }
0x48: {  	_ =	shalt  }
0x49: {  	_ =	shalt  }
0x4a: {  	_ =	shalt  }
0x4b: {  	_ =	shalt  }
0x4c: {  	_ =	shalt  }
0x4d: {  	_ =	shalt  }
0x4e: {  	_ =	shalt  }
0x4f: {  	_ =	shalt  }
0x50: {  	_ =	shalt  }
0x51: {  	_ =	shalt  }
0x52: {  	_ =	shalt  }
0x53: {  	_ =	shalt  }
0x54: {  	_ =	shalt  }
0x55: {  	_ =	shalt  }
0x56: {  	_ =	shalt  }
0x57: {  	_ =	shalt  }
0x58: {  	_ =	shalt  }
0x59: {  	_ =	shalt  }
0x5a: {  	_ =	shalt  }
0x5b: {  	_ =	shalt  }
0x5c: {  	_ =	shalt  }
0x5d: {  	_ =	shalt  }
0x5e: {  	_ =	shalt  }
0x5f: {  	_ =	shalt  }
0x60: {  	_ =	shalt  }
0x61: {  	_ =	shalt  }
0x62: {  	_ =	shalt  }
0x63: {  	_ =	shalt  }
0x64: {  	_ =	shalt  }
0x65: {  	_ =	shalt  }
0x66: {  	_ =	shalt  }
0x67: {  	_ =	shalt  }
0x68: {  	_ =	shalt  }
0x69: {  	_ =	shalt  }
0x6a: {  	_ =	shalt  }
0x6b: {  	_ =	shalt  }
0x6c: {  	_ =	shalt  }
0x6d: {  	_ =	shalt  }
0x6e: {  	_ =	shalt  }
0x6f: {  	_ =	shalt  }
0x70: {  	_ =	shalt  }
0x71: {  	_ =	shalt  }
0x72: {  	_ =	shalt  }
0x73: {  	_ =	shalt  }
0x74: {  	_ =	shalt  }
0x75: {  	_ =	shalt  }
0x76: {  	_ =	shalt  }
0x77: {  	_ =	shalt  }
0x78: {  	_ =	shalt  }
0x79: {  	_ =	shalt  }
0x7a: {  	_ =	shalt  }
0x7b: {  	_ =	shalt  }
0x7c: {  	_ =	shalt  }
0x7d: {  	_ =	shalt  }
0x7e: {  	_ =	shalt  }
0x7f: {  	_ =	shalt  }
0x80: {  	_ =	shalt  }
0x81: {  	_ =	shalt  }
0x82: {  	_ =	shalt  }
0x83: {  	_ =	shalt  }
0x84: {  	_ =	shalt  }
0x85: {  	_ =	shalt  }
0x86: {  	_ =	shalt  }
0x87: {  	_ =	shalt  }
.Lfunc_end0:
.L_simem_size_0:
called_computation_lowered:
.L_overlay_start_0:
0x88: {  	s2 =	sld [smem:$0x3FD9]  }
0x89: {  	s3 =	sld [smem:$0x3FFE];
	_ =	sdelay $0x1  }
0x8a: {  	s1 =	srdreg.scid  }
0x8b: {  	s0 =	sand.u32 $0x1, s1  }
0x8c: {  	s17 =	sshll.u32 s0, $0xA;
	s2 =	sadd.s32 s3, s2  }
0x8d: {  	s2 =	sadd.s32 s2, s17  }
0x8e: {  	[smem:$0x3FC2] =	sst s2  }
0x8f: {  	_ = 	snop  }
0x90: {  	s2 =	sld [smem:$0x3FD0];
	(tm) =	ssettm $0x1  }
0x91: {  	s18 =	sld [smem:$0x3FFB];
	_ =	sdelay $0x3  }
0x92: {  	_ =	strace s18  }
0x93: {  	s3 =	sld [smem:$0x3FFC];
	_ =	sdelay $0x3  }
0x94: {  	_ =	strace s3  }
0x95: {  	s3 =	sld [smem:$0x3FFD];
	_ =	sdelay $0x3  }
0x96: {  	_ =	strace s3  }
0x97: {  	_ =	strace $0x8FFFFFFF  }
0x98: {  	s19 =	sld [smem:$0x3FDB];
	_ =	sdelay $0x1  }
0x99: {  	s4 =	simm.s32 $_scs_section_size  }
0x9a: {  	s5 =	simm.s32 $_size__tile_overlayer_lowered;
	s6 =	simm.s32 $_tile_overlayer_lowered  }
0x9b: {  	s22 =	simm.s32 $0x1BFF;
	s21 =	sshll.u32 s6, $0x1;
	s3 =	sadd.s32 s4, s19  }
0x9c: {  	s7 =	simm.s32 $0x0;
	s20 =	sshll.u32 s5, $0x1;
	s5 =	sadd.s32 s21, s3  }
0x9d: {  	[timem:s7], [sflag:s22] =	dma.local [hbm:s5], s20  }
0x9e: {  	_ =	swait.ge [sflag:s22], s20  }
0x9f: {  	s4 =	ssub.s32 $0x0, s20;
	[sflag:s22] =	ssyncset.done $0x0  }
0xa0: {  	[sflag:s22] =	ssyncadd.s32 s4;
	_ =	sdelay $0x1  }
0xa1: {  	s23 =	simm.s32 $0x1B8B  }
0xa2: {  	_ =	swait.ge [sflag:s23], $0x1  }
0xa3: {  	[sflag:s23] =	ssyncset.done $0x0  }
0xa4: {  	s25 =	simm.s32 $0x1B8E;
	s24 =	sld [smem:$0x3FFE];
	[sflag:s23] =	ssyncadd.s32 $0xFFFFFFFF  }
0xa5: {  	s26 =	simm.s32 $execute0_lowered;
	[smem:$0x3FD2] =	sst s25  }
0xa6: {  	s5 =	sshll.u32 s26, $0x1;
	_ =	strace $0x80000046;
	[dreg:$0x1] =	wrdreg $0xFFFFFFFF  }
0xa7: {  	s28 =	simm.s32 $_size_execute0_lowered;
	s3 =	sadd.s32 s3, s5;
	[dreg:$0x0] =	wrdreg $0x0  }
0xa8: {  	s5 =	sshll.u32 s28, $0x1;
	[dreg:$0x2] =	wrdreg s3  }
0xa9: {  	[dreg:$0x3] =	wrdreg s5  }
0xaa: {  	[dreg:$0x4] =	wrdreg $0xC0  }
0xab: {  	_ =	task [dreg:s7], $0x5FFFF  }
0xac: {  	[dreg:$0x1] =	wrdreg $0xFFFFFFFF  }
0xad: {  	[dreg:$0x0] =	wrdreg $0x60  }
0xae: {  	[dreg:$0x2] =	wrdreg s24  }
0xaf: {  	[dreg:$0x3] =	wrdreg s2  }
0xb0: {  	[dreg:$0x4] =	wrdreg $0x19000  }
0xb1: {  	[dreg:$0x5] =	wrdreg $0x9  }
0xb2: {  	_ =	task.clear_ibuf [dreg:s7], $0x6FFFF;
	_ =	strace $0x90000046  }
0xb3: {  	s29 =	simm.s32 $0x9;
	_ =	strace $0x80000048  }
0xb4: {  	_ =	swait.ge [sflag:s29], $0x1  }
0xb5: {  	[sflag:s29] =	ssyncadd.s32 $0xFFFFFFFF  }
0xb6: {  	_ =	strace $0x90000048  }
0xb7: {  	_ =	sfence  }
0xb8: {  	s30 =	sld [smem:$0x0];
	_ =	sdelay $0x2  }
0xb9: {  	s31 =	sshll.u32 s1, $0xD;
	s1 =	sshrl.u32 s1, $0x2  }
0xba: {  	s3 =	sand.u32 $0x4000, s31;
	s1 =	sadd.s32 s1, s30  }
0xbb: {  	s0 =	sor.u32 s3, s0;
	s1 =	sshll.u32 s1, $0x11  }
0xbc: {  	s0 =	sor.u32 s1, s0  }
0xbd: {  	s0 =	sadd.s32 $0x8F2B, s0  }
0xbe: {  	[sflag:s0] =	ssyncadd.remote.s32 $0x1  }
0xbf: {  	_ =	sfence.sel $0xFFFF  }
0xc0: {  	[dreg:$0x0] =	wrdreg $0xFFFFFFFF;
	(pc) =	sbr.abs _section_cstart, $3  }
0xc1: {  	[dreg:$0x1] =	wrdreg $0xFFFFFFFF  }
0xc2: {  	_ =	task.clear_ibuf [dreg:s7], $0x2FFFF;
	_ =	strace $0x9FFFFFFF  }
0xc3: {  	(tm) =	ssettm $0x7FFFFFFF  }
tec
execute0_lowered:
.L_overlay_start_1:
0x0: {  	(tag) =	ssettag $0x1  }
0x1: {  	s0 =	rddreg [dreg:$0x0]  }
0x2: {  	s2 =	rddreg [dreg:$0x2]  }
0x3: {  	s1 =	srdreg.scid;
	s4 =	simm.s32 $0x0;
	s9 =	stileid.u32  }
0x4: {  	s29 =	simm.s32 $0x7;
	s30 =	simm.s32 $0x8;
	s31 =	simm.s32 $0x9  }
0x5: {  	s28 =	simm.s32 $0x1780;
	s1 =	sand.u32 $0x1, s1;
	s5 =	smul.u32 $0x14000, s9  }
0x6: {  	[smem:$0x7FF] =	sst s4;
	s6 =	smul.u32 $0x50000, s9;
	s7 =	sadd.s32 $0xD200, s0  }
0x7: {  	s18 =	smul.u32 $0x4E20, s9;
	s10 =	sadd.s32 $0x17000, s0;
	s20 =	sshll.u32 s9, $0x6  }
0x8: {  	s3 =	smul.u32 $0x140000, s1;
	_ =	strace $0x80000047;
	s8 =	ssub.s32 $0x2, s1  }
0x9: {  	s1 =	smul.u32 $0x2710, s1;
	[dreg:$0xe] =	wrdreg s10;
	s14 =	sor.u32 $0x1C15, s20  }
0xa: {  	s19 =	sshrl.u32 s8, $0x1;
	s6 =	sshrl.u32 s6, $0x2;
	[dreg:$0xf] =	wrdreg s14  }
0xb: {  	s3 =	sadd.s32 s5, s3;
	s1 =	sadd.s32 s1, s18;
	s5 =	sadd.s32 s6, s2  }
0xc: {  	s3 =	sshrl.u32 s3, $0x3;
	s21 =	sadd.s32 $0x168, s1;
	s23 =	sadd.s32 $0x140, s1  }
0xd: {  	s24 =	sadd.s32 $0x118, s1;
	s10 =	sadd.s32 $0xF0, s1;
	s12 =	sadd.s32 $0xC8, s1  }
0xe: {  	s13 =	sadd.s32 $0xA0, s1;
	s18 =	sadd.s32 $0x78, s1;
	s20 =	sadd.s32 $0x50, s1  }
0xf: {  	s0 =	sadd.s32 s3, s0;
	s3 =	ssub.s32 s8, s19;
	s22 =	sshrl.u32 s21, $0x3  }
0x10: {  	s8 =	sshrl.u32 s23, $0x3;
	s26 =	sshrl.u32 s24, $0x3;
	s11 =	sshrl.u32 s10, $0x3  }
0x11: {  	s16 =	sshrl.u32 s13, $0x3;
	s19 =	sshrl.u32 s18, $0x3;
	s21 =	sadd.s32 $0x28, s1  }
0x12: {  	s1 =	sshrl.u32 s1, $0x3;
	s10 =	simm.s32 $0x12;
	s6 =	sadd.s32 s22, s7  }
0x13: {  	s25 =	sadd.s32 s8, s7;
	s9 =	sadd.s32 s26, s7;
	s8 =	sshrl.u32 s12, $0x3  }
0x14: {  	s17 =	sadd.s32 s16, s7;
	s23 =	sshrl.u32 s21, $0x3;
	[dreg:$0x4] =	wrdreg s6  }
0x15: {  	s0 =	sadd.s32 $0x17400, s0;
	s26 =	smax.u32 s3, $0x1;
	[dreg:$0x5] =	wrdreg s25  }
0x16: {  	s16 =	simm.s32 $0x15;
	s3 =	simm.s32 $0xB;
	[dreg:$0x6] =	wrdreg s9  }
0x17: {  	s12 =	simm.s32 $0x14;
	s6 =	sadd.s32 s11, s7;
	[dreg:$0x9] =	wrdreg s17  }
0x18: {  	s15 =	sadd.s32 s8, s7;
	s8 =	sshrl.u32 s20, $0x3;
	[dreg:$0x10] =	wrdreg s0  }
0x19: {  	s24 =	sadd.s32 s23, s7;
	s25 =	sadd.s32 s1, s7;
	[dreg:$0x11] =	wrdreg s26  }
0x1a: {  	s0 =	simm.s32 $0xA;
	s1 =	simm.s32 $0xC;
	[dreg:$0x7] =	wrdreg s6  }
0x1b: {  	s9 =	simm.s32 $0x11;
	s11 =	simm.s32 $0x13;
	[dreg:$0x8] =	wrdreg s15  }
0x1c: {  	s17 =	simm.s32 $0x0;
	s26 =	simm.s32 $0x1700;
	[dreg:$0xc] =	wrdreg s24  }
0x1d: {  	s6 =	sadd.s32 s19, s7;
	s22 =	sadd.s32 s8, s7;
	[dreg:$0xd] =	wrdreg s25  }
0x1e: {  	s15 =	sshrl.u32 s5, $0x3;
	s5 =	simm.s32 $0xD;
	[dreg:$0xa] =	wrdreg s6  }
0x1f: {  	s7 =	simm.s32 $0xE;
	s8 =	simm.s32 $0xF;
	[dreg:$0xb] =	wrdreg s22  }
0x20: {  	s22 =	simm.s32 $0x28;
	s6 =	simm.s32 $0x10;
	[dreg:$0x12] =	wrdreg s15  }
.LBB2_1:
0x21: {  	[dreg:$0x13] =	wrdreg s17  }
0x22: {  	s13 =	rddreg [dreg:$0x1]  }
0x23: {  	[spmem:s15], [sflag:s14] =	dma.local [hbm:s13], $0x2800  }
0x24: {  	_ =	swait.ge [sflag:s16], $0x2800  }
0x25: {  	[sflag:s16] =	ssyncset.done $0x0  }
0x26: {  	s15 =	rddreg [dreg:$0xe];
	[sflag:s16] =	ssyncadd.s32 $0xFFFFD800  }
0x27: {  	[tilespmem:s4], [sflag:$0x15] =	stream.linear.gather [hbm4b:s15+s4], $0x1400, $0x38;
	[tilespmem:$0x4100] =	vst v63  }
0x28: {  	_ =	swait.ge [sflag:s16], $0x1400  }
0x29: {  	[sflag:s16] =	ssyncset.done $0x0  }
0x2a: {  	[sflag:s16] =	ssyncadd.s32 $0xFFFFEC00  }
0x2b: {  	[bflag:$0x0] =	sbarrier.arrive $0xFFFF  }
0x2c: {  	s16 =	rddreg [dreg:$0xd]  }
0x2d: {  	s17 =	rddreg [dreg:$0xc];
	s13 =	sadd.s32 $0x0, s16;
	s16 =	simm.s32 $0x1400  }
0x2e: {  	[tilespmem:s16], [sflag:$0x1] =	stream.linear.gather [hbm4b:s13+s4], $0x28, $0x38;
	[tilespmem:$0x4100] =	vst v63  }
0x2f: {  	s18 =	rddreg [dreg:$0xb];
	s19 =	sadd.s32 $0x0, s17;
	s17 =	simm.s32 $0x1480  }
0x30: {  	[tilespmem:s17], [sflag:$0x2] =	stream.linear.gather [hbm4b:s19+s4], $0x28, $0x38;
	[tilespmem:$0x4100] =	vst v63  }
0x31: {  	s20 =	rddreg [dreg:$0xa];
	s21 =	sadd.s32 $0x0, s18;
	s18 =	simm.s32 $0x1500  }
0x32: {  	[tilespmem:s18], [sflag:$0x3] =	stream.linear.gather [hbm4b:s21+s4], $0x28, $0x38;
	[tilespmem:$0x4100] =	vst v63  }
0x33: {  	s23 =	rddreg [dreg:$0x9];
	s24 =	sadd.s32 $0x0, s20;
	s19 =	simm.s32 $0x1580  }
0x34: {  	[tilespmem:s19], [sflag:$0x4] =	stream.linear.gather [hbm4b:s24+s4], $0x28, $0x38;
	[tilespmem:$0x4100] =	vst v63  }
0x35: {  	s25 =	rddreg [dreg:$0x8];
	s20 =	simm.s32 $0x1600;
	s21 =	sadd.s32 $0x0, s23  }
0x36: {  	[tilespmem:s20], [sflag:$0x5] =	stream.linear.gather [hbm4b:s21+s4], $0x28, $0x38;
	[tilespmem:$0x4100] =	vst v63  }
0x37: {  	s23 =	rddreg [dreg:$0x7];
	s24 =	sadd.s32 $0x0, s25;
	s21 =	simm.s32 $0x1680  }
0x38: {  	[tilespmem:s21], [sflag:$0x6] =	stream.linear.gather [hbm4b:s24+s4], $0x28, $0x38;
	[tilespmem:$0x4100] =	vst v63  }
0x39: {  	s25 =	rddreg [dreg:$0x6];
	s24 =	sadd.s32 $0x0, s23;
	s23 =	simm.s32 $0x1700  }
0x3a: {  	[tilespmem:s23], [sflag:$0x7] =	stream.linear.gather [hbm4b:s24+s4], $0x28, $0x38;
	[tilespmem:$0x4100] =	vst v63  }
0x3b: {  	s15 =	rddreg [dreg:$0x5];
	s25 =	sadd.s32 $0x0, s25;
	s24 =	simm.s32 $0x1780  }
0x3c: {  	[tilespmem:s24], [sflag:$0x8] =	stream.linear.gather [hbm4b:s25+s4], $0x28, $0x38;
	[tilespmem:$0x4100] =	vst v63  }
0x3d: {  	s14 =	rddreg [dreg:$0x4];
	s25 =	sadd.s32 $0x0, s15;
	s15 =	simm.s32 $0x1800  }
0x3e: {  	[tilespmem:s15], [sflag:$0x9] =	stream.linear.gather [hbm4b:s25+s4], $0x28, $0x38;
	[tilespmem:$0x4100] =	vst v63  }
0x3f: {  	s25 =	sadd.s32 $0x0, s14;
	s14 =	simm.s32 $0x1880  }
0x40: {  	[tilespmem:s14], [sflag:$0xA] =	stream.linear.gather [hbm4b:s25+s4], $0x28, $0x38;
	[tilespmem:$0x4100] =	vst v63  }
0x41: {  	s25 =	simm.s32 $0x1  }
0x42: {  	_ =	swait.ge [sflag:s25], $0x28  }
0x43: {  	[sflag:s25] =	ssyncset.done $0x0  }
0x44: {  	[sflag:s25] =	ssyncadd.s32 $0xFFFFFFD8  }
0x45: {  	[spmem:s2] =	stream.indirect.scatter.add.f32 [tilespmem:s4], [sflag:$0xB], $0x10, s16, s22, $0xb8;
	[tilespmem:$0x4100] =	vst v63  }
0x46: {  	s16 =	simm.s32 $0x2  }
0x47: {  	_ =	swait.ge [sflag:s16], $0x28  }
0x48: {  	[sflag:s16] =	ssyncset.done $0x0  }
0x49: {  	[sflag:s16] =	ssyncadd.s32 $0xFFFFFFD8  }
0x4a: {  	[spmem:s2] =	stream.indirect.scatter.add.f32 [tilespmem:s4], [sflag:$0xC], $0x10, s17, s22, $0xb8;
	[tilespmem:$0x4100] =	vst v63  }
0x4b: {  	s17 =	simm.s32 $0x3  }
0x4c: {  	_ =	swait.ge [sflag:s17], $0x28  }
0x4d: {  	[sflag:s17] =	ssyncset.done $0x0  }
0x4e: {  	[sflag:s17] =	ssyncadd.s32 $0xFFFFFFD8  }
0x4f: {  	[spmem:s2] =	stream.indirect.scatter.add.f32 [tilespmem:s4], [sflag:$0xD], $0x10, s18, s22, $0xb8;
	[tilespmem:$0x4100] =	vst v63  }
0x50: {  	s18 =	simm.s32 $0x4  }
0x51: {  	_ =	swait.ge [sflag:s18], $0x28  }
0x52: {  	[sflag:s18] =	ssyncset.done $0x0  }
0x53: {  	[sflag:s18] =	ssyncadd.s32 $0xFFFFFFD8  }
0x54: {  	[spmem:s2] =	stream.indirect.scatter.add.f32 [tilespmem:s4], [sflag:$0xE], $0x10, s19, s22, $0xb8;
	[tilespmem:$0x4100] =	vst v63  }
0x55: {  	s19 =	simm.s32 $0x5  }
0x56: {  	_ =	swait.ge [sflag:s19], $0x28  }
0x57: {  	[sflag:s19] =	ssyncset.done $0x0  }
0x58: {  	s25 =	simm.s32 $0x6;
	[sflag:s19] =	ssyncadd.s32 $0xFFFFFFD8  }
0x59: {  	[spmem:s2] =	stream.indirect.scatter.add.f32 [tilespmem:s4], [sflag:$0xF], $0x10, s20, s22, $0xb8;
	[tilespmem:$0x4100] =	vst v63  }
0x5a: {  	_ =	swait.ge [sflag:s25], $0x28  }
0x5b: {  	[sflag:s25] =	ssyncset.done $0x0  }
0x5c: {  	[sflag:s25] =	ssyncadd.s32 $0xFFFFFFD8  }
0x5d: {  	[spmem:s2] =	stream.indirect.scatter.add.f32 [tilespmem:s4], [sflag:$0x10], $0x10, s21, s22, $0xb8;
	[tilespmem:$0x4100] =	vst v63  }
0x5e: {  	_ =	swait.ge [sflag:s29], $0x28  }
0x5f: {  	[sflag:s29] =	ssyncset.done $0x0  }
0x60: {  	[sflag:s29] =	ssyncadd.s32 $0xFFFFFFD8  }
0x61: {  	[spmem:s2] =	stream.indirect.scatter.add.f32 [tilespmem:s4], [sflag:$0x11], $0x10, s23, s22, $0xb8;
	[tilespmem:$0x4100] =	vst v63  }
0x62: {  	_ =	swait.ge [sflag:s30], $0x28  }
0x63: {  	[sflag:s30] =	ssyncset.done $0x0  }
0x64: {  	[sflag:s30] =	ssyncadd.s32 $0xFFFFFFD8  }
0x65: {  	[spmem:s2] =	stream.indirect.scatter.add.f32 [tilespmem:s4], [sflag:$0x12], $0x10, s24, s22, $0xb8;
	[tilespmem:$0x4100] =	vst v63  }
0x66: {  	_ =	swait.ge [sflag:s31], $0x28  }
0x67: {  	[sflag:s31] =	ssyncset.done $0x0  }
0x68: {  	[sflag:s31] =	ssyncadd.s32 $0xFFFFFFD8  }
0x69: {  	[spmem:s2] =	stream.indirect.scatter.add.f32 [tilespmem:s4], [sflag:$0x13], $0x10, s15, s22, $0xb8;
	[tilespmem:$0x4100] =	vst v63  }
0x6a: {  	_ =	swait.ge [sflag:s0], $0x28  }
0x6b: {  	[sflag:s0] =	ssyncset.done $0x0  }
0x6c: {  	[sflag:s0] =	ssyncadd.s32 $0xFFFFFFD8  }
0x6d: {  	[spmem:s2] =	stream.indirect.scatter.add.f32 [tilespmem:s4], [sflag:$0x14], $0x10, s14, s22, $0xb8;
	[tilespmem:$0x4100] =	vst v63  }
0x6e: {  	_ =	swait.ge [sflag:s3], $0x280  }
0x6f: {  	[sflag:s3] =	ssyncset.done $0x0  }
0x70: {  	[sflag:s3] =	ssyncadd.s32 $0xFFFFFD80  }
0x71: {  	_ =	swait.ge [sflag:s1], $0x280  }
0x72: {  	[sflag:s1] =	ssyncset.done $0x0  }
0x73: {  	[sflag:s1] =	ssyncadd.s32 $0xFFFFFD80  }
0x74: {  	_ =	swait.ge [sflag:s5], $0x280  }
0x75: {  	[sflag:s5] =	ssyncset.done $0x0  }
0x76: {  	[sflag:s5] =	ssyncadd.s32 $0xFFFFFD80  }
0x77: {  	_ =	swait.ge [sflag:s7], $0x280  }
0x78: {  	[sflag:s7] =	ssyncset.done $0x0  }
0x79: {  	[sflag:s7] =	ssyncadd.s32 $0xFFFFFD80  }
0x7a: {  	_ =	swait.ge [sflag:s8], $0x280  }
0x7b: {  	[sflag:s8] =	ssyncset.done $0x0  }
0x7c: {  	[sflag:s8] =	ssyncadd.s32 $0xFFFFFD80  }
0x7d: {  	_ =	swait.ge [sflag:s6], $0x280  }
0x7e: {  	[sflag:s6] =	ssyncset.done $0x0  }
0x7f: {  	[sflag:s6] =	ssyncadd.s32 $0xFFFFFD80  }
0x80: {  	_ =	swait.ge [sflag:s9], $0x280  }
0x81: {  	[sflag:s9] =	ssyncset.done $0x0  }
0x82: {  	[sflag:s9] =	ssyncadd.s32 $0xFFFFFD80  }
0x83: {  	_ =	swait.ge [sflag:s10], $0x280  }
0x84: {  	[sflag:s10] =	ssyncset.done $0x0  }
0x85: {  	[sflag:s10] =	ssyncadd.s32 $0xFFFFFD80  }
0x86: {  	_ =	swait.ge [sflag:s11], $0x280  }
0x87: {  	[sflag:s11] =	ssyncset.done $0x0  }
0x88: {  	[sflag:s11] =	ssyncadd.s32 $0xFFFFFD80  }
0x89: {  	s13 =	simm.s32 $0x32;
	_ =	swait.ge [sflag:s12], $0x280  }
0x8a: {  	s14 =	simm.s32 $0x64;
	s15 =	rddreg [dreg:$0xd];
	[sflag:s12] =	ssyncset.done $0x0  }
.LBB2_2:
0x8b: {  	[sflag:s12] =	ssyncadd.s32 $0xFFFFFD80  }
0x8c: {  	s17 =	rddreg [dreg:$0xc];
	s15 =	sadd.s32 s13, s15;
	s19 =	simm.s32 $0x1400  }
0x8d: {  	[tilespmem:s19], [sflag:$0x1] =	stream.linear.gather [hbm4b:s15+s4], $0x28, $0x38;
	[tilespmem:$0x4100] =	vst v63  }
0x8e: {  	s18 =	rddreg [dreg:$0xb];
	s20 =	simm.s32 $0x1480;
	s21 =	sadd.s32 s13, s17  }
0x8f: {  	[tilespmem:s20], [sflag:$0x2] =	stream.linear.gather [hbm4b:s21+s4], $0x28, $0x38;
	[tilespmem:$0x4100] =	vst v63  }
0x90: {  	s23 =	rddreg [dreg:$0xa];
	s24 =	sadd.s32 s13, s18;
	s21 =	simm.s32 $0x1500  }
0x91: {  	[tilespmem:s21], [sflag:$0x3] =	stream.linear.gather [hbm4b:s24+s4], $0x28, $0x38;
	[tilespmem:$0x4100] =	vst v63  }
0x92: {  	s25 =	rddreg [dreg:$0x9];
	s24 =	sadd.s32 s13, s23;
	s23 =	simm.s32 $0x1580  }
0x93: {  	[tilespmem:s23], [sflag:$0x4] =	stream.linear.gather [hbm4b:s24+s4], $0x28, $0x38;
	[tilespmem:$0x4100] =	vst v63  }
0x94: {  	s17 =	rddreg [dreg:$0x8];
	s25 =	sadd.s32 s13, s25;
	s24 =	simm.s32 $0x1600  }
0x95: {  	[tilespmem:s24], [sflag:$0x5] =	stream.linear.gather [hbm4b:s25+s4], $0x28, $0x38;
	[tilespmem:$0x4100] =	vst v63  }
0x96: {  	s18 =	rddreg [dreg:$0x7];
	s15 =	sadd.s32 s13, s17;
	s25 =	simm.s32 $0x1680  }
0x97: {  	[tilespmem:s25], [sflag:$0x6] =	stream.linear.gather [hbm4b:s15+s4], $0x28, $0x38;
	[tilespmem:$0x4100] =	vst v63  }
0x98: {  	s17 =	rddreg [dreg:$0x6];
	s15 =	sadd.s32 s13, s18  }
0x99: {  	[tilespmem:s26], [sflag:$0x7] =	stream.linear.gather [hbm4b:s15+s4], $0x28, $0x38;
	[tilespmem:$0x4100] =	vst v63  }
0x9a: {  	s16 =	smov.u32 s14;
	s18 =	rddreg [dreg:$0x5];
	s15 =	sadd.s32 s13, s17  }
0x9b: {  	[tilespmem:s28], [sflag:$0x8] =	stream.linear.gather [hbm4b:s15+s4], $0x28, $0x38;
	[tilespmem:$0x4100] =	vst v63  }
0x9c: {  	s17 =	rddreg [dreg:$0x4];
	s15 =	sadd.s32 s13, s18;
	s18 =	simm.s32 $0x1800  }
0x9d: {  	[tilespmem:s18], [sflag:$0x9] =	stream.linear.gather [hbm4b:s15+s4], $0x28, $0x38;
	[tilespmem:$0x4100] =	vst v63  }
0x9e: {  	s17 =	sadd.s32 s13, s17;
	s13 =	smov.u32 s16;
	s16 =	simm.s32 $0x1880  }
0x9f: {  	[tilespmem:s16], [sflag:$0xA] =	stream.linear.gather [hbm4b:s17+s4], $0x28, $0x38;
	[tilespmem:$0x4100] =	vst v63  }
0xa0: {  	s17 =	simm.s32 $0x1  }
0xa1: {  	_ =	swait.ge [sflag:s17], $0x28  }
0xa2: {  	[sflag:s17] =	ssyncset.done $0x0  }
0xa3: {  	[sflag:s17] =	ssyncadd.s32 $0xFFFFFFD8  }
0xa4: {  	[spmem:s2] =	stream.indirect.scatter.add.f32 [tilespmem:s4], [sflag:$0xB], $0x10, s19, s22, $0xb8;
	[tilespmem:$0x4100] =	vst v63  }
0xa5: {  	s19 =	simm.s32 $0x2  }
0xa6: {  	_ =	swait.ge [sflag:s19], $0x28  }
0xa7: {  	[sflag:s19] =	ssyncset.done $0x0  }
0xa8: {  	[sflag:s19] =	ssyncadd.s32 $0xFFFFFFD8  }
0xa9: {  	[spmem:s2] =	stream.indirect.scatter.add.f32 [tilespmem:s4], [sflag:$0xC], $0x10, s20, s22, $0xb8;
	[tilespmem:$0x4100] =	vst v63  }
0xaa: {  	s20 =	simm.s32 $0x3  }
0xab: {  	_ =	swait.ge [sflag:s20], $0x28  }
0xac: {  	[sflag:s20] =	ssyncset.done $0x0  }
0xad: {  	[sflag:s20] =	ssyncadd.s32 $0xFFFFFFD8  }
0xae: {  	[spmem:s2] =	stream.indirect.scatter.add.f32 [tilespmem:s4], [sflag:$0xD], $0x10, s21, s22, $0xb8;
	[tilespmem:$0x4100] =	vst v63  }
0xaf: {  	s21 =	simm.s32 $0x4  }
0xb0: {  	_ =	swait.ge [sflag:s21], $0x28  }
0xb1: {  	[sflag:s21] =	ssyncset.done $0x0  }
0xb2: {  	[sflag:s21] =	ssyncadd.s32 $0xFFFFFFD8  }
0xb3: {  	[spmem:s2] =	stream.indirect.scatter.add.f32 [tilespmem:s4], [sflag:$0xE], $0x10, s23, s22, $0xb8;
	[tilespmem:$0x4100] =	vst v63  }
0xb4: {  	s23 =	simm.s32 $0x5  }
0xb5: {  	_ =	swait.ge [sflag:s23], $0x28  }
0xb6: {  	[sflag:s23] =	ssyncset.done $0x0  }
0xb7: {  	[sflag:s23] =	ssyncadd.s32 $0xFFFFFFD8  }
0xb8: {  	[spmem:s2] =	stream.indirect.scatter.add.f32 [tilespmem:s4], [sflag:$0xF], $0x10, s24, s22, $0xb8;
	[tilespmem:$0x4100] =	vst v63  }
0xb9: {  	s24 =	simm.s32 $0x6  }
0xba: {  	_ =	swait.ge [sflag:s24], $0x28  }
0xbb: {  	[sflag:s24] =	ssyncset.done $0x0  }
0xbc: {  	[sflag:s24] =	ssyncadd.s32 $0xFFFFFFD8  }
0xbd: {  	[spmem:s2] =	stream.indirect.scatter.add.f32 [tilespmem:s4], [sflag:$0x10], $0x10, s25, s22, $0xb8;
	[tilespmem:$0x4100] =	vst v63  }
0xbe: {  	_ =	swait.ge [sflag:s29], $0x28  }
0xbf: {  	[sflag:s29] =	ssyncset.done $0x0  }
0xc0: {  	[sflag:s29] =	ssyncadd.s32 $0xFFFFFFD8  }
0xc1: {  	[spmem:s2] =	stream.indirect.scatter.add.f32 [tilespmem:s4], [sflag:$0x11], $0x10, s26, s22, $0xb8;
	[tilespmem:$0x4100] =	vst v63  }
0xc2: {  	_ =	swait.ge [sflag:s30], $0x28  }
0xc3: {  	[sflag:s30] =	ssyncset.done $0x0  }
0xc4: {  	[sflag:s30] =	ssyncadd.s32 $0xFFFFFFD8  }
0xc5: {  	[spmem:s2] =	stream.indirect.scatter.add.f32 [tilespmem:s4], [sflag:$0x12], $0x10, s28, s22, $0xb8;
	[tilespmem:$0x4100] =	vst v63  }
0xc6: {  	_ =	swait.ge [sflag:s31], $0x28  }
0xc7: {  	[sflag:s31] =	ssyncset.done $0x0  }
0xc8: {  	[sflag:s31] =	ssyncadd.s32 $0xFFFFFFD8  }
0xc9: {  	[spmem:s2] =	stream.indirect.scatter.add.f32 [tilespmem:s4], [sflag:$0x13], $0x10, s18, s22, $0xb8;
	[tilespmem:$0x4100] =	vst v63  }
0xca: {  	_ =	swait.ge [sflag:s0], $0x28  }
0xcb: {  	[sflag:s0] =	ssyncset.done $0x0  }
0xcc: {  	[sflag:s0] =	ssyncadd.s32 $0xFFFFFFD8  }
0xcd: {  	[spmem:s2] =	stream.indirect.scatter.add.f32 [tilespmem:s4], [sflag:$0x14], $0x10, s16, s22, $0xb8;
	[tilespmem:$0x4100] =	vst v63  }
0xce: {  	_ =	swait.ge [sflag:s3], $0x280  }
0xcf: {  	[sflag:s3] =	ssyncset.done $0x0  }
0xd0: {  	[sflag:s3] =	ssyncadd.s32 $0xFFFFFD80  }
0xd1: {  	_ =	swait.ge [sflag:s1], $0x280  }
0xd2: {  	[sflag:s1] =	ssyncset.done $0x0  }
0xd3: {  	[sflag:s1] =	ssyncadd.s32 $0xFFFFFD80  }
0xd4: {  	_ =	swait.ge [sflag:s5], $0x280  }
0xd5: {  	[sflag:s5] =	ssyncset.done $0x0  }
0xd6: {  	[sflag:s5] =	ssyncadd.s32 $0xFFFFFD80  }
0xd7: {  	_ =	swait.ge [sflag:s7], $0x280  }
0xd8: {  	[sflag:s7] =	ssyncset.done $0x0  }
0xd9: {  	[sflag:s7] =	ssyncadd.s32 $0xFFFFFD80  }
0xda: {  	_ =	swait.ge [sflag:s8], $0x280  }
0xdb: {  	[sflag:s8] =	ssyncset.done $0x0  }
0xdc: {  	[sflag:s8] =	ssyncadd.s32 $0xFFFFFD80  }
0xdd: {  	_ =	swait.ge [sflag:s6], $0x280  }
0xde: {  	[sflag:s6] =	ssyncset.done $0x0  }
0xdf: {  	[sflag:s6] =	ssyncadd.s32 $0xFFFFFD80  }
0xe0: {  	_ =	swait.ge [sflag:s9], $0x280  }
0xe1: {  	[sflag:s9] =	ssyncset.done $0x0  }
0xe2: {  	[sflag:s9] =	ssyncadd.s32 $0xFFFFFD80  }
0xe3: {  	_ =	swait.ge [sflag:s10], $0x280  }
0xe4: {  	[sflag:s10] =	ssyncset.done $0x0  }
0xe5: {  	p0 =	sne.s32 s14, $0x4B0;
	[sflag:s10] =	ssyncadd.s32 $0xFFFFFD80  }
.Ltmp0:
0xe6: {  	_ =	swait.ge [sflag:s11], $0x280;
	(pc) =	sbr.rel @p0 .LBB2_2-.Ltmp0, $4  }
0xe7: {  	[sflag:s11] =	ssyncset.done $0x0  }
0xe8: {  	[sflag:s11] =	ssyncadd.s32 $0xFFFFFD80  }
0xe9: {  	_ =	swait.ge [sflag:s12], $0x280  }
0xea: {  	s14 =	sadd.s32 $0x32, s14;
	s15 =	rddreg [dreg:$0xd];
	[sflag:s12] =	ssyncset.done $0x0  }
0xeb: {  	s14 =	rddreg [dreg:$0xc]  }
0xec: {  	[sflag:s12] =	ssyncadd.s32 $0xFFFFFD80;
	s15 =	sadd.s32 s13, s15;
	s16 =	simm.s32 $0x1400  }
0xed: {  	[tilespmem:s16], [sflag:$0x1] =	stream.linear.gather [hbm4b:s15+s4], $0x28, $0x38;
	[tilespmem:$0x4100] =	vst v63  }
0xee: {  	s18 =	rddreg [dreg:$0xb];
	s17 =	simm.s32 $0x1480;
	s14 =	sadd.s32 s13, s14  }
0xef: {  	[tilespmem:s17], [sflag:$0x2] =	stream.linear.gather [hbm4b:s14+s4], $0x28, $0x38;
	[tilespmem:$0x4100] =	vst v63  }
0xf0: {  	s19 =	rddreg [dreg:$0xa];
	s15 =	sadd.s32 s13, s18;
	s18 =	simm.s32 $0x1500  }
0xf1: {  	[tilespmem:s18], [sflag:$0x3] =	stream.linear.gather [hbm4b:s15+s4], $0x28, $0x38;
	[tilespmem:$0x4100] =	vst v63  }
0xf2: {  	s20 =	rddreg [dreg:$0x9];
	s14 =	sadd.s32 s13, s19;
	s19 =	simm.s32 $0x1580  }
0xf3: {  	[tilespmem:s19], [sflag:$0x4] =	stream.linear.gather [hbm4b:s14+s4], $0x28, $0x38;
	[tilespmem:$0x4100] =	vst v63  }
0xf4: {  	s21 =	rddreg [dreg:$0x8];
	s15 =	sadd.s32 s13, s20;
	s20 =	simm.s32 $0x1600  }
0xf5: {  	[tilespmem:s20], [sflag:$0x5] =	stream.linear.gather [hbm4b:s15+s4], $0x28, $0x38;
	[tilespmem:$0x4100] =	vst v63  }
0xf6: {  	s23 =	rddreg [dreg:$0x7];
	s14 =	sadd.s32 s13, s21;
	s21 =	simm.s32 $0x1680  }
0xf7: {  	[tilespmem:s21], [sflag:$0x6] =	stream.linear.gather [hbm4b:s14+s4], $0x28, $0x38;
	[tilespmem:$0x4100] =	vst v63  }
0xf8: {  	s24 =	rddreg [dreg:$0x6];
	s15 =	sadd.s32 s13, s23;
	s23 =	simm.s32 $0x1700  }
0xf9: {  	[tilespmem:s23], [sflag:$0x7] =	stream.linear.gather [hbm4b:s15+s4], $0x28, $0x38;
	[tilespmem:$0x4100] =	vst v63  }
0xfa: {  	s25 =	rddreg [dreg:$0x5];
	s14 =	sadd.s32 s13, s24;
	s24 =	simm.s32 $0x1780  }
0xfb: {  	[tilespmem:s24], [sflag:$0x8] =	stream.linear.gather [hbm4b:s14+s4], $0x28, $0x38;
	[tilespmem:$0x4100] =	vst v63  }
0xfc: {  	s15 =	sadd.s32 s13, s25;
	s25 =	simm.s32 $0x1800;
	s14 =	rddreg [dreg:$0x4]  }
0xfd: {  	[tilespmem:s25], [sflag:$0x9] =	stream.linear.gather [hbm4b:s15+s4], $0x28, $0x38;
	[tilespmem:$0x4100] =	vst v63  }
0xfe: {  	s15 =	sadd.s32 s13, s14;
	s14 =	simm.s32 $0x1880  }
0xff: {  	[tilespmem:s14], [sflag:$0xA] =	stream.linear.gather [hbm4b:s15+s4], $0x28, $0x38;
	[tilespmem:$0x4100] =	vst v63  }
0x100: {  	s15 =	simm.s32 $0x1  }
0x101: {  	_ =	swait.ge [sflag:s15], $0x28  }
0x102: {  	[sflag:s15] =	ssyncset.done $0x0  }
0x103: {  	[sflag:s15] =	ssyncadd.s32 $0xFFFFFFD8  }
0x104: {  	[spmem:s2] =	stream.indirect.scatter.add.f32 [tilespmem:s4], [sflag:$0xB], $0x10, s16, s22, $0xb8;
	[tilespmem:$0x4100] =	vst v63  }
0x105: {  	s16 =	simm.s32 $0x2  }
0x106: {  	_ =	swait.ge [sflag:s16], $0x28  }
0x107: {  	[sflag:s16] =	ssyncset.done $0x0  }
0x108: {  	[sflag:s16] =	ssyncadd.s32 $0xFFFFFFD8  }
0x109: {  	[spmem:s2] =	stream.indirect.scatter.add.f32 [tilespmem:s4], [sflag:$0xC], $0x10, s17, s22, $0xb8;
	[tilespmem:$0x4100] =	vst v63  }
0x10a: {  	s17 =	simm.s32 $0x3  }
0x10b: {  	_ =	swait.ge [sflag:s17], $0x28  }
0x10c: {  	[sflag:s17] =	ssyncset.done $0x0  }
0x10d: {  	[sflag:s17] =	ssyncadd.s32 $0xFFFFFFD8  }
0x10e: {  	[spmem:s2] =	stream.indirect.scatter.add.f32 [tilespmem:s4], [sflag:$0xD], $0x10, s18, s22, $0xb8;
	[tilespmem:$0x4100] =	vst v63  }
0x10f: {  	s18 =	simm.s32 $0x4  }
0x110: {  	_ =	swait.ge [sflag:s18], $0x28  }
0x111: {  	[sflag:s18] =	ssyncset.done $0x0  }
0x112: {  	[sflag:s18] =	ssyncadd.s32 $0xFFFFFFD8  }
0x113: {  	[spmem:s2] =	stream.indirect.scatter.add.f32 [tilespmem:s4], [sflag:$0xE], $0x10, s19, s22, $0xb8;
	[tilespmem:$0x4100] =	vst v63  }
0x114: {  	s19 =	simm.s32 $0x5  }
0x115: {  	_ =	swait.ge [sflag:s19], $0x28  }
0x116: {  	[sflag:s19] =	ssyncset.done $0x0  }
0x117: {  	[sflag:s19] =	ssyncadd.s32 $0xFFFFFFD8  }
0x118: {  	[spmem:s2] =	stream.indirect.scatter.add.f32 [tilespmem:s4], [sflag:$0xF], $0x10, s20, s22, $0xb8;
	[tilespmem:$0x4100] =	vst v63  }
0x119: {  	s20 =	simm.s32 $0x6  }
0x11a: {  	_ =	swait.ge [sflag:s20], $0x28  }
0x11b: {  	[sflag:s20] =	ssyncset.done $0x0  }
0x11c: {  	[sflag:s20] =	ssyncadd.s32 $0xFFFFFFD8  }
0x11d: {  	[spmem:s2] =	stream.indirect.scatter.add.f32 [tilespmem:s4], [sflag:$0x10], $0x10, s21, s22, $0xb8;
	[tilespmem:$0x4100] =	vst v63  }
0x11e: {  	_ =	swait.ge [sflag:s29], $0x28  }
0x11f: {  	[sflag:s29] =	ssyncset.done $0x0  }
0x120: {  	[sflag:s29] =	ssyncadd.s32 $0xFFFFFFD8  }
0x121: {  	[spmem:s2] =	stream.indirect.scatter.add.f32 [tilespmem:s4], [sflag:$0x11], $0x10, s23, s22, $0xb8;
	[tilespmem:$0x4100] =	vst v63  }
0x122: {  	_ =	swait.ge [sflag:s30], $0x28  }
0x123: {  	[sflag:s30] =	ssyncset.done $0x0  }
0x124: {  	[sflag:s30] =	ssyncadd.s32 $0xFFFFFFD8  }
0x125: {  	[spmem:s2] =	stream.indirect.scatter.add.f32 [tilespmem:s4], [sflag:$0x12], $0x10, s24, s22, $0xb8;
	[tilespmem:$0x4100] =	vst v63  }
0x126: {  	_ =	swait.ge [sflag:s31], $0x28  }
0x127: {  	[sflag:s31] =	ssyncset.done $0x0  }
0x128: {  	[sflag:s31] =	ssyncadd.s32 $0xFFFFFFD8  }
0x129: {  	[spmem:s2] =	stream.indirect.scatter.add.f32 [tilespmem:s4], [sflag:$0x13], $0x10, s25, s22, $0xb8;
	[tilespmem:$0x4100] =	vst v63  }
0x12a: {  	_ =	swait.ge [sflag:s0], $0x28  }
0x12b: {  	[sflag:s0] =	ssyncset.done $0x0  }
0x12c: {  	[sflag:s0] =	ssyncadd.s32 $0xFFFFFFD8  }
0x12d: {  	[spmem:s2] =	stream.indirect.scatter.add.f32 [tilespmem:s4], [sflag:$0x14], $0x10, s14, s22, $0xb8;
	[tilespmem:$0x4100] =	vst v63  }
0x12e: {  	_ =	swait.ge [sflag:s3], $0x280  }
0x12f: {  	[sflag:s3] =	ssyncset.done $0x0  }
0x130: {  	[sflag:s3] =	ssyncadd.s32 $0xFFFFFD80  }
0x131: {  	_ =	swait.ge [sflag:s1], $0x280  }
0x132: {  	[sflag:s1] =	ssyncset.done $0x0  }
0x133: {  	[sflag:s1] =	ssyncadd.s32 $0xFFFFFD80  }
0x134: {  	_ =	swait.ge [sflag:s5], $0x280  }
0x135: {  	[sflag:s5] =	ssyncset.done $0x0  }
0x136: {  	[sflag:s5] =	ssyncadd.s32 $0xFFFFFD80  }
0x137: {  	_ =	swait.ge [sflag:s7], $0x280  }
0x138: {  	[sflag:s7] =	ssyncset.done $0x0  }
0x139: {  	[sflag:s7] =	ssyncadd.s32 $0xFFFFFD80  }
0x13a: {  	_ =	swait.ge [sflag:s8], $0x280  }
0x13b: {  	[sflag:s8] =	ssyncset.done $0x0  }
0x13c: {  	[sflag:s8] =	ssyncadd.s32 $0xFFFFFD80  }
0x13d: {  	_ =	swait.ge [sflag:s6], $0x280  }
0x13e: {  	[sflag:s6] =	ssyncset.done $0x0  }
0x13f: {  	[sflag:s6] =	ssyncadd.s32 $0xFFFFFD80  }
0x140: {  	_ =	swait.ge [sflag:s9], $0x280  }
0x141: {  	[sflag:s9] =	ssyncset.done $0x0  }
0x142: {  	[sflag:s9] =	ssyncadd.s32 $0xFFFFFD80  }
0x143: {  	_ =	swait.ge [sflag:s10], $0x280  }
0x144: {  	[sflag:s10] =	ssyncset.done $0x0  }
0x145: {  	[sflag:s10] =	ssyncadd.s32 $0xFFFFFD80  }
0x146: {  	_ =	swait.ge [sflag:s11], $0x280  }
0x147: {  	[sflag:s11] =	ssyncset.done $0x0  }
0x148: {  	[sflag:s11] =	ssyncadd.s32 $0xFFFFFD80  }
0x149: {  	_ =	swait.ge [sflag:s12], $0x280  }
0x14a: {  	[sflag:s12] =	ssyncset.done $0x0  }
0x14b: {  	[sflag:s12] =	ssyncadd.s32 $0xFFFFFD80  }
0x14c: {  	[bflag:$0x0] =	sbarrier.arrive $0xFFFF  }
0x14d: {  	s14 =	rddreg [dreg:$0xf]  }
0x14e: {  	s23 =	rddreg [dreg:$0x10]  }
0x14f: {  	s16 =	simm.s32 $0x15;
	s15 =	rddreg [dreg:$0x12]  }
0x150: {  	[hbm:s23], [sflag:s14] =	dma.local [spmem:s15], $0x2800  }
0x151: {  	_ =	swait.ge [sflag:s16], $0x2800  }
0x152: {  	s24 =	rddreg [dreg:$0x13]  }
0x153: {  	s25 =	rddreg [dreg:$0x11];
	s17 =	sadd.s32 $0x1, s24  }
0x154: {  	p0 =	sne.s32 s17, s25  }
.Ltmp1:
0x155: {  	_ = 	snop;
	(pc) =	sbr.rel @p0 .LBB2_1-.Ltmp1, $3  }
0x156: {  	_ =	sdelay $0x1  }
0x157: {  	[sflag:s16] =	ssyncset.done $0x0  }
0x158: {  	[sflag:s16] =	ssyncadd.s32 $0xFFFFD800  }
0x159: {  	_ =	sfence.sel $0x180000  }
0x15a: {  	[bflag:$0x0] =	sbarrier.arrive $0xFFFF  }
0x15b: {  	_ =	strace $0x90000047  }
0x15c: {  	s0 =	stileid.u32;
	[bflag:$0x2] =	sbarrier.arrive $0xFFFF  }
0x15d: {  	p0 =	sne.s32 s0, $0x0;
	s0 =	rddreg [dreg:$0x3]  }
0x15e: {  	s0 =	sadd.s32 @!p0 $0x100000, s0  }
0x15f: {  	[sflag:s0] =	ssyncadd.tile.s32 @!p0 $0x1;
	_ =	shalt  }
.Lfunc_end2:
_tile_overlayer_lowered:
.L_overlay_start_2:
0x160: {  	(tag) =	ssettag $0x2  }
0x161: {  	s0 =	rddreg [dreg:$0x0];
	s2 =	stileid.u32  }
0x162: {  	s1 =	rddreg [dreg:$0x1];
	p0 =	sne.s32 s2, $0x0  }
0x163: {  	s3 =	rddreg [dreg:$0x2];
	[bflag:$0x3] =	sbarrier.arrive $0xFFFF;
	s2 =	simm.s32 @!p0 $0x1C15  }
0x164: {  	[timem:s3], [sflag:s2] =	dma.local @!p0 [hbm:s0], s1  }
0x165: {  	s0 =	simm.s32 @!p0 $0x15  }
0x166: {  	_ =	swait.ge @!p0 [sflag:s0], s1  }
0x167: {  	s1 =	ssub.s32 @!p0 $0x0, s1;
	[sflag:s0] =	ssyncset.done @!p0 $0x0  }
0x168: {  	[sflag:s0] =	ssyncadd.s32 @!p0 s1  }
0x169: {  	[bflag:$0x3] =	sbarrier.arrive $0xFFFF  }
0x16a: {  	_ =	shalt  }

</sc_bundles>
